<compile_context>
chip_gen: v7x
topology: tpu7x:2x2x1
jax: 0.10.2.dev20260603
libtpu: 0.0.44.dev20260713+nightly
codegen_flags: <defaults>
</compile_context>

<pallas_src>
import functools

import jax
import jax.numpy as jnp
from jax import lax
from jax.experimental import pallas as pl
from jax.experimental.pallas import tpu as pltpu
from jax.experimental.pallas import tpu_sc as plsc

N = 10000
E = 320000
D = 128
DH = D // 2
NC = 2
NS = 16
ECH = 125
NCH2 = (E // NS) // ECH
NCH = NCH2 // 2
WBCH = 125
WBOPS = (N // NS) // WBCH

_MESH = plsc.VectorSubcoreMesh(core_axis_name="c", subcore_axis_name="s")
_SC_PARAMS = pltpu.CompilerParams(use_tc_tiling_on_sc=False)



@functools.partial(
    pl.kernel,
    mesh=_MESH,
    compiler_params=_SC_PARAMS,
    out_type=jax.ShapeDtypeStruct((NC, N), jnp.float32),
    scratch_types=[
        pltpu.VMEM((NCH2, ECH), jnp.int32),
        pltpu.VMEM((128,), jnp.float32),
        pltpu.VMEM_SHARED((N,), jnp.float32),
    ],
)
def _deg_kernel(dstw_hbm, zeros_hbm, out_hbm, idx_v, ones_v, acc):
    c = lax.axis_index("c")
    s = lax.axis_index("s")
    for i in range(8):
        ones_v[pl.ds(i * 16, 16)] = jnp.ones((16,), jnp.float32)

    @pl.when(s == 0)
    def _():
        pltpu.sync_copy(zeros_hbm, acc)

    pltpu.sync_copy(dstw_hbm.at[s], idx_v)
    plsc.subcore_barrier()

    base = c * NCH

    def body(j, carry):
        pltpu.sync_copy(ones_v.at[pl.ds(0, ECH)], acc.at[idx_v.at[base + j]],
                        add=True)
        return carry

    lax.fori_loop(0, NCH, body, 0)
    plsc.subcore_barrier()

    @pl.when(s == 0)
    def _():
        pltpu.sync_copy(acc, out_hbm.at[c])


@functools.partial(
    pl.kernel,
    mesh=_MESH,
    compiler_params=_SC_PARAMS,
    out_type=jax.ShapeDtypeStruct((2 * N, DH), jnp.float32),
    scratch_types=[
        pltpu.VMEM((NCH2, ECH), jnp.int32),
        pltpu.VMEM((NCH2, ECH), jnp.int32),
        pltpu.VMEM((WBOPS, WBCH), jnp.int32),
        [pltpu.VMEM((ECH, DH), jnp.float32) for _ in range(4)],
        [pltpu.SemaphoreType.DMA for _ in range(4)],
        [pltpu.SemaphoreType.DMA for _ in range(4)],
        pltpu.VMEM_SHARED((N, DH), jnp.float32),
    ],
)
def _agg_kernel(hp2n_hbm, srca_hbm, srcb_hbm, dstw_hbm, wb_hbm,
                out_hbm,
                src_v, dst_v, wb_v, rows, gsem, ssem, acc):
    c = lax.axis_index("c")
    s = lax.axis_index("s")

    @pl.when(c == 0)
    def _():
        pltpu.sync_copy(srca_hbm.at[s], src_v)

    @pl.when(c == 1)
    def _():
        pltpu.sync_copy(srcb_hbm.at[s], src_v)

    pltpu.sync_copy(dstw_hbm.at[s], dst_v)
    pltpu.sync_copy(wb_hbm.at[(c * NS + s)], wb_v)

    z16 = jnp.zeros((16,), jnp.float32)

    def zbody(r, carry):
        for l in range(DH // 16):
            rows[0][r, pl.ds(l * 16, 16)] = z16
        return carry

    lax.fori_loop(0, WBCH, zbody, 0)
    for k in range(WBOPS):
        pltpu.sync_copy(rows[0],
                        acc.at[pl.ds(s * (WBOPS * WBCH) + k * WBCH, WBCH)])
    plsc.subcore_barrier()

    def run_phase():
        hp_hbm = hp2n_hbm
        pltpu.async_copy(hp_hbm.at[src_v.at[0]], rows[0], gsem[0])
        pltpu.async_copy(hp_hbm.at[src_v.at[1]], rows[1], gsem[1])

        def body(i, carry):
            j4 = 4 * i
            for b in range(4):
                j = j4 + b
                bn = (b + 2) % 4
                pltpu.make_async_copy(hp_hbm.at[src_v.at[j]], rows[b],
                                      gsem[b]).wait()
                pltpu.async_copy(rows[b], acc.at[dst_v.at[j]], ssem[b],
                                 add=True)

                @pl.when(j + 2 < NCH2)
                def _():
                    @pl.when(j >= 2)
                    def _():
                        pltpu.make_async_copy(
                            rows[bn], acc.at[dst_v.at[j - 2]], ssem[bn]).wait()
                    pltpu.async_copy(hp_hbm.at[src_v.at[j + 2]], rows[bn],
                                     gsem[bn])
            return carry

        lax.fori_loop(0, NCH2 // 4, body, 0)
        for j in range(NCH2 - 4, NCH2):
            pltpu.make_async_copy(rows[j % 4], acc.at[dst_v.at[j]],
                                  ssem[j % 4]).wait()
        plsc.subcore_barrier()
        for k in range(WBOPS):
            pltpu.sync_copy(acc.at[pl.ds(s * (WBOPS * WBCH) + k * WBCH, WBCH)],
                            rows[k % 2])
            pltpu.sync_copy(rows[k % 2], out_hbm.at[wb_v.at[k]])

    run_phase()



BN = 2000


def _ln_in(t, g, b):
    m = jnp.mean(t, axis=-1, keepdims=True)
    v = jnp.mean((t - m) * (t - m), axis=-1, keepdims=True)
    return (t - m) * lax.rsqrt(v + 1e-5) * g + b


def _silu(t):
    return t * jax.nn.sigmoid(t)


_ROW = lambda d: pl.BlockSpec((BN, d), lambda i: (i, 0))
_VEC = lambda d: pl.BlockSpec((1, d), lambda i: (0, 0))
_FULL = lambda a, b: pl.BlockSpec((a, b), lambda i: (0, 0))


def _mm(x, W):
    def body(x_ref, w_ref, out_ref):
        out_ref[...] = jnp.dot(x_ref[...], w_ref[...],
                               preferred_element_type=jnp.float32)
    return pl.pallas_call(
        body,
        grid=(N // BN,),
        in_specs=[_ROW(D), _FULL(D, D)],
        out_specs=_ROW(D),
        out_shape=jax.ShapeDtypeStruct((N, D), jnp.float32),
    )(x, W)


def _stage(agg_in, h, dinv_col, b, g, be, x, W_next):
    def body(agg_ref, h_ref, dinv_ref, b_ref, g_ref,
             be_ref, x_ref, w_ref, x1_ref, h2_ref):
        agg = agg_ref[...]
        d = dinv_ref[...]
        t = (agg + h_ref[...] * d) * d + b_ref[...]
        t = _silu(t)
        x1 = _ln_in(t, g_ref[...], be_ref[...]) + x_ref[...]
        x1_ref[...] = x1
        h2_ref[...] = jnp.dot(x1, w_ref[...],
                              preferred_element_type=jnp.float32) * d

    return pl.pallas_call(
        body,
        grid=(N // BN,),
        in_specs=[_ROW(D), _ROW(D), _ROW(1),
                  _VEC(D), _VEC(D), _VEC(D), _ROW(D), _FULL(D, D)],
        out_specs=[_ROW(D), _ROW(D)],
        out_shape=[
            jax.ShapeDtypeStruct((N, D), jnp.float32),
            jax.ShapeDtypeStruct((N, D), jnp.float32),
        ],
    )(agg_in, h, dinv_col, b, g, be, x, W_next)


def _final(agg_in, h, dinv_col, b, g, be, x,
           cg0, cb0, w1, b1, g1, be1, w2, b2, g2, be2, w3, b3, labels):
    def body(agg_ref, h_ref, dinv_ref, b_ref, g_ref,
             be_ref, x_ref,
             cg0_ref, cb0_ref, w1_ref, b1_ref, g1_ref, be1_ref,
             w2_ref, b2_ref, g2_ref, be2_ref, w3_ref, b3_ref, lab_ref,
             logits_ref, preds_ref, loss_ref, tp_ref, fp_ref, tn_ref, fn_ref):
        agg = agg_ref[...]
        d = dinv_ref[...]
        t = (agg + h_ref[...]) * d + b_ref[...]
        t = _silu(t)
        x2 = _ln_in(t, g_ref[...], be_ref[...]) + x_ref[...]
        z = _ln_in(x2, cg0_ref[...], cb0_ref[...])
        z = _silu(jnp.dot(z, w1_ref[...], preferred_element_type=jnp.float32)
                  + b1_ref[...])
        z = _ln_in(z, g1_ref[...], be1_ref[...])
        z = _silu(jnp.dot(z, w2_ref[...], preferred_element_type=jnp.float32)
                  + b2_ref[...])
        z = _ln_in(z, g2_ref[...], be2_ref[...])
        logits = jnp.dot(z, w3_ref[...], preferred_element_type=jnp.float32) + b3_ref[...]
        logits_ref[...] = logits

        m = jnp.max(logits, axis=-1, keepdims=True)
        lse = m + jnp.log(jnp.sum(jnp.exp(logits - m), axis=-1, keepdims=True))
        lab = lab_ref[...]
        iot = lax.broadcasted_iota(jnp.int32, logits.shape, 1)
        picked = jnp.sum(jnp.where(iot == lab, logits, 0.0), axis=-1, keepdims=True)
        l0 = jnp.sum(jnp.where(iot == 0, logits, 0.0), axis=-1, keepdims=True)
        l1 = jnp.sum(jnp.where(iot == 1, logits, 0.0), axis=-1, keepdims=True)
        pred = jnp.where(l1 > l0, 1, 0).astype(jnp.int32)
        preds_ref[...] = pred

        p0 = pred == 0
        y0 = lab == 0
        red = lambda a: jnp.sum(a, axis=(0, 1), keepdims=True)
        loss_blk = red(lse - picked)
        tp_blk = red((p0 & y0).astype(jnp.int32))
        fp_blk = red((p0 & (~y0)).astype(jnp.int32))
        tn_blk = red(((~p0) & (~y0)).astype(jnp.int32))
        fn_blk = red(((~p0) & y0).astype(jnp.int32))

        @pl.when(pl.program_id(0) == 0)
        def _():
            loss_ref[...] = jnp.zeros((1, 1), jnp.float32)
            tp_ref[...] = jnp.zeros((1, 1), jnp.int32)
            fp_ref[...] = jnp.zeros((1, 1), jnp.int32)
            tn_ref[...] = jnp.zeros((1, 1), jnp.int32)
            fn_ref[...] = jnp.zeros((1, 1), jnp.int32)

        loss_ref[...] = loss_ref[...] + loss_blk
        tp_ref[...] = tp_ref[...] + tp_blk
        fp_ref[...] = fp_ref[...] + fp_blk
        tn_ref[...] = tn_ref[...] + tn_blk
        fn_ref[...] = fn_ref[...] + fn_blk

    scl = pl.BlockSpec((1, 1), lambda i: (0, 0))
    return pl.pallas_call(
        body,
        grid=(N // BN,),
        in_specs=[_ROW(D), _ROW(D), _ROW(1),
                  _VEC(D), _VEC(D), _VEC(D), _ROW(D),
                  _VEC(D), _VEC(D),
                  _FULL(D, 32), _VEC(32), _VEC(32), _VEC(32),
                  _FULL(32, 8), _VEC(8), _VEC(8), _VEC(8),
                  _FULL(8, 2), _VEC(2),
                  _ROW(1)],
        out_specs=[_ROW(2), _ROW(1), scl, scl, scl, scl, scl],
        out_shape=[
            jax.ShapeDtypeStruct((N, 2), jnp.float32),
            jax.ShapeDtypeStruct((N, 1), jnp.int32),
            jax.ShapeDtypeStruct((1, 1), jnp.float32),
            jax.ShapeDtypeStruct((1, 1), jnp.int32),
            jax.ShapeDtypeStruct((1, 1), jnp.int32),
            jax.ShapeDtypeStruct((1, 1), jnp.int32),
            jax.ShapeDtypeStruct((1, 1), jnp.int32),
        ],
    )(agg_in, h, dinv_col, b, g, be, x, cg0, cb0, w1, b1, g1, be1,
      w2, b2, g2, be2, w3, b3, labels)



def kernel(x, edge_index, batch, denoising_label,
           W_g1, b_g1, ln1_g, ln1_b, W_g2, b_g2, ln2_g, ln2_b,
           cls_ln0_g, cls_ln0_b, cls_W1, cls_b1, cls_ln1_g, cls_ln1_b,
           cls_W2, cls_b2, cls_ln2_g, cls_ln2_b, cls_W3, cls_b3):
    src = edge_index[0]
    dst = edge_index[1]
    srca = (src * 2).reshape(NS, NCH2, ECH)
    srcb = (src * 2 + 1).reshape(NS, NCH2, ECH)
    dstw = dst.reshape(NS, NCH2, ECH)
    zeros_n = jnp.zeros((N,), jnp.float32)
    rows_ids = jnp.arange(N, dtype=jnp.int32).reshape(NS, WBOPS, WBCH)
    wb = jnp.stack([2 * rows_ids, 2 * rows_ids + 1])
    wb = wb.reshape(NC * NS, WBOPS, WBCH)

    h1 = _mm(x, W_g1)
    degp = _deg_kernel(dstw, zeros_n)
    dinv_col = lax.rsqrt(degp[0] + degp[1] + 1.0)[:, None]

    hp1 = (h1 * dinv_col).reshape(2 * N, DH)
    agg1 = _agg_kernel(hp1, srca, srcb, dstw, wb).reshape(N, D)
    x1, h2s = _stage(agg1, h1, dinv_col, b_g1[None, :],
                     ln1_g[None, :], ln1_b[None, :], x, W_g2)
    hp2 = h2s.reshape(2 * N, DH)
    agg2 = _agg_kernel(hp2, srca, srcb, dstw, wb).reshape(N, D)

    logits, preds2, loss_sum, tp2, fp2, tn2, fn2 = _final(
        agg2, h2s, dinv_col, b_g2[None, :], ln2_g[None, :],
        ln2_b[None, :], x1,
        cls_ln0_g[None, :], cls_ln0_b[None, :],
        cls_W1, cls_b1[None, :], cls_ln1_g[None, :], cls_ln1_b[None, :],
        cls_W2, cls_b2[None, :], cls_ln2_g[None, :], cls_ln2_b[None, :],
        cls_W3, cls_b3[None, :],
        denoising_label.astype(jnp.int32)[:, None])

    loss = loss_sum[0, 0] / jnp.float32(N)
    tp = tp2[0, 0]
    fp = fp2[0, 0]
    tn = tn2[0, 0]
    fn = fn2[0, 0]
    total = tp + fp + tn + fn
    acc = (tp + tn) / total
    eps = jnp.finfo(jnp.float32).eps
    snr = 10.0 * jnp.log10(tp.astype(jnp.float32) / (fp.astype(jnp.float32) + eps) + eps)
    recall = tp.astype(jnp.float32) / (tp.astype(jnp.float32) + fn.astype(jnp.float32) + eps)
    valid_snr = jnp.where(recall < 0.2, jnp.float32(-100.0), snr)
    preds = preds2[:, 0]
    return (loss, acc, logits, preds, snr, recall, valid_snr, tp, fp, fn, tn)

# --- scband reference (transcript-rebuilt; emitter-appended) ---
"""Pipeline reference for scband-denoising-header-77884936946216 (READ-ONLY COPY).

The authoritative reference and input builder live on the scoring server;
editing this copy changes nothing except your own understanding.
"""

import jax, jax.numpy as jnp
import numpy as np

N = 10000
E = 320000
D = 128
H1 = 32
H2 = 8
C = 2


def _ln(x, g, b, eps=1e-5):
    m = jnp.mean(x, axis=-1, keepdims=True)
    v = jnp.var(x, axis=-1, keepdims=True)
    return (x - m) / jnp.sqrt(v + eps) * g + b


def _silu(x):
    return x * jax.nn.sigmoid(x)


def _gcn(x, src, dst, W, b, n):
    # PyG GCNConv: add self-loops, symmetric normalization, scatter-add aggregation
    loop = jnp.arange(n, dtype=src.dtype)
    s = jnp.concatenate([src, loop])
    d = jnp.concatenate([dst, loop])
    deg = jnp.zeros((n,), dtype=jnp.float32).at[d].add(1.0)
    dinv = jax.lax.rsqrt(jnp.maximum(deg, 1.0))
    norm = dinv[s] * dinv[d]
    h = x @ W
    out = jnp.zeros((n, W.shape[1]), dtype=x.dtype).at[d].add(h[s] * norm[:, None])
    return out + b


def setup_inputs(seed: int = 0):
    key = jax.random.key(seed)
    ks = jax.random.split(key, 24)
    def lin(k, fi, fo):
        return jax.random.normal(k, (fi, fo), dtype=jnp.float32) * (1.0 / np.sqrt(fi))
    inp = {}
    inp['x'] = jax.random.normal(ks[0], (N, D), dtype=jnp.float32)
    inp['edge_index'] = jax.random.randint(ks[1], (2, E), 0, N, dtype=jnp.int32)
    inp['batch'] = jnp.zeros((N,), dtype=jnp.int32)
    inp['denoising_label'] = jax.random.randint(ks[2], (N,), 0, 2, dtype=jnp.int32)
    inp['W_g1'] = lin(ks[3], D, D)
    inp['b_g1'] = jnp.zeros((D,), jnp.float32)
    inp['ln1_g'] = jnp.ones((D,), jnp.float32)
    inp['ln1_b'] = jnp.zeros((D,), jnp.float32)
    inp['W_g2'] = lin(ks[4], D, D)
    inp['b_g2'] = jnp.zeros((D,), jnp.float32)
    inp['ln2_g'] = jnp.ones((D,), jnp.float32)
    inp['ln2_b'] = jnp.zeros((D,), jnp.float32)
    inp['cls_ln0_g'] = jnp.ones((D,), jnp.float32)
    inp['cls_ln0_b'] = jnp.zeros((D,), jnp.float32)
    inp['cls_W1'] = lin(ks[5], D, H1)
    inp['cls_b1'] = jnp.zeros((H1,), jnp.float32)
    inp['cls_ln1_g'] = jnp.ones((H1,), jnp.float32)
    inp['cls_ln1_b'] = jnp.zeros((H1,), jnp.float32)
    inp['cls_W2'] = lin(ks[6], H1, H2)
    inp['cls_b2'] = jnp.zeros((H2,), jnp.float32)
    inp['cls_ln2_g'] = jnp.ones((H2,), jnp.float32)
    inp['cls_ln2_b'] = jnp.zeros((H2,), jnp.float32)
    inp['cls_W3'] = lin(ks[7], H2, C)
    inp['cls_b3'] = jnp.zeros((C,), jnp.float32)
    return inp


def _forward_logits(x, edge_index, W_g1, b_g1, ln1_g, ln1_b, W_g2, b_g2, ln2_g, ln2_b,
                    cls_ln0_g, cls_ln0_b, cls_W1, cls_b1, cls_ln1_g, cls_ln1_b,
                    cls_W2, cls_b2, cls_ln2_g, cls_ln2_b, cls_W3, cls_b3):
    src, dst = edge_index[0], edge_index[1]
    n = x.shape[0]
    # stage 1: GCN -> SiLU -> LayerNorm (dropout=identity at eval) + identity skip
    h = _gcn(x, src, dst, W_g1, b_g1, n)
    h = _ln(_silu(h), ln1_g, ln1_b)
    x = h + x
    # stage 2
    h = _gcn(x, src, dst, W_g2, b_g2, n)
    h = _ln(_silu(h), ln2_g, ln2_b)
    x = h + x
    # classifier (hidden_dims from get_power_of_2_hidden_dims(128,2,3) = [32, 8])
    z = _ln(x, cls_ln0_g, cls_ln0_b)
    z = _silu(z @ cls_W1 + cls_b1)
    z = _ln(z, cls_ln1_g, cls_ln1_b)
    z = _silu(z @ cls_W2 + cls_b2)
    z = _ln(z, cls_ln2_g, cls_ln2_b)
    logits = z @ cls_W3 + cls_b3
    return logits


def reference(x, edge_index, batch, denoising_label,
              W_g1, b_g1, ln1_g, ln1_b, W_g2, b_g2, ln2_g, ln2_b,
              cls_ln0_g, cls_ln0_b, cls_W1, cls_b1, cls_ln1_g, cls_ln1_b,
              cls_W2, cls_b2, cls_ln2_g, cls_ln2_b, cls_W3, cls_b3):
    logits = _forward_logits(x, edge_index, W_g1, b_g1, ln1_g, ln1_b, W_g2, b_g2, ln2_g, ln2_b,
                             cls_ln0_g, cls_ln0_b, cls_W1, cls_b1, cls_ln1_g, cls_ln1_b,
                             cls_W2, cls_b2, cls_ln2_g, cls_ln2_b, cls_W3, cls_b3)
    labels = denoising_label.astype(jnp.int32)
    logp = jax.nn.log_softmax(logits, axis=-1)
    loss = -jnp.mean(jnp.take_along_axis(logp, labels[:, None], axis=1)[:, 0])
    preds = jnp.argmax(logits, axis=-1)
    tp = jnp.sum((preds == 0) & (labels == 0))
    fp = jnp.sum((preds == 0) & (labels == 1))
    tn = jnp.sum((preds == 1) & (labels == 1))
    fn = jnp.sum((preds == 1) & (labels == 0))
    total = tp + fp + tn + fn
    acc = (tp + tn) / total
    eps = jnp.finfo(jnp.float32).eps
    snr = 10.0 * jnp.log10(tp.astype(jnp.float32) / (fp.astype(jnp.float32) + eps) + eps)
    recall = tp.astype(jnp.float32) / (tp.astype(jnp.float32) + fn.astype(jnp.float32) + eps)
    valid_snr = jnp.where(recall < 0.2, jnp.float32(-100.0), snr)
    return (loss, acc, logits, preds, snr, recall, valid_snr, tp, fp, fn, tn)

if __name__ == "__main__":
    import jax
    _d = setup_inputs()
    print(jax.jit(kernel)(*tuple(_d.values())))

</pallas_src>

<mosaic_0001>
#map = affine_map<(d0, d1) -> (0, 0)>
#map1 = affine_map<(d0, d1) -> (0, 0, 0)>
module attributes {stable_mosaic.version = 14 : i64} {
  func.func @_agg_kernel(%arg0: i32, %arg1: i32, %arg2: memref<20000x64xf32, #tpu.memory_space<hbm>>, %arg3: memref<16x160x125xi32, #tpu.memory_space<hbm>>, %arg4: memref<16x160x125xi32, #tpu.memory_space<hbm>>, %arg5: memref<16x160x125xi32, #tpu.memory_space<hbm>>, %arg6: memref<32x5x125xi32, #tpu.memory_space<hbm>>, %arg7: memref<20000x64xf32, #tpu.memory_space<hbm>>, %arg8: memref<160x125xi32, #tpu.memory_space<vmem>>, %arg9: memref<160x125xi32, #tpu.memory_space<vmem>>, %arg10: memref<5x125xi32, #tpu.memory_space<vmem>>, %arg11: memref<125x64xf32, #tpu.memory_space<vmem>>, %arg12: memref<125x64xf32, #tpu.memory_space<vmem>>, %arg13: memref<125x64xf32, #tpu.memory_space<vmem>>, %arg14: memref<125x64xf32, #tpu.memory_space<vmem>>, %arg15: memref<!tpu.dma_semaphore, #tpu.memory_space<semaphore_mem>>, %arg16: memref<!tpu.dma_semaphore, #tpu.memory_space<semaphore_mem>>, %arg17: memref<!tpu.dma_semaphore, #tpu.memory_space<semaphore_mem>>, %arg18: memref<!tpu.dma_semaphore, #tpu.memory_space<semaphore_mem>>, %arg19: memref<!tpu.dma_semaphore, #tpu.memory_space<semaphore_mem>>, %arg20: memref<!tpu.dma_semaphore, #tpu.memory_space<semaphore_mem>>, %arg21: memref<!tpu.dma_semaphore, #tpu.memory_space<semaphore_mem>>, %arg22: memref<!tpu.dma_semaphore, #tpu.memory_space<semaphore_mem>>, %arg23: memref<10000x64xf32, #tpu.memory_space<vmem_shared>>) attributes {dimension_semantics = [#tpu.dimension_semantics<core_parallel>, #tpu.dimension_semantics<subcore_parallel>], iteration_bounds = array<i64: 2, 16>, scalar_prefetch = 0 : i64, scratch_operands = 16 : i64, tpu.core_type = #tpu.core_type<sc_vector_subcore>, window_params = [{transform_indices = #map}, {transform_indices = #map1}, {transform_indices = #map1}, {transform_indices = #map1}, {transform_indices = #map1}, {transform_indices = #map}]} {
    %eq3A = arith.constant 0 : i32
    %eq3A_0 = arith.cmpi eq, %arg0, %eq3A : i32
    %convert_element_type3A = arith.extui %eq3A_0 : i1 to i32
    %cond3A = arith.constant 0 : i32
    %cond3A_1 = arith.cmpi ne, %convert_element_type3A, %cond3A : i32
    scf.if %cond3A_1 {
      "tpu.region"() ({
        %run_scoped3A_105 = tpu.sem_alloc : memref<!tpu.dma_semaphore, #tpu.memory_space<semaphore_mem>>
        %dma_start3A_106 = arith.constant 0 : i32
        %dma_start3A_107 = arith.constant 0 : i32
        %dma_start3A_108 = tpu.memref_slice %arg3[%arg1, %dma_start3A_106, %dma_start3A_107] : memref<16x160x125xi32, #tpu.memory_space<hbm>> -> memref<1x160x125xi32, #tpu.memory_space<hbm>>
        %dma_start3A_109 = tpu.memref_squeeze %dma_start3A_108 : memref<1x160x125xi32, #tpu.memory_space<hbm>> -> memref<160x125xi32, #tpu.memory_space<hbm>>
        %dma_start3A_110 = arith.constant 0 : i32
        %dma_start3A_111 = arith.constant 0 : i32
        %dma_start3A_112 = tpu.memref_slice %arg3[%arg1, %dma_start3A_110, %dma_start3A_111] : memref<16x160x125xi32, #tpu.memory_space<hbm>> -> memref<1x160x125xi32, #tpu.memory_space<hbm>>
        %dma_start3A_113 = tpu.memref_squeeze %dma_start3A_112 : memref<1x160x125xi32, #tpu.memory_space<hbm>> -> memref<160x125xi32, #tpu.memory_space<hbm>>
        tpu.enqueue_dma source(%dma_start3A_113 : memref<160x125xi32, #tpu.memory_space<hbm>>) target(%arg8 : memref<160x125xi32, #tpu.memory_space<vmem>>) target_semaphore(%run_scoped3A_105 : memref<!tpu.dma_semaphore, #tpu.memory_space<semaphore_mem>>)
        %dma_wait3A_114 = arith.constant 0 : i32
        %dma_wait3A_115 = arith.constant 0 : i32
        %dma_wait3A_116 = tpu.memref_slice %arg3[%arg1, %dma_wait3A_114, %dma_wait3A_115] : memref<16x160x125xi32, #tpu.memory_space<hbm>> -> memref<1x160x125xi32, #tpu.memory_space<hbm>>
        %dma_wait3A_117 = tpu.memref_squeeze %dma_wait3A_116 : memref<1x160x125xi32, #tpu.memory_space<hbm>> -> memref<160x125xi32, #tpu.memory_space<hbm>>
        %dma_wait3A_118 = arith.constant 0 : i32
        %dma_wait3A_119 = arith.constant 0 : i32
        %dma_wait3A_120 = tpu.memref_slice %arg3[%arg1, %dma_wait3A_118, %dma_wait3A_119] : memref<16x160x125xi32, #tpu.memory_space<hbm>> -> memref<1x160x125xi32, #tpu.memory_space<hbm>>
        %dma_wait3A_121 = tpu.memref_squeeze %dma_wait3A_120 : memref<1x160x125xi32, #tpu.memory_space<hbm>> -> memref<160x125xi32, #tpu.memory_space<hbm>>
        tpu.wait_dma2 semaphore(%run_scoped3A_105 : memref<!tpu.dma_semaphore, #tpu.memory_space<semaphore_mem>>) src(%dma_wait3A_121 : memref<160x125xi32, #tpu.memory_space<hbm>>) dst(%arg8 : memref<160x125xi32, #tpu.memory_space<vmem>>)
        tpu.yield
      }) : () -> ()
    } else {
    }
    %eq3A_2 = arith.constant 1 : i32
    %eq3A_3 = arith.cmpi eq, %arg0, %eq3A_2 : i32
    %convert_element_type3A_4 = arith.extui %eq3A_3 : i1 to i32
    %cond3A_5 = arith.constant 0 : i32
    %cond3A_6 = arith.cmpi ne, %convert_element_type3A_4, %cond3A_5 : i32
    scf.if %cond3A_6 {
      "tpu.region"() ({
        %run_scoped3A_105 = tpu.sem_alloc : memref<!tpu.dma_semaphore, #tpu.memory_space<semaphore_mem>>
        %dma_start3A_106 = arith.constant 0 : i32
        %dma_start3A_107 = arith.constant 0 : i32
        %dma_start3A_108 = tpu.memref_slice %arg4[%arg1, %dma_start3A_106, %dma_start3A_107] : memref<16x160x125xi32, #tpu.memory_space<hbm>> -> memref<1x160x125xi32, #tpu.memory_space<hbm>>
        %dma_start3A_109 = tpu.memref_squeeze %dma_start3A_108 : memref<1x160x125xi32, #tpu.memory_space<hbm>> -> memref<160x125xi32, #tpu.memory_space<hbm>>
        %dma_start3A_110 = arith.constant 0 : i32
        %dma_start3A_111 = arith.constant 0 : i32
        %dma_start3A_112 = tpu.memref_slice %arg4[%arg1, %dma_start3A_110, %dma_start3A_111] : memref<16x160x125xi32, #tpu.memory_space<hbm>> -> memref<1x160x125xi32, #tpu.memory_space<hbm>>
        %dma_start3A_113 = tpu.memref_squeeze %dma_start3A_112 : memref<1x160x125xi32, #tpu.memory_space<hbm>> -> memref<160x125xi32, #tpu.memory_space<hbm>>
        tpu.enqueue_dma source(%dma_start3A_113 : memref<160x125xi32, #tpu.memory_space<hbm>>) target(%arg8 : memref<160x125xi32, #tpu.memory_space<vmem>>) target_semaphore(%run_scoped3A_105 : memref<!tpu.dma_semaphore, #tpu.memory_space<semaphore_mem>>)
        %dma_wait3A_114 = arith.constant 0 : i32
        %dma_wait3A_115 = arith.constant 0 : i32
        %dma_wait3A_116 = tpu.memref_slice %arg4[%arg1, %dma_wait3A_114, %dma_wait3A_115] : memref<16x160x125xi32, #tpu.memory_space<hbm>> -> memref<1x160x125xi32, #tpu.memory_space<hbm>>
        %dma_wait3A_117 = tpu.memref_squeeze %dma_wait3A_116 : memref<1x160x125xi32, #tpu.memory_space<hbm>> -> memref<160x125xi32, #tpu.memory_space<hbm>>
        %dma_wait3A_118 = arith.constant 0 : i32
        %dma_wait3A_119 = arith.constant 0 : i32
        %dma_wait3A_120 = tpu.memref_slice %arg4[%arg1, %dma_wait3A_118, %dma_wait3A_119] : memref<16x160x125xi32, #tpu.memory_space<hbm>> -> memref<1x160x125xi32, #tpu.memory_space<hbm>>
        %dma_wait3A_121 = tpu.memref_squeeze %dma_wait3A_120 : memref<1x160x125xi32, #tpu.memory_space<hbm>> -> memref<160x125xi32, #tpu.memory_space<hbm>>
        tpu.wait_dma2 semaphore(%run_scoped3A_105 : memref<!tpu.dma_semaphore, #tpu.memory_space<semaphore_mem>>) src(%dma_wait3A_121 : memref<160x125xi32, #tpu.memory_space<hbm>>) dst(%arg8 : memref<160x125xi32, #tpu.memory_space<vmem>>)
        tpu.yield
      }) : () -> ()
    } else {
    }
    "tpu.region"() ({
      %run_scoped3A_105 = tpu.sem_alloc : memref<!tpu.dma_semaphore, #tpu.memory_space<semaphore_mem>>
      %dma_start3A_106 = arith.constant 0 : i32
      %dma_start3A_107 = arith.constant 0 : i32
      %dma_start3A_108 = tpu.memref_slice %arg5[%arg1, %dma_start3A_106, %dma_start3A_107] : memref<16x160x125xi32, #tpu.memory_space<hbm>> -> memref<1x160x125xi32, #tpu.memory_space<hbm>>
      %dma_start3A_109 = tpu.memref_squeeze %dma_start3A_108 : memref<1x160x125xi32, #tpu.memory_space<hbm>> -> memref<160x125xi32, #tpu.memory_space<hbm>>
      %dma_start3A_110 = arith.constant 0 : i32
      %dma_start3A_111 = arith.constant 0 : i32
      %dma_start3A_112 = tpu.memref_slice %arg5[%arg1, %dma_start3A_110, %dma_start3A_111] : memref<16x160x125xi32, #tpu.memory_space<hbm>> -> memref<1x160x125xi32, #tpu.memory_space<hbm>>
      %dma_start3A_113 = tpu.memref_squeeze %dma_start3A_112 : memref<1x160x125xi32, #tpu.memory_space<hbm>> -> memref<160x125xi32, #tpu.memory_space<hbm>>
      tpu.enqueue_dma source(%dma_start3A_113 : memref<160x125xi32, #tpu.memory_space<hbm>>) target(%arg9 : memref<160x125xi32, #tpu.memory_space<vmem>>) target_semaphore(%run_scoped3A_105 : memref<!tpu.dma_semaphore, #tpu.memory_space<semaphore_mem>>)
      %dma_wait3A_114 = arith.constant 0 : i32
      %dma_wait3A_115 = arith.constant 0 : i32
      %dma_wait3A_116 = tpu.memref_slice %arg5[%arg1, %dma_wait3A_114, %dma_wait3A_115] : memref<16x160x125xi32, #tpu.memory_space<hbm>> -> memref<1x160x125xi32, #tpu.memory_space<hbm>>
      %dma_wait3A_117 = tpu.memref_squeeze %dma_wait3A_116 : memref<1x160x125xi32, #tpu.memory_space<hbm>> -> memref<160x125xi32, #tpu.memory_space<hbm>>
      %dma_wait3A_118 = arith.constant 0 : i32
      %dma_wait3A_119 = arith.constant 0 : i32
      %dma_wait3A_120 = tpu.memref_slice %arg5[%arg1, %dma_wait3A_118, %dma_wait3A_119] : memref<16x160x125xi32, #tpu.memory_space<hbm>> -> memref<1x160x125xi32, #tpu.memory_space<hbm>>
      %dma_wait3A_121 = tpu.memref_squeeze %dma_wait3A_120 : memref<1x160x125xi32, #tpu.memory_space<hbm>> -> memref<160x125xi32, #tpu.memory_space<hbm>>
      tpu.wait_dma2 semaphore(%run_scoped3A_105 : memref<!tpu.dma_semaphore, #tpu.memory_space<semaphore_mem>>) src(%dma_wait3A_121 : memref<160x125xi32, #tpu.memory_space<hbm>>) dst(%arg9 : memref<160x125xi32, #tpu.memory_space<vmem>>)
      tpu.yield
    }) : () -> ()
    %mul3A = arith.constant 16 : i32
    %mul3A_7 = arith.muli %arg0, %mul3A : i32
    %add3A = arith.addi %mul3A_7, %arg1 : i32
    "tpu.region"() ({
      %run_scoped3A_105 = tpu.sem_alloc : memref<!tpu.dma_semaphore, #tpu.memory_space<semaphore_mem>>
      %dma_start3A_106 = arith.constant 0 : i32
      %dma_start3A_107 = arith.constant 0 : i32
      %dma_start3A_108 = tpu.memref_slice %arg6[%add3A, %dma_start3A_106, %dma_start3A_107] : memref<32x5x125xi32, #tpu.memory_space<hbm>> -> memref<1x5x125xi32, #tpu.memory_space<hbm>>
      %dma_start3A_109 = tpu.memref_squeeze %dma_start3A_108 : memref<1x5x125xi32, #tpu.memory_space<hbm>> -> memref<5x125xi32, #tpu.memory_space<hbm>>
      %dma_start3A_110 = arith.constant 0 : i32
      %dma_start3A_111 = arith.constant 0 : i32
      %dma_start3A_112 = tpu.memref_slice %arg6[%add3A, %dma_start3A_110, %dma_start3A_111] : memref<32x5x125xi32, #tpu.memory_space<hbm>> -> memref<1x5x125xi32, #tpu.memory_space<hbm>>
      %dma_start3A_113 = tpu.memref_squeeze %dma_start3A_112 : memref<1x5x125xi32, #tpu.memory_space<hbm>> -> memref<5x125xi32, #tpu.memory_space<hbm>>
      tpu.enqueue_dma source(%dma_start3A_113 : memref<5x125xi32, #tpu.memory_space<hbm>>) target(%arg10 : memref<5x125xi32, #tpu.memory_space<vmem>>) target_semaphore(%run_scoped3A_105 : memref<!tpu.dma_semaphore, #tpu.memory_space<semaphore_mem>>)
      %dma_wait3A_114 = arith.constant 0 : i32
      %dma_wait3A_115 = arith.constant 0 : i32
      %dma_wait3A_116 = tpu.memref_slice %arg6[%add3A, %dma_wait3A_114, %dma_wait3A_115] : memref<32x5x125xi32, #tpu.memory_space<hbm>> -> memref<1x5x125xi32, #tpu.memory_space<hbm>>
      %dma_wait3A_117 = tpu.memref_squeeze %dma_wait3A_116 : memref<1x5x125xi32, #tpu.memory_space<hbm>> -> memref<5x125xi32, #tpu.memory_space<hbm>>
      %dma_wait3A_118 = arith.constant 0 : i32
      %dma_wait3A_119 = arith.constant 0 : i32
      %dma_wait3A_120 = tpu.memref_slice %arg6[%add3A, %dma_wait3A_118, %dma_wait3A_119] : memref<32x5x125xi32, #tpu.memory_space<hbm>> -> memref<1x5x125xi32, #tpu.memory_space<hbm>>
      %dma_wait3A_121 = tpu.memref_squeeze %dma_wait3A_120 : memref<1x5x125xi32, #tpu.memory_space<hbm>> -> memref<5x125xi32, #tpu.memory_space<hbm>>
      tpu.wait_dma2 semaphore(%run_scoped3A_105 : memref<!tpu.dma_semaphore, #tpu.memory_space<semaphore_mem>>) src(%dma_wait3A_121 : memref<5x125xi32, #tpu.memory_space<hbm>>) dst(%arg10 : memref<5x125xi32, #tpu.memory_space<vmem>>)
      tpu.yield
    }) : () -> ()
    %broadcast_in_dim3A = arith.constant 0.000000e+00 : f32
    %broadcast_in_dim3A_8 = vector.broadcast %broadcast_in_dim3A : f32 to vector<16xf32>
    %scan3A = arith.constant 0 : i32
    %scan3A_9 = arith.constant 0 : i32
    %scan3A_10 = arith.constant 125 : i32
    %scan3A_11 = arith.addi %scan3A_9, %scan3A_10 : i32
    %scan3A_12 = arith.constant 1 : i32
    scf.for %scan3A_105 = %scan3A_9 to %scan3A_11 step %scan3A_12  : i32 {
      %swap3A = arith.index_cast %scan3A_105 : i32 to index
      %swap3A_106 = arith.constant 0 : index
      %swap3A_107 = tpu.vector_load %arg11[%swap3A, %swap3A_106] {strides = array<i32>} : memref<125x64xf32, #tpu.memory_space<vmem>>, vector<1x16xf32>,
      %swap3A_108 = vector.shape_cast %swap3A_107 : vector<1x16xf32> to vector<16xf32>
      %swap3A_109 = vector.shape_cast %broadcast_in_dim3A_8 : vector<16xf32> to vector<1x16xf32>
      tpu.vector_store %arg11[%swap3A, %swap3A_106], %swap3A_109 {strides = array<i32>} : memref<125x64xf32, #tpu.memory_space<vmem>>, vector<1x16xf32>,
      %swap3A_110 = arith.index_cast %scan3A_105 : i32 to index
      %swap3A_111 = arith.constant 16 : index
      %swap3A_112 = tpu.vector_load %arg11[%swap3A_110, %swap3A_111] {strides = array<i32>} : memref<125x64xf32, #tpu.memory_space<vmem>>, vector<1x16xf32>,
      %swap3A_113 = vector.shape_cast %swap3A_112 : vector<1x16xf32> to vector<16xf32>
      %swap3A_114 = vector.shape_cast %broadcast_in_dim3A_8 : vector<16xf32> to vector<1x16xf32>
      tpu.vector_store %arg11[%swap3A_110, %swap3A_111], %swap3A_114 {strides = array<i32>} : memref<125x64xf32, #tpu.memory_space<vmem>>, vector<1x16xf32>,
      %swap3A_115 = arith.index_cast %scan3A_105 : i32 to index
      %swap3A_116 = arith.constant 32 : index
      %swap3A_117 = tpu.vector_load %arg11[%swap3A_115, %swap3A_116] {strides = array<i32>} : memref<125x64xf32, #tpu.memory_space<vmem>>, vector<1x16xf32>,
      %swap3A_118 = vector.shape_cast %swap3A_117 : vector<1x16xf32> to vector<16xf32>
      %swap3A_119 = vector.shape_cast %broadcast_in_dim3A_8 : vector<16xf32> to vector<1x16xf32>
      tpu.vector_store %arg11[%swap3A_115, %swap3A_116], %swap3A_119 {strides = array<i32>} : memref<125x64xf32, #tpu.memory_space<vmem>>, vector<1x16xf32>,
      %swap3A_120 = arith.index_cast %scan3A_105 : i32 to index
      %swap3A_121 = arith.constant 48 : index
      %swap3A_122 = tpu.vector_load %arg11[%swap3A_120, %swap3A_121] {strides = array<i32>} : memref<125x64xf32, #tpu.memory_space<vmem>>, vector<1x16xf32>,
      %swap3A_123 = vector.shape_cast %swap3A_122 : vector<1x16xf32> to vector<16xf32>
      %swap3A_124 = vector.shape_cast %broadcast_in_dim3A_8 : vector<16xf32> to vector<1x16xf32>
      tpu.vector_store %arg11[%swap3A_120, %swap3A_121], %swap3A_124 {strides = array<i32>} : memref<125x64xf32, #tpu.memory_space<vmem>>, vector<1x16xf32>,
    }
    %scan3A_13 = arith.constant 125 : i32
    %mul3A_14 = arith.constant 625 : i32
    %mul3A_15 = arith.muli %arg1, %mul3A_14 : i32
    %add3A_16 = arith.constant 0 : i32
    %add3A_17 = arith.addi %mul3A_15, %add3A_16 : i32
    "tpu.region"() ({
      %run_scoped3A_105 = tpu.sem_alloc : memref<!tpu.dma_semaphore, #tpu.memory_space<semaphore_mem>>
      %dma_start3A_106 = arith.constant 0 : i32
      %dma_start3A_107 = tpu.memref_slice %arg23[%add3A_17, %dma_start3A_106] : memref<10000x64xf32, #tpu.memory_space<vmem_shared>> -> memref<125x64xf32, #tpu.memory_space<vmem_shared>>
      %dma_start3A_108 = arith.constant 0 : i32
      %dma_start3A_109 = tpu.memref_slice %arg23[%add3A_17, %dma_start3A_108] : memref<10000x64xf32, #tpu.memory_space<vmem_shared>> -> memref<125x64xf32, #tpu.memory_space<vmem_shared>>
      tpu.enqueue_dma source(%arg11 : memref<125x64xf32, #tpu.memory_space<vmem>>) target(%dma_start3A_109 : memref<125x64xf32, #tpu.memory_space<vmem_shared>>) target_semaphore(%run_scoped3A_105 : memref<!tpu.dma_semaphore, #tpu.memory_space<semaphore_mem>>)
      %dma_wait3A_110 = arith.constant 0 : i32
      %dma_wait3A_111 = tpu.memref_slice %arg23[%add3A_17, %dma_wait3A_110] : memref<10000x64xf32, #tpu.memory_space<vmem_shared>> -> memref<125x64xf32, #tpu.memory_space<vmem_shared>>
      %dma_wait3A_112 = arith.constant 0 : i32
      %dma_wait3A_113 = tpu.memref_slice %arg23[%add3A_17, %dma_wait3A_112] : memref<10000x64xf32, #tpu.memory_space<vmem_shared>> -> memref<125x64xf32, #tpu.memory_space<vmem_shared>>
      tpu.wait_dma2 semaphore(%run_scoped3A_105 : memref<!tpu.dma_semaphore, #tpu.memory_space<semaphore_mem>>) src(%arg11 : memref<125x64xf32, #tpu.memory_space<vmem>>) dst(%dma_wait3A_113 : memref<125x64xf32, #tpu.memory_space<vmem_shared>>)
      tpu.yield
    }) : () -> ()
    %mul3A_18 = arith.constant 625 : i32
    %mul3A_19 = arith.muli %arg1, %mul3A_18 : i32
    %add3A_20 = arith.constant 125 : i32
    %add3A_21 = arith.addi %mul3A_19, %add3A_20 : i32
    "tpu.region"() ({
      %run_scoped3A_105 = tpu.sem_alloc : memref<!tpu.dma_semaphore, #tpu.memory_space<semaphore_mem>>
      %dma_start3A_106 = arith.constant 0 : i32
      %dma_start3A_107 = tpu.memref_slice %arg23[%add3A_21, %dma_start3A_106] : memref<10000x64xf32, #tpu.memory_space<vmem_shared>> -> memref<125x64xf32, #tpu.memory_space<vmem_shared>>
      %dma_start3A_108 = arith.constant 0 : i32
      %dma_start3A_109 = tpu.memref_slice %arg23[%add3A_21, %dma_start3A_108] : memref<10000x64xf32, #tpu.memory_space<vmem_shared>> -> memref<125x64xf32, #tpu.memory_space<vmem_shared>>
      tpu.enqueue_dma source(%arg11 : memref<125x64xf32, #tpu.memory_space<vmem>>) target(%dma_start3A_109 : memref<125x64xf32, #tpu.memory_space<vmem_shared>>) target_semaphore(%run_scoped3A_105 : memref<!tpu.dma_semaphore, #tpu.memory_space<semaphore_mem>>)
      %dma_wait3A_110 = arith.constant 0 : i32
      %dma_wait3A_111 = tpu.memref_slice %arg23[%add3A_21, %dma_wait3A_110] : memref<10000x64xf32, #tpu.memory_space<vmem_shared>> -> memref<125x64xf32, #tpu.memory_space<vmem_shared>>
      %dma_wait3A_112 = arith.constant 0 : i32
      %dma_wait3A_113 = tpu.memref_slice %arg23[%add3A_21, %dma_wait3A_112] : memref<10000x64xf32, #tpu.memory_space<vmem_shared>> -> memref<125x64xf32, #tpu.memory_space<vmem_shared>>
      tpu.wait_dma2 semaphore(%run_scoped3A_105 : memref<!tpu.dma_semaphore, #tpu.memory_space<semaphore_mem>>) src(%arg11 : memref<125x64xf32, #tpu.memory_space<vmem>>) dst(%dma_wait3A_113 : memref<125x64xf32, #tpu.memory_space<vmem_shared>>)
      tpu.yield
    }) : () -> ()
    %mul3A_22 = arith.constant 625 : i32
    %mul3A_23 = arith.muli %arg1, %mul3A_22 : i32
    %add3A_24 = arith.constant 250 : i32
    %add3A_25 = arith.addi %mul3A_23, %add3A_24 : i32
    "tpu.region"() ({
      %run_scoped3A_105 = tpu.sem_alloc : memref<!tpu.dma_semaphore, #tpu.memory_space<semaphore_mem>>
      %dma_start3A_106 = arith.constant 0 : i32
      %dma_start3A_107 = tpu.memref_slice %arg23[%add3A_25, %dma_start3A_106] : memref<10000x64xf32, #tpu.memory_space<vmem_shared>> -> memref<125x64xf32, #tpu.memory_space<vmem_shared>>
      %dma_start3A_108 = arith.constant 0 : i32
      %dma_start3A_109 = tpu.memref_slice %arg23[%add3A_25, %dma_start3A_108] : memref<10000x64xf32, #tpu.memory_space<vmem_shared>> -> memref<125x64xf32, #tpu.memory_space<vmem_shared>>
      tpu.enqueue_dma source(%arg11 : memref<125x64xf32, #tpu.memory_space<vmem>>) target(%dma_start3A_109 : memref<125x64xf32, #tpu.memory_space<vmem_shared>>) target_semaphore(%run_scoped3A_105 : memref<!tpu.dma_semaphore, #tpu.memory_space<semaphore_mem>>)
      %dma_wait3A_110 = arith.constant 0 : i32
      %dma_wait3A_111 = tpu.memref_slice %arg23[%add3A_25, %dma_wait3A_110] : memref<10000x64xf32, #tpu.memory_space<vmem_shared>> -> memref<125x64xf32, #tpu.memory_space<vmem_shared>>
      %dma_wait3A_112 = arith.constant 0 : i32
      %dma_wait3A_113 = tpu.memref_slice %arg23[%add3A_25, %dma_wait3A_112] : memref<10000x64xf32, #tpu.memory_space<vmem_shared>> -> memref<125x64xf32, #tpu.memory_space<vmem_shared>>
      tpu.wait_dma2 semaphore(%run_scoped3A_105 : memref<!tpu.dma_semaphore, #tpu.memory_space<semaphore_mem>>) src(%arg11 : memref<125x64xf32, #tpu.memory_space<vmem>>) dst(%dma_wait3A_113 : memref<125x64xf32, #tpu.memory_space<vmem_shared>>)
      tpu.yield
    }) : () -> ()
    %mul3A_26 = arith.constant 625 : i32
    %mul3A_27 = arith.muli %arg1, %mul3A_26 : i32
    %add3A_28 = arith.constant 375 : i32
    %add3A_29 = arith.addi %mul3A_27, %add3A_28 : i32
    "tpu.region"() ({
      %run_scoped3A_105 = tpu.sem_alloc : memref<!tpu.dma_semaphore, #tpu.memory_space<semaphore_mem>>
      %dma_start3A_106 = arith.constant 0 : i32
      %dma_start3A_107 = tpu.memref_slice %arg23[%add3A_29, %dma_start3A_106] : memref<10000x64xf32, #tpu.memory_space<vmem_shared>> -> memref<125x64xf32, #tpu.memory_space<vmem_shared>>
      %dma_start3A_108 = arith.constant 0 : i32
      %dma_start3A_109 = tpu.memref_slice %arg23[%add3A_29, %dma_start3A_108] : memref<10000x64xf32, #tpu.memory_space<vmem_shared>> -> memref<125x64xf32, #tpu.memory_space<vmem_shared>>
      tpu.enqueue_dma source(%arg11 : memref<125x64xf32, #tpu.memory_space<vmem>>) target(%dma_start3A_109 : memref<125x64xf32, #tpu.memory_space<vmem_shared>>) target_semaphore(%run_scoped3A_105 : memref<!tpu.dma_semaphore, #tpu.memory_space<semaphore_mem>>)
      %dma_wait3A_110 = arith.constant 0 : i32
      %dma_wait3A_111 = tpu.memref_slice %arg23[%add3A_29, %dma_wait3A_110] : memref<10000x64xf32, #tpu.memory_space<vmem_shared>> -> memref<125x64xf32, #tpu.memory_space<vmem_shared>>
      %dma_wait3A_112 = arith.constant 0 : i32
      %dma_wait3A_113 = tpu.memref_slice %arg23[%add3A_29, %dma_wait3A_112] : memref<10000x64xf32, #tpu.memory_space<vmem_shared>> -> memref<125x64xf32, #tpu.memory_space<vmem_shared>>
      tpu.wait_dma2 semaphore(%run_scoped3A_105 : memref<!tpu.dma_semaphore, #tpu.memory_space<semaphore_mem>>) src(%arg11 : memref<125x64xf32, #tpu.memory_space<vmem>>) dst(%dma_wait3A_113 : memref<125x64xf32, #tpu.memory_space<vmem_shared>>)
      tpu.yield
    }) : () -> ()
    %mul3A_30 = arith.constant 625 : i32
    %mul3A_31 = arith.muli %arg1, %mul3A_30 : i32
    %add3A_32 = arith.constant 500 : i32
    %add3A_33 = arith.addi %mul3A_31, %add3A_32 : i32
    "tpu.region"() ({
      %run_scoped3A_105 = tpu.sem_alloc : memref<!tpu.dma_semaphore, #tpu.memory_space<semaphore_mem>>
      %dma_start3A_106 = arith.constant 0 : i32
      %dma_start3A_107 = tpu.memref_slice %arg23[%add3A_33, %dma_start3A_106] : memref<10000x64xf32, #tpu.memory_space<vmem_shared>> -> memref<125x64xf32, #tpu.memory_space<vmem_shared>>
      %dma_start3A_108 = arith.constant 0 : i32
      %dma_start3A_109 = tpu.memref_slice %arg23[%add3A_33, %dma_start3A_108] : memref<10000x64xf32, #tpu.memory_space<vmem_shared>> -> memref<125x64xf32, #tpu.memory_space<vmem_shared>>
      tpu.enqueue_dma source(%arg11 : memref<125x64xf32, #tpu.memory_space<vmem>>) target(%dma_start3A_109 : memref<125x64xf32, #tpu.memory_space<vmem_shared>>) target_semaphore(%run_scoped3A_105 : memref<!tpu.dma_semaphore, #tpu.memory_space<semaphore_mem>>)
      %dma_wait3A_110 = arith.constant 0 : i32
      %dma_wait3A_111 = tpu.memref_slice %arg23[%add3A_33, %dma_wait3A_110] : memref<10000x64xf32, #tpu.memory_space<vmem_shared>> -> memref<125x64xf32, #tpu.memory_space<vmem_shared>>
      %dma_wait3A_112 = arith.constant 0 : i32
      %dma_wait3A_113 = tpu.memref_slice %arg23[%add3A_33, %dma_wait3A_112] : memref<10000x64xf32, #tpu.memory_space<vmem_shared>> -> memref<125x64xf32, #tpu.memory_space<vmem_shared>>
      tpu.wait_dma2 semaphore(%run_scoped3A_105 : memref<!tpu.dma_semaphore, #tpu.memory_space<semaphore_mem>>) src(%arg11 : memref<125x64xf32, #tpu.memory_space<vmem>>) dst(%dma_wait3A_113 : memref<125x64xf32, #tpu.memory_space<vmem_shared>>)
      tpu.yield
    }) : () -> ()
    %barrier3A = arith.constant 0 : index
    tpu.barrier barrier_id(%barrier3A)
    %dma_start3A = arith.constant 0 : i32
    %dma_start3A_34 = arith.constant 0 : i32
    %dma_start3A_35 = tpu.memref_slice %arg8[%dma_start3A, %dma_start3A_34] : memref<160x125xi32, #tpu.memory_space<vmem>> -> memref<1x125xi32, #tpu.memory_space<vmem>>
    %dma_start3A_36 = tpu.memref_squeeze %dma_start3A_35 : memref<1x125xi32, #tpu.memory_space<vmem>> -> memref<125xi32, #tpu.memory_space<vmem>>
    %dma_start3A_37 = arith.constant 0 : i32
    %dma_start3A_38 = arith.constant 0 : i32
    %dma_start3A_39 = tpu.memref_slice %arg2[%dma_start3A_37, %dma_start3A_38] : memref<20000x64xf32, #tpu.memory_space<hbm>> -> memref<20000x64xf32, #tpu.memory_space<hbm>>
    tpu.enqueue_indirect_dma source(%dma_start3A_39 : memref<20000x64xf32, #tpu.memory_space<hbm>>) target(%arg11 : memref<125x64xf32, #tpu.memory_space<vmem>>) offsets(%dma_start3A_36 : memref<125xi32, #tpu.memory_space<vmem>>) semaphore(%arg15 : memref<!tpu.dma_semaphore, #tpu.memory_space<semaphore_mem>>)
    %dma_start3A_40 = arith.constant 1 : i32
    %dma_start3A_41 = arith.constant 0 : i32
    %dma_start3A_42 = tpu.memref_slice %arg8[%dma_start3A_40, %dma_start3A_41] : memref<160x125xi32, #tpu.memory_space<vmem>> -> memref<1x125xi32, #tpu.memory_space<vmem>>
    %dma_start3A_43 = tpu.memref_squeeze %dma_start3A_42 : memref<1x125xi32, #tpu.memory_space<vmem>> -> memref<125xi32, #tpu.memory_space<vmem>>
    %dma_start3A_44 = arith.constant 0 : i32
    %dma_start3A_45 = arith.constant 0 : i32
    %dma_start3A_46 = tpu.memref_slice %arg2[%dma_start3A_44, %dma_start3A_45] : memref<20000x64xf32, #tpu.memory_space<hbm>> -> memref<20000x64xf32, #tpu.memory_space<hbm>>
    tpu.enqueue_indirect_dma source(%dma_start3A_46 : memref<20000x64xf32, #tpu.memory_space<hbm>>) target(%arg12 : memref<125x64xf32, #tpu.memory_space<vmem>>) offsets(%dma_start3A_43 : memref<125xi32, #tpu.memory_space<vmem>>) semaphore(%arg16 : memref<!tpu.dma_semaphore, #tpu.memory_space<semaphore_mem>>)
    %scan3A_47 = arith.constant 0 : i32
    %scan3A_48 = arith.constant 0 : i32
    %scan3A_49 = arith.constant 40 : i32
    %scan3A_50 = arith.addi %scan3A_48, %scan3A_49 : i32
    %scan3A_51 = arith.constant 1 : i32
    scf.for %scan3A_105 = %scan3A_48 to %scan3A_50 step %scan3A_51  : i32 {
      %mul3A_106 = arith.constant 4 : i32
      %mul3A_107 = arith.muli %mul3A_106, %scan3A_105 : i32
      %add3A_108 = arith.constant 0 : i32
      %add3A_109 = arith.addi %mul3A_107, %add3A_108 : i32
      %dma_wait3A_110 = arith.constant 0 : i32
      %dma_wait3A_111 = tpu.memref_slice %arg8[%add3A_109, %dma_wait3A_110] : memref<160x125xi32, #tpu.memory_space<vmem>> -> memref<1x125xi32, #tpu.memory_space<vmem>>
      %dma_wait3A_112 = tpu.memref_squeeze %dma_wait3A_111 : memref<1x125xi32, #tpu.memory_space<vmem>> -> memref<125xi32, #tpu.memory_space<vmem>>
      %dma_wait3A_113 = arith.constant 0 : i32
      %dma_wait3A_114 = arith.constant 0 : i32
      %dma_wait3A_115 = tpu.memref_slice %arg2[%dma_wait3A_113, %dma_wait3A_114] : memref<20000x64xf32, #tpu.memory_space<hbm>> -> memref<20000x64xf32, #tpu.memory_space<hbm>>
      tpu.wait_indirect_dma semaphore(%arg15 : memref<!tpu.dma_semaphore, #tpu.memory_space<semaphore_mem>>) src(%dma_wait3A_115 : memref<20000x64xf32, #tpu.memory_space<hbm>>) dst(%arg11 : memref<125x64xf32, #tpu.memory_space<vmem>>)
      %dma_start3A_116 = arith.constant 0 : i32
      %dma_start3A_117 = tpu.memref_slice %arg9[%add3A_109, %dma_start3A_116] : memref<160x125xi32, #tpu.memory_space<vmem>> -> memref<1x125xi32, #tpu.memory_space<vmem>>
      %dma_start3A_118 = tpu.memref_squeeze %dma_start3A_117 : memref<1x125xi32, #tpu.memory_space<vmem>> -> memref<125xi32, #tpu.memory_space<vmem>>
      %dma_start3A_119 = arith.constant 0 : i32
      %dma_start3A_120 = arith.constant 0 : i32
      %dma_start3A_121 = tpu.memref_slice %arg23[%dma_start3A_119, %dma_start3A_120] : memref<10000x64xf32, #tpu.memory_space<vmem_shared>> -> memref<10000x64xf32, #tpu.memory_space<vmem_shared>>
      tpu.enqueue_indirect_dma source(%arg11 : memref<125x64xf32, #tpu.memory_space<vmem>>) target(%dma_start3A_121 : memref<10000x64xf32, #tpu.memory_space<vmem_shared>>) offsets(%dma_start3A_118 : memref<125xi32, #tpu.memory_space<vmem>>) semaphore(%arg19 : memref<!tpu.dma_semaphore, #tpu.memory_space<semaphore_mem>>) {add = true}
      %add3A_122 = arith.constant 2 : i32
      %add3A_123 = arith.addi %add3A_109, %add3A_122 : i32
      %lt3A = arith.constant 160 : i32
      %lt3A_124 = arith.cmpi slt, %add3A_123, %lt3A : i32
      %convert_element_type3A_125 = arith.extui %lt3A_124 : i1 to i32
      %cond3A_126 = arith.constant 0 : i32
      %cond3A_127 = arith.cmpi ne, %convert_element_type3A_125, %cond3A_126 : i32
      scf.if %cond3A_127 {
        %ge3A = arith.constant 2 : i32
        %ge3A_191 = arith.cmpi sge, %add3A_109, %ge3A : i32
        %convert_element_type3A_192 = arith.extui %ge3A_191 : i1 to i32
        %cond3A_193 = arith.constant 0 : i32
        %cond3A_194 = arith.cmpi ne, %convert_element_type3A_192, %cond3A_193 : i32
        scf.if %cond3A_194 {
          %sub3A = arith.constant 2 : i32
          %sub3A_203 = arith.subi %add3A_109, %sub3A : i32
          %dma_wait3A_204 = arith.constant 0 : i32
          %dma_wait3A_205 = tpu.memref_slice %arg9[%sub3A_203, %dma_wait3A_204] : memref<160x125xi32, #tpu.memory_space<vmem>> -> memref<1x125xi32, #tpu.memory_space<vmem>>
          %dma_wait3A_206 = tpu.memref_squeeze %dma_wait3A_205 : memref<1x125xi32, #tpu.memory_space<vmem>> -> memref<125xi32, #tpu.memory_space<vmem>>
          %dma_wait3A_207 = arith.constant 0 : i32
          %dma_wait3A_208 = arith.constant 0 : i32
          %dma_wait3A_209 = tpu.memref_slice %arg23[%dma_wait3A_207, %dma_wait3A_208] : memref<10000x64xf32, #tpu.memory_space<vmem_shared>> -> memref<10000x64xf32, #tpu.memory_space<vmem_shared>>
          tpu.wait_indirect_dma semaphore(%arg21 : memref<!tpu.dma_semaphore, #tpu.memory_space<semaphore_mem>>) src(%arg13 : memref<125x64xf32, #tpu.memory_space<vmem>>) dst(%dma_wait3A_209 : memref<10000x64xf32, #tpu.memory_space<vmem_shared>>)
        } else {
        }
        %add3A_195 = arith.constant 2 : i32
        %add3A_196 = arith.addi %add3A_109, %add3A_195 : i32
        %dma_start3A_197 = arith.constant 0 : i32
        %dma_start3A_198 = tpu.memref_slice %arg8[%add3A_196, %dma_start3A_197] : memref<160x125xi32, #tpu.memory_space<vmem>> -> memref<1x125xi32, #tpu.memory_space<vmem>>
        %dma_start3A_199 = tpu.memref_squeeze %dma_start3A_198 : memref<1x125xi32, #tpu.memory_space<vmem>> -> memref<125xi32, #tpu.memory_space<vmem>>
        %dma_start3A_200 = arith.constant 0 : i32
        %dma_start3A_201 = arith.constant 0 : i32
        %dma_start3A_202 = tpu.memref_slice %arg2[%dma_start3A_200, %dma_start3A_201] : memref<20000x64xf32, #tpu.memory_space<hbm>> -> memref<20000x64xf32, #tpu.memory_space<hbm>>
        tpu.enqueue_indirect_dma source(%dma_start3A_202 : memref<20000x64xf32, #tpu.memory_space<hbm>>) target(%arg13 : memref<125x64xf32, #tpu.memory_space<vmem>>) offsets(%dma_start3A_199 : memref<125xi32, #tpu.memory_space<vmem>>) semaphore(%arg17 : memref<!tpu.dma_semaphore, #tpu.memory_space<semaphore_mem>>)
      } else {
      }
      %add3A_128 = arith.constant 1 : i32
      %add3A_129 = arith.addi %mul3A_107, %add3A_128 : i32
      %dma_wait3A_130 = arith.constant 0 : i32
      %dma_wait3A_131 = tpu.memref_slice %arg8[%add3A_129, %dma_wait3A_130] : memref<160x125xi32, #tpu.memory_space<vmem>> -> memref<1x125xi32, #tpu.memory_space<vmem>>
      %dma_wait3A_132 = tpu.memref_squeeze %dma_wait3A_131 : memref<1x125xi32, #tpu.memory_space<vmem>> -> memref<125xi32, #tpu.memory_space<vmem>>
      %dma_wait3A_133 = arith.constant 0 : i32
      %dma_wait3A_134 = arith.constant 0 : i32
      %dma_wait3A_135 = tpu.memref_slice %arg2[%dma_wait3A_133, %dma_wait3A_134] : memref<20000x64xf32, #tpu.memory_space<hbm>> -> memref<20000x64xf32, #tpu.memory_space<hbm>>
      tpu.wait_indirect_dma semaphore(%arg16 : memref<!tpu.dma_semaphore, #tpu.memory_space<semaphore_mem>>) src(%dma_wait3A_135 : memref<20000x64xf32, #tpu.memory_space<hbm>>) dst(%arg12 : memref<125x64xf32, #tpu.memory_space<vmem>>)
      %dma_start3A_136 = arith.constant 0 : i32
      %dma_start3A_137 = tpu.memref_slice %arg9[%add3A_129, %dma_start3A_136] : memref<160x125xi32, #tpu.memory_space<vmem>> -> memref<1x125xi32, #tpu.memory_space<vmem>>
      %dma_start3A_138 = tpu.memref_squeeze %dma_start3A_137 : memref<1x125xi32, #tpu.memory_space<vmem>> -> memref<125xi32, #tpu.memory_space<vmem>>
      %dma_start3A_139 = arith.constant 0 : i32
      %dma_start3A_140 = arith.constant 0 : i32
      %dma_start3A_141 = tpu.memref_slice %arg23[%dma_start3A_139, %dma_start3A_140] : memref<10000x64xf32, #tpu.memory_space<vmem_shared>> -> memref<10000x64xf32, #tpu.memory_space<vmem_shared>>
      tpu.enqueue_indirect_dma source(%arg12 : memref<125x64xf32, #tpu.memory_space<vmem>>) target(%dma_start3A_141 : memref<10000x64xf32, #tpu.memory_space<vmem_shared>>) offsets(%dma_start3A_138 : memref<125xi32, #tpu.memory_space<vmem>>) semaphore(%arg20 : memref<!tpu.dma_semaphore, #tpu.memory_space<semaphore_mem>>) {add = true}
      %add3A_142 = arith.constant 2 : i32
      %add3A_143 = arith.addi %add3A_129, %add3A_142 : i32
      %lt3A_144 = arith.constant 160 : i32
      %lt3A_145 = arith.cmpi slt, %add3A_143, %lt3A_144 : i32
      %convert_element_type3A_146 = arith.extui %lt3A_145 : i1 to i32
      %cond3A_147 = arith.constant 0 : i32
      %cond3A_148 = arith.cmpi ne, %convert_element_type3A_146, %cond3A_147 : i32
      scf.if %cond3A_148 {
        %ge3A = arith.constant 2 : i32
        %ge3A_191 = arith.cmpi sge, %add3A_129, %ge3A : i32
        %convert_element_type3A_192 = arith.extui %ge3A_191 : i1 to i32
        %cond3A_193 = arith.constant 0 : i32
        %cond3A_194 = arith.cmpi ne, %convert_element_type3A_192, %cond3A_193 : i32
        scf.if %cond3A_194 {
          %sub3A = arith.constant 2 : i32
          %sub3A_203 = arith.subi %add3A_129, %sub3A : i32
          %dma_wait3A_204 = arith.constant 0 : i32
          %dma_wait3A_205 = tpu.memref_slice %arg9[%sub3A_203, %dma_wait3A_204] : memref<160x125xi32, #tpu.memory_space<vmem>> -> memref<1x125xi32, #tpu.memory_space<vmem>>
          %dma_wait3A_206 = tpu.memref_squeeze %dma_wait3A_205 : memref<1x125xi32, #tpu.memory_space<vmem>> -> memref<125xi32, #tpu.memory_space<vmem>>
          %dma_wait3A_207 = arith.constant 0 : i32
          %dma_wait3A_208 = arith.constant 0 : i32
          %dma_wait3A_209 = tpu.memref_slice %arg23[%dma_wait3A_207, %dma_wait3A_208] : memref<10000x64xf32, #tpu.memory_space<vmem_shared>> -> memref<10000x64xf32, #tpu.memory_space<vmem_shared>>
          tpu.wait_indirect_dma semaphore(%arg22 : memref<!tpu.dma_semaphore, #tpu.memory_space<semaphore_mem>>) src(%arg14 : memref<125x64xf32, #tpu.memory_space<vmem>>) dst(%dma_wait3A_209 : memref<10000x64xf32, #tpu.memory_space<vmem_shared>>)
        } else {
        }
        %add3A_195 = arith.constant 2 : i32
        %add3A_196 = arith.addi %add3A_129, %add3A_195 : i32
        %dma_start3A_197 = arith.constant 0 : i32
        %dma_start3A_198 = tpu.memref_slice %arg8[%add3A_196, %dma_start3A_197] : memref<160x125xi32, #tpu.memory_space<vmem>> -> memref<1x125xi32, #tpu.memory_space<vmem>>
        %dma_start3A_199 = tpu.memref_squeeze %dma_start3A_198 : memref<1x125xi32, #tpu.memory_space<vmem>> -> memref<125xi32, #tpu.memory_space<vmem>>
        %dma_start3A_200 = arith.constant 0 : i32
        %dma_start3A_201 = arith.constant 0 : i32
        %dma_start3A_202 = tpu.memref_slice %arg2[%dma_start3A_200, %dma_start3A_201] : memref<20000x64xf32, #tpu.memory_space<hbm>> -> memref<20000x64xf32, #tpu.memory_space<hbm>>
        tpu.enqueue_indirect_dma source(%dma_start3A_202 : memref<20000x64xf32, #tpu.memory_space<hbm>>) target(%arg14 : memref<125x64xf32, #tpu.memory_space<vmem>>) offsets(%dma_start3A_199 : memref<125xi32, #tpu.memory_space<vmem>>) semaphore(%arg18 : memref<!tpu.dma_semaphore, #tpu.memory_space<semaphore_mem>>)
      } else {
      }
      %add3A_149 = arith.constant 2 : i32
      %add3A_150 = arith.addi %mul3A_107, %add3A_149 : i32
      %dma_wait3A_151 = arith.constant 0 : i32
      %dma_wait3A_152 = tpu.memref_slice %arg8[%add3A_150, %dma_wait3A_151] : memref<160x125xi32, #tpu.memory_space<vmem>> -> memref<1x125xi32, #tpu.memory_space<vmem>>
      %dma_wait3A_153 = tpu.memref_squeeze %dma_wait3A_152 : memref<1x125xi32, #tpu.memory_space<vmem>> -> memref<125xi32, #tpu.memory_space<vmem>>
      %dma_wait3A_154 = arith.constant 0 : i32
      %dma_wait3A_155 = arith.constant 0 : i32
      %dma_wait3A_156 = tpu.memref_slice %arg2[%dma_wait3A_154, %dma_wait3A_155] : memref<20000x64xf32, #tpu.memory_space<hbm>> -> memref<20000x64xf32, #tpu.memory_space<hbm>>
      tpu.wait_indirect_dma semaphore(%arg17 : memref<!tpu.dma_semaphore, #tpu.memory_space<semaphore_mem>>) src(%dma_wait3A_156 : memref<20000x64xf32, #tpu.memory_space<hbm>>) dst(%arg13 : memref<125x64xf32, #tpu.memory_space<vmem>>)
      %dma_start3A_157 = arith.constant 0 : i32
      %dma_start3A_158 = tpu.memref_slice %arg9[%add3A_150, %dma_start3A_157] : memref<160x125xi32, #tpu.memory_space<vmem>> -> memref<1x125xi32, #tpu.memory_space<vmem>>
      %dma_start3A_159 = tpu.memref_squeeze %dma_start3A_158 : memref<1x125xi32, #tpu.memory_space<vmem>> -> memref<125xi32, #tpu.memory_space<vmem>>
      %dma_start3A_160 = arith.constant 0 : i32
      %dma_start3A_161 = arith.constant 0 : i32
      %dma_start3A_162 = tpu.memref_slice %arg23[%dma_start3A_160, %dma_start3A_161] : memref<10000x64xf32, #tpu.memory_space<vmem_shared>> -> memref<10000x64xf32, #tpu.memory_space<vmem_shared>>
      tpu.enqueue_indirect_dma source(%arg13 : memref<125x64xf32, #tpu.memory_space<vmem>>) target(%dma_start3A_162 : memref<10000x64xf32, #tpu.memory_space<vmem_shared>>) offsets(%dma_start3A_159 : memref<125xi32, #tpu.memory_space<vmem>>) semaphore(%arg21 : memref<!tpu.dma_semaphore, #tpu.memory_space<semaphore_mem>>) {add = true}
      %add3A_163 = arith.constant 2 : i32
      %add3A_164 = arith.addi %add3A_150, %add3A_163 : i32
      %lt3A_165 = arith.constant 160 : i32
      %lt3A_166 = arith.cmpi slt, %add3A_164, %lt3A_165 : i32
      %convert_element_type3A_167 = arith.extui %lt3A_166 : i1 to i32
      %cond3A_168 = arith.constant 0 : i32
      %cond3A_169 = arith.cmpi ne, %convert_element_type3A_167, %cond3A_168 : i32
      scf.if %cond3A_169 {
        %ge3A = arith.constant 2 : i32
        %ge3A_191 = arith.cmpi sge, %add3A_150, %ge3A : i32
        %convert_element_type3A_192 = arith.extui %ge3A_191 : i1 to i32
        %cond3A_193 = arith.constant 0 : i32
        %cond3A_194 = arith.cmpi ne, %convert_element_type3A_192, %cond3A_193 : i32
        scf.if %cond3A_194 {
          %sub3A = arith.constant 2 : i32
          %sub3A_203 = arith.subi %add3A_150, %sub3A : i32
          %dma_wait3A_204 = arith.constant 0 : i32
          %dma_wait3A_205 = tpu.memref_slice %arg9[%sub3A_203, %dma_wait3A_204] : memref<160x125xi32, #tpu.memory_space<vmem>> -> memref<1x125xi32, #tpu.memory_space<vmem>>
          %dma_wait3A_206 = tpu.memref_squeeze %dma_wait3A_205 : memref<1x125xi32, #tpu.memory_space<vmem>> -> memref<125xi32, #tpu.memory_space<vmem>>
          %dma_wait3A_207 = arith.constant 0 : i32
          %dma_wait3A_208 = arith.constant 0 : i32
          %dma_wait3A_209 = tpu.memref_slice %arg23[%dma_wait3A_207, %dma_wait3A_208] : memref<10000x64xf32, #tpu.memory_space<vmem_shared>> -> memref<10000x64xf32, #tpu.memory_space<vmem_shared>>
          tpu.wait_indirect_dma semaphore(%arg19 : memref<!tpu.dma_semaphore, #tpu.memory_space<semaphore_mem>>) src(%arg11 : memref<125x64xf32, #tpu.memory_space<vmem>>) dst(%dma_wait3A_209 : memref<10000x64xf32, #tpu.memory_space<vmem_shared>>)
        } else {
        }
        %add3A_195 = arith.constant 2 : i32
        %add3A_196 = arith.addi %add3A_150, %add3A_195 : i32
        %dma_start3A_197 = arith.constant 0 : i32
        %dma_start3A_198 = tpu.memref_slice %arg8[%add3A_196, %dma_start3A_197] : memref<160x125xi32, #tpu.memory_space<vmem>> -> memref<1x125xi32, #tpu.memory_space<vmem>>
        %dma_start3A_199 = tpu.memref_squeeze %dma_start3A_198 : memref<1x125xi32, #tpu.memory_space<vmem>> -> memref<125xi32, #tpu.memory_space<vmem>>
        %dma_start3A_200 = arith.constant 0 : i32
        %dma_start3A_201 = arith.constant 0 : i32
        %dma_start3A_202 = tpu.memref_slice %arg2[%dma_start3A_200, %dma_start3A_201] : memref<20000x64xf32, #tpu.memory_space<hbm>> -> memref<20000x64xf32, #tpu.memory_space<hbm>>
        tpu.enqueue_indirect_dma source(%dma_start3A_202 : memref<20000x64xf32, #tpu.memory_space<hbm>>) target(%arg11 : memref<125x64xf32, #tpu.memory_space<vmem>>) offsets(%dma_start3A_199 : memref<125xi32, #tpu.memory_space<vmem>>) semaphore(%arg15 : memref<!tpu.dma_semaphore, #tpu.memory_space<semaphore_mem>>)
      } else {
      }
      %add3A_170 = arith.constant 3 : i32
      %add3A_171 = arith.addi %mul3A_107, %add3A_170 : i32
      %dma_wait3A_172 = arith.constant 0 : i32
      %dma_wait3A_173 = tpu.memref_slice %arg8[%add3A_171, %dma_wait3A_172] : memref<160x125xi32, #tpu.memory_space<vmem>> -> memref<1x125xi32, #tpu.memory_space<vmem>>
      %dma_wait3A_174 = tpu.memref_squeeze %dma_wait3A_173 : memref<1x125xi32, #tpu.memory_space<vmem>> -> memref<125xi32, #tpu.memory_space<vmem>>
      %dma_wait3A_175 = arith.constant 0 : i32
      %dma_wait3A_176 = arith.constant 0 : i32
      %dma_wait3A_177 = tpu.memref_slice %arg2[%dma_wait3A_175, %dma_wait3A_176] : memref<20000x64xf32, #tpu.memory_space<hbm>> -> memref<20000x64xf32, #tpu.memory_space<hbm>>
      tpu.wait_indirect_dma semaphore(%arg18 : memref<!tpu.dma_semaphore, #tpu.memory_space<semaphore_mem>>) src(%dma_wait3A_177 : memref<20000x64xf32, #tpu.memory_space<hbm>>) dst(%arg14 : memref<125x64xf32, #tpu.memory_space<vmem>>)
      %dma_start3A_178 = arith.constant 0 : i32
      %dma_start3A_179 = tpu.memref_slice %arg9[%add3A_171, %dma_start3A_178] : memref<160x125xi32, #tpu.memory_space<vmem>> -> memref<1x125xi32, #tpu.memory_space<vmem>>
      %dma_start3A_180 = tpu.memref_squeeze %dma_start3A_179 : memref<1x125xi32, #tpu.memory_space<vmem>> -> memref<125xi32, #tpu.memory_space<vmem>>
      %dma_start3A_181 = arith.constant 0 : i32
      %dma_start3A_182 = arith.constant 0 : i32
      %dma_start3A_183 = tpu.memref_slice %arg23[%dma_start3A_181, %dma_start3A_182] : memref<10000x64xf32, #tpu.memory_space<vmem_shared>> -> memref<10000x64xf32, #tpu.memory_space<vmem_shared>>
      tpu.enqueue_indirect_dma source(%arg14 : memref<125x64xf32, #tpu.memory_space<vmem>>) target(%dma_start3A_183 : memref<10000x64xf32, #tpu.memory_space<vmem_shared>>) offsets(%dma_start3A_180 : memref<125xi32, #tpu.memory_space<vmem>>) semaphore(%arg22 : memref<!tpu.dma_semaphore, #tpu.memory_space<semaphore_mem>>) {add = true}
      %add3A_184 = arith.constant 2 : i32
      %add3A_185 = arith.addi %add3A_171, %add3A_184 : i32
      %lt3A_186 = arith.constant 160 : i32
      %lt3A_187 = arith.cmpi slt, %add3A_185, %lt3A_186 : i32
      %convert_element_type3A_188 = arith.extui %lt3A_187 : i1 to i32
      %cond3A_189 = arith.constant 0 : i32
      %cond3A_190 = arith.cmpi ne, %convert_element_type3A_188, %cond3A_189 : i32
      scf.if %cond3A_190 {
        %ge3A = arith.constant 2 : i32
        %ge3A_191 = arith.cmpi sge, %add3A_171, %ge3A : i32
        %convert_element_type3A_192 = arith.extui %ge3A_191 : i1 to i32
        %cond3A_193 = arith.constant 0 : i32
        %cond3A_194 = arith.cmpi ne, %convert_element_type3A_192, %cond3A_193 : i32
        scf.if %cond3A_194 {
          %sub3A = arith.constant 2 : i32
          %sub3A_203 = arith.subi %add3A_171, %sub3A : i32
          %dma_wait3A_204 = arith.constant 0 : i32
          %dma_wait3A_205 = tpu.memref_slice %arg9[%sub3A_203, %dma_wait3A_204] : memref<160x125xi32, #tpu.memory_space<vmem>> -> memref<1x125xi32, #tpu.memory_space<vmem>>
          %dma_wait3A_206 = tpu.memref_squeeze %dma_wait3A_205 : memref<1x125xi32, #tpu.memory_space<vmem>> -> memref<125xi32, #tpu.memory_space<vmem>>
          %dma_wait3A_207 = arith.constant 0 : i32
          %dma_wait3A_208 = arith.constant 0 : i32
          %dma_wait3A_209 = tpu.memref_slice %arg23[%dma_wait3A_207, %dma_wait3A_208] : memref<10000x64xf32, #tpu.memory_space<vmem_shared>> -> memref<10000x64xf32, #tpu.memory_space<vmem_shared>>
          tpu.wait_indirect_dma semaphore(%arg20 : memref<!tpu.dma_semaphore, #tpu.memory_space<semaphore_mem>>) src(%arg12 : memref<125x64xf32, #tpu.memory_space<vmem>>) dst(%dma_wait3A_209 : memref<10000x64xf32, #tpu.memory_space<vmem_shared>>)
        } else {
        }
        %add3A_195 = arith.constant 2 : i32
        %add3A_196 = arith.addi %add3A_171, %add3A_195 : i32
        %dma_start3A_197 = arith.constant 0 : i32
        %dma_start3A_198 = tpu.memref_slice %arg8[%add3A_196, %dma_start3A_197] : memref<160x125xi32, #tpu.memory_space<vmem>> -> memref<1x125xi32, #tpu.memory_space<vmem>>
        %dma_start3A_199 = tpu.memref_squeeze %dma_start3A_198 : memref<1x125xi32, #tpu.memory_space<vmem>> -> memref<125xi32, #tpu.memory_space<vmem>>
        %dma_start3A_200 = arith.constant 0 : i32
        %dma_start3A_201 = arith.constant 0 : i32
        %dma_start3A_202 = tpu.memref_slice %arg2[%dma_start3A_200, %dma_start3A_201] : memref<20000x64xf32, #tpu.memory_space<hbm>> -> memref<20000x64xf32, #tpu.memory_space<hbm>>
        tpu.enqueue_indirect_dma source(%dma_start3A_202 : memref<20000x64xf32, #tpu.memory_space<hbm>>) target(%arg12 : memref<125x64xf32, #tpu.memory_space<vmem>>) offsets(%dma_start3A_199 : memref<125xi32, #tpu.memory_space<vmem>>) semaphore(%arg16 : memref<!tpu.dma_semaphore, #tpu.memory_space<semaphore_mem>>)
      } else {
      }
    }
    %scan3A_52 = arith.constant 40 : i32
    %dma_wait3A = arith.constant 156 : i32
    %dma_wait3A_53 = arith.constant 0 : i32
    %dma_wait3A_54 = tpu.memref_slice %arg9[%dma_wait3A, %dma_wait3A_53] : memref<160x125xi32, #tpu.memory_space<vmem>> -> memref<1x125xi32, #tpu.memory_space<vmem>>
    %dma_wait3A_55 = tpu.memref_squeeze %dma_wait3A_54 : memref<1x125xi32, #tpu.memory_space<vmem>> -> memref<125xi32, #tpu.memory_space<vmem>>
    %dma_wait3A_56 = arith.constant 0 : i32
    %dma_wait3A_57 = arith.constant 0 : i32
    %dma_wait3A_58 = tpu.memref_slice %arg23[%dma_wait3A_56, %dma_wait3A_57] : memref<10000x64xf32, #tpu.memory_space<vmem_shared>> -> memref<10000x64xf32, #tpu.memory_space<vmem_shared>>
    tpu.wait_indirect_dma semaphore(%arg19 : memref<!tpu.dma_semaphore, #tpu.memory_space<semaphore_mem>>) src(%arg11 : memref<125x64xf32, #tpu.memory_space<vmem>>) dst(%dma_wait3A_58 : memref<10000x64xf32, #tpu.memory_space<vmem_shared>>)
    %dma_wait3A_59 = arith.constant 157 : i32
    %dma_wait3A_60 = arith.constant 0 : i32
    %dma_wait3A_61 = tpu.memref_slice %arg9[%dma_wait3A_59, %dma_wait3A_60] : memref<160x125xi32, #tpu.memory_space<vmem>> -> memref<1x125xi32, #tpu.memory_space<vmem>>
    %dma_wait3A_62 = tpu.memref_squeeze %dma_wait3A_61 : memref<1x125xi32, #tpu.memory_space<vmem>> -> memref<125xi32, #tpu.memory_space<vmem>>
    %dma_wait3A_63 = arith.constant 0 : i32
    %dma_wait3A_64 = arith.constant 0 : i32
    %dma_wait3A_65 = tpu.memref_slice %arg23[%dma_wait3A_63, %dma_wait3A_64] : memref<10000x64xf32, #tpu.memory_space<vmem_shared>> -> memref<10000x64xf32, #tpu.memory_space<vmem_shared>>
    tpu.wait_indirect_dma semaphore(%arg20 : memref<!tpu.dma_semaphore, #tpu.memory_space<semaphore_mem>>) src(%arg12 : memref<125x64xf32, #tpu.memory_space<vmem>>) dst(%dma_wait3A_65 : memref<10000x64xf32, #tpu.memory_space<vmem_shared>>)
    %dma_wait3A_66 = arith.constant 158 : i32
    %dma_wait3A_67 = arith.constant 0 : i32
    %dma_wait3A_68 = tpu.memref_slice %arg9[%dma_wait3A_66, %dma_wait3A_67] : memref<160x125xi32, #tpu.memory_space<vmem>> -> memref<1x125xi32, #tpu.memory_space<vmem>>
    %dma_wait3A_69 = tpu.memref_squeeze %dma_wait3A_68 : memref<1x125xi32, #tpu.memory_space<vmem>> -> memref<125xi32, #tpu.memory_space<vmem>>
    %dma_wait3A_70 = arith.constant 0 : i32
    %dma_wait3A_71 = arith.constant 0 : i32
    %dma_wait3A_72 = tpu.memref_slice %arg23[%dma_wait3A_70, %dma_wait3A_71] : memref<10000x64xf32, #tpu.memory_space<vmem_shared>> -> memref<10000x64xf32, #tpu.memory_space<vmem_shared>>
    tpu.wait_indirect_dma semaphore(%arg21 : memref<!tpu.dma_semaphore, #tpu.memory_space<semaphore_mem>>) src(%arg13 : memref<125x64xf32, #tpu.memory_space<vmem>>) dst(%dma_wait3A_72 : memref<10000x64xf32, #tpu.memory_space<vmem_shared>>)
    %dma_wait3A_73 = arith.constant 159 : i32
    %dma_wait3A_74 = arith.constant 0 : i32
    %dma_wait3A_75 = tpu.memref_slice %arg9[%dma_wait3A_73, %dma_wait3A_74] : memref<160x125xi32, #tpu.memory_space<vmem>> -> memref<1x125xi32, #tpu.memory_space<vmem>>
    %dma_wait3A_76 = tpu.memref_squeeze %dma_wait3A_75 : memref<1x125xi32, #tpu.memory_space<vmem>> -> memref<125xi32, #tpu.memory_space<vmem>>
    %dma_wait3A_77 = arith.constant 0 : i32
    %dma_wait3A_78 = arith.constant 0 : i32
    %dma_wait3A_79 = tpu.memref_slice %arg23[%dma_wait3A_77, %dma_wait3A_78] : memref<10000x64xf32, #tpu.memory_space<vmem_shared>> -> memref<10000x64xf32, #tpu.memory_space<vmem_shared>>
    tpu.wait_indirect_dma semaphore(%arg22 : memref<!tpu.dma_semaphore, #tpu.memory_space<semaphore_mem>>) src(%arg14 : memref<125x64xf32, #tpu.memory_space<vmem>>) dst(%dma_wait3A_79 : memref<10000x64xf32, #tpu.memory_space<vmem_shared>>)
    %barrier3A_80 = arith.constant 0 : index
    tpu.barrier barrier_id(%barrier3A_80)
    %mul3A_81 = arith.constant 625 : i32
    %mul3A_82 = arith.muli %arg1, %mul3A_81 : i32
    %add3A_83 = arith.constant 0 : i32
    %add3A_84 = arith.addi %mul3A_82, %add3A_83 : i32
    "tpu.region"() ({
      %run_scoped3A_105 = tpu.sem_alloc : memref<!tpu.dma_semaphore, #tpu.memory_space<semaphore_mem>>
      %dma_start3A_106 = arith.constant 0 : i32
      %dma_start3A_107 = tpu.memref_slice %arg23[%add3A_84, %dma_start3A_106] : memref<10000x64xf32, #tpu.memory_space<vmem_shared>> -> memref<125x64xf32, #tpu.memory_space<vmem_shared>>
      %dma_start3A_108 = arith.constant 0 : i32
      %dma_start3A_109 = tpu.memref_slice %arg23[%add3A_84, %dma_start3A_108] : memref<10000x64xf32, #tpu.memory_space<vmem_shared>> -> memref<125x64xf32, #tpu.memory_space<vmem_shared>>
      tpu.enqueue_dma source(%dma_start3A_109 : memref<125x64xf32, #tpu.memory_space<vmem_shared>>) target(%arg11 : memref<125x64xf32, #tpu.memory_space<vmem>>) target_semaphore(%run_scoped3A_105 : memref<!tpu.dma_semaphore, #tpu.memory_space<semaphore_mem>>)
      %dma_wait3A_110 = arith.constant 0 : i32
      %dma_wait3A_111 = tpu.memref_slice %arg23[%add3A_84, %dma_wait3A_110] : memref<10000x64xf32, #tpu.memory_space<vmem_shared>> -> memref<125x64xf32, #tpu.memory_space<vmem_shared>>
      %dma_wait3A_112 = arith.constant 0 : i32
      %dma_wait3A_113 = tpu.memref_slice %arg23[%add3A_84, %dma_wait3A_112] : memref<10000x64xf32, #tpu.memory_space<vmem_shared>> -> memref<125x64xf32, #tpu.memory_space<vmem_shared>>
      tpu.wait_dma2 semaphore(%run_scoped3A_105 : memref<!tpu.dma_semaphore, #tpu.memory_space<semaphore_mem>>) src(%dma_wait3A_113 : memref<125x64xf32, #tpu.memory_space<vmem_shared>>) dst(%arg11 : memref<125x64xf32, #tpu.memory_space<vmem>>)
      tpu.yield
    }) : () -> ()
    %run_scoped3A = arith.constant 0 : i32
    "tpu.region"() ({
      %run_scoped3A_105 = tpu.sem_alloc : memref<!tpu.dma_semaphore, #tpu.memory_space<semaphore_mem>>
      %dma_start3A_106 = arith.constant 0 : i32
      %dma_start3A_107 = tpu.memref_slice %arg10[%run_scoped3A, %dma_start3A_106] : memref<5x125xi32, #tpu.memory_space<vmem>> -> memref<1x125xi32, #tpu.memory_space<vmem>>
      %dma_start3A_108 = tpu.memref_squeeze %dma_start3A_107 : memref<1x125xi32, #tpu.memory_space<vmem>> -> memref<125xi32, #tpu.memory_space<vmem>>
      %dma_start3A_109 = arith.constant 0 : i32
      %dma_start3A_110 = arith.constant 0 : i32
      %dma_start3A_111 = tpu.memref_slice %arg7[%dma_start3A_109, %dma_start3A_110] : memref<20000x64xf32, #tpu.memory_space<hbm>> -> memref<20000x64xf32, #tpu.memory_space<hbm>>
      tpu.enqueue_indirect_dma source(%arg11 : memref<125x64xf32, #tpu.memory_space<vmem>>) target(%dma_start3A_111 : memref<20000x64xf32, #tpu.memory_space<hbm>>) offsets(%dma_start3A_108 : memref<125xi32, #tpu.memory_space<vmem>>) semaphore(%run_scoped3A_105 : memref<!tpu.dma_semaphore, #tpu.memory_space<semaphore_mem>>)
      %dma_wait3A_112 = arith.constant 0 : i32
      %dma_wait3A_113 = tpu.memref_slice %arg10[%run_scoped3A, %dma_wait3A_112] : memref<5x125xi32, #tpu.memory_space<vmem>> -> memref<1x125xi32, #tpu.memory_space<vmem>>
      %dma_wait3A_114 = tpu.memref_squeeze %dma_wait3A_113 : memref<1x125xi32, #tpu.memory_space<vmem>> -> memref<125xi32, #tpu.memory_space<vmem>>
      %dma_wait3A_115 = arith.constant 0 : i32
      %dma_wait3A_116 = arith.constant 0 : i32
      %dma_wait3A_117 = tpu.memref_slice %arg7[%dma_wait3A_115, %dma_wait3A_116] : memref<20000x64xf32, #tpu.memory_space<hbm>> -> memref<20000x64xf32, #tpu.memory_space<hbm>>
      tpu.wait_indirect_dma semaphore(%run_scoped3A_105 : memref<!tpu.dma_semaphore, #tpu.memory_space<semaphore_mem>>) src(%arg11 : memref<125x64xf32, #tpu.memory_space<vmem>>) dst(%dma_wait3A_117 : memref<20000x64xf32, #tpu.memory_space<hbm>>)
      tpu.yield
    }) : () -> ()
    %mul3A_85 = arith.constant 625 : i32
    %mul3A_86 = arith.muli %arg1, %mul3A_85 : i32
    %add3A_87 = arith.constant 125 : i32
    %add3A_88 = arith.addi %mul3A_86, %add3A_87 : i32
    "tpu.region"() ({
      %run_scoped3A_105 = tpu.sem_alloc : memref<!tpu.dma_semaphore, #tpu.memory_space<semaphore_mem>>
      %dma_start3A_106 = arith.constant 0 : i32
      %dma_start3A_107 = tpu.memref_slice %arg23[%add3A_88, %dma_start3A_106] : memref<10000x64xf32, #tpu.memory_space<vmem_shared>> -> memref<125x64xf32, #tpu.memory_space<vmem_shared>>
      %dma_start3A_108 = arith.constant 0 : i32
      %dma_start3A_109 = tpu.memref_slice %arg23[%add3A_88, %dma_start3A_108] : memref<10000x64xf32, #tpu.memory_space<vmem_shared>> -> memref<125x64xf32, #tpu.memory_space<vmem_shared>>
      tpu.enqueue_dma source(%dma_start3A_109 : memref<125x64xf32, #tpu.memory_space<vmem_shared>>) target(%arg12 : memref<125x64xf32, #tpu.memory_space<vmem>>) target_semaphore(%run_scoped3A_105 : memref<!tpu.dma_semaphore, #tpu.memory_space<semaphore_mem>>)
      %dma_wait3A_110 = arith.constant 0 : i32
      %dma_wait3A_111 = tpu.memref_slice %arg23[%add3A_88, %dma_wait3A_110] : memref<10000x64xf32, #tpu.memory_space<vmem_shared>> -> memref<125x64xf32, #tpu.memory_space<vmem_shared>>
      %dma_wait3A_112 = arith.constant 0 : i32
      %dma_wait3A_113 = tpu.memref_slice %arg23[%add3A_88, %dma_wait3A_112] : memref<10000x64xf32, #tpu.memory_space<vmem_shared>> -> memref<125x64xf32, #tpu.memory_space<vmem_shared>>
      tpu.wait_dma2 semaphore(%run_scoped3A_105 : memref<!tpu.dma_semaphore, #tpu.memory_space<semaphore_mem>>) src(%dma_wait3A_113 : memref<125x64xf32, #tpu.memory_space<vmem_shared>>) dst(%arg12 : memref<125x64xf32, #tpu.memory_space<vmem>>)
      tpu.yield
    }) : () -> ()
    %run_scoped3A_89 = arith.constant 1 : i32
    "tpu.region"() ({
      %run_scoped3A_105 = tpu.sem_alloc : memref<!tpu.dma_semaphore, #tpu.memory_space<semaphore_mem>>
      %dma_start3A_106 = arith.constant 0 : i32
      %dma_start3A_107 = tpu.memref_slice %arg10[%run_scoped3A_89, %dma_start3A_106] : memref<5x125xi32, #tpu.memory_space<vmem>> -> memref<1x125xi32, #tpu.memory_space<vmem>>
      %dma_start3A_108 = tpu.memref_squeeze %dma_start3A_107 : memref<1x125xi32, #tpu.memory_space<vmem>> -> memref<125xi32, #tpu.memory_space<vmem>>
      %dma_start3A_109 = arith.constant 0 : i32
      %dma_start3A_110 = arith.constant 0 : i32
      %dma_start3A_111 = tpu.memref_slice %arg7[%dma_start3A_109, %dma_start3A_110] : memref<20000x64xf32, #tpu.memory_space<hbm>> -> memref<20000x64xf32, #tpu.memory_space<hbm>>
      tpu.enqueue_indirect_dma source(%arg12 : memref<125x64xf32, #tpu.memory_space<vmem>>) target(%dma_start3A_111 : memref<20000x64xf32, #tpu.memory_space<hbm>>) offsets(%dma_start3A_108 : memref<125xi32, #tpu.memory_space<vmem>>) semaphore(%run_scoped3A_105 : memref<!tpu.dma_semaphore, #tpu.memory_space<semaphore_mem>>)
      %dma_wait3A_112 = arith.constant 0 : i32
      %dma_wait3A_113 = tpu.memref_slice %arg10[%run_scoped3A_89, %dma_wait3A_112] : memref<5x125xi32, #tpu.memory_space<vmem>> -> memref<1x125xi32, #tpu.memory_space<vmem>>
      %dma_wait3A_114 = tpu.memref_squeeze %dma_wait3A_113 : memref<1x125xi32, #tpu.memory_space<vmem>> -> memref<125xi32, #tpu.memory_space<vmem>>
      %dma_wait3A_115 = arith.constant 0 : i32
      %dma_wait3A_116 = arith.constant 0 : i32
      %dma_wait3A_117 = tpu.memref_slice %arg7[%dma_wait3A_115, %dma_wait3A_116] : memref<20000x64xf32, #tpu.memory_space<hbm>> -> memref<20000x64xf32, #tpu.memory_space<hbm>>
      tpu.wait_indirect_dma semaphore(%run_scoped3A_105 : memref<!tpu.dma_semaphore, #tpu.memory_space<semaphore_mem>>) src(%arg12 : memref<125x64xf32, #tpu.memory_space<vmem>>) dst(%dma_wait3A_117 : memref<20000x64xf32, #tpu.memory_space<hbm>>)
      tpu.yield
    }) : () -> ()
    %mul3A_90 = arith.constant 625 : i32
    %mul3A_91 = arith.muli %arg1, %mul3A_90 : i32
    %add3A_92 = arith.constant 250 : i32
    %add3A_93 = arith.addi %mul3A_91, %add3A_92 : i32
    "tpu.region"() ({
      %run_scoped3A_105 = tpu.sem_alloc : memref<!tpu.dma_semaphore, #tpu.memory_space<semaphore_mem>>
      %dma_start3A_106 = arith.constant 0 : i32
      %dma_start3A_107 = tpu.memref_slice %arg23[%add3A_93, %dma_start3A_106] : memref<10000x64xf32, #tpu.memory_space<vmem_shared>> -> memref<125x64xf32, #tpu.memory_space<vmem_shared>>
      %dma_start3A_108 = arith.constant 0 : i32
      %dma_start3A_109 = tpu.memref_slice %arg23[%add3A_93, %dma_start3A_108] : memref<10000x64xf32, #tpu.memory_space<vmem_shared>> -> memref<125x64xf32, #tpu.memory_space<vmem_shared>>
      tpu.enqueue_dma source(%dma_start3A_109 : memref<125x64xf32, #tpu.memory_space<vmem_shared>>) target(%arg11 : memref<125x64xf32, #tpu.memory_space<vmem>>) target_semaphore(%run_scoped3A_105 : memref<!tpu.dma_semaphore, #tpu.memory_space<semaphore_mem>>)
      %dma_wait3A_110 = arith.constant 0 : i32
      %dma_wait3A_111 = tpu.memref_slice %arg23[%add3A_93, %dma_wait3A_110] : memref<10000x64xf32, #tpu.memory_space<vmem_shared>> -> memref<125x64xf32, #tpu.memory_space<vmem_shared>>
      %dma_wait3A_112 = arith.constant 0 : i32
      %dma_wait3A_113 = tpu.memref_slice %arg23[%add3A_93, %dma_wait3A_112] : memref<10000x64xf32, #tpu.memory_space<vmem_shared>> -> memref<125x64xf32, #tpu.memory_space<vmem_shared>>
      tpu.wait_dma2 semaphore(%run_scoped3A_105 : memref<!tpu.dma_semaphore, #tpu.memory_space<semaphore_mem>>) src(%dma_wait3A_113 : memref<125x64xf32, #tpu.memory_space<vmem_shared>>) dst(%arg11 : memref<125x64xf32, #tpu.memory_space<vmem>>)
      tpu.yield
    }) : () -> ()
    %run_scoped3A_94 = arith.constant 2 : i32
    "tpu.region"() ({
      %run_scoped3A_105 = tpu.sem_alloc : memref<!tpu.dma_semaphore, #tpu.memory_space<semaphore_mem>>
      %dma_start3A_106 = arith.constant 0 : i32
      %dma_start3A_107 = tpu.memref_slice %arg10[%run_scoped3A_94, %dma_start3A_106] : memref<5x125xi32, #tpu.memory_space<vmem>> -> memref<1x125xi32, #tpu.memory_space<vmem>>
      %dma_start3A_108 = tpu.memref_squeeze %dma_start3A_107 : memref<1x125xi32, #tpu.memory_space<vmem>> -> memref<125xi32, #tpu.memory_space<vmem>>
      %dma_start3A_109 = arith.constant 0 : i32
      %dma_start3A_110 = arith.constant 0 : i32
      %dma_start3A_111 = tpu.memref_slice %arg7[%dma_start3A_109, %dma_start3A_110] : memref<20000x64xf32, #tpu.memory_space<hbm>> -> memref<20000x64xf32, #tpu.memory_space<hbm>>
      tpu.enqueue_indirect_dma source(%arg11 : memref<125x64xf32, #tpu.memory_space<vmem>>) target(%dma_start3A_111 : memref<20000x64xf32, #tpu.memory_space<hbm>>) offsets(%dma_start3A_108 : memref<125xi32, #tpu.memory_space<vmem>>) semaphore(%run_scoped3A_105 : memref<!tpu.dma_semaphore, #tpu.memory_space<semaphore_mem>>)
      %dma_wait3A_112 = arith.constant 0 : i32
      %dma_wait3A_113 = tpu.memref_slice %arg10[%run_scoped3A_94, %dma_wait3A_112] : memref<5x125xi32, #tpu.memory_space<vmem>> -> memref<1x125xi32, #tpu.memory_space<vmem>>
      %dma_wait3A_114 = tpu.memref_squeeze %dma_wait3A_113 : memref<1x125xi32, #tpu.memory_space<vmem>> -> memref<125xi32, #tpu.memory_space<vmem>>
      %dma_wait3A_115 = arith.constant 0 : i32
      %dma_wait3A_116 = arith.constant 0 : i32
      %dma_wait3A_117 = tpu.memref_slice %arg7[%dma_wait3A_115, %dma_wait3A_116] : memref<20000x64xf32, #tpu.memory_space<hbm>> -> memref<20000x64xf32, #tpu.memory_space<hbm>>
      tpu.wait_indirect_dma semaphore(%run_scoped3A_105 : memref<!tpu.dma_semaphore, #tpu.memory_space<semaphore_mem>>) src(%arg11 : memref<125x64xf32, #tpu.memory_space<vmem>>) dst(%dma_wait3A_117 : memref<20000x64xf32, #tpu.memory_space<hbm>>)
      tpu.yield
    }) : () -> ()
    %mul3A_95 = arith.constant 625 : i32
    %mul3A_96 = arith.muli %arg1, %mul3A_95 : i32
    %add3A_97 = arith.constant 375 : i32
    %add3A_98 = arith.addi %mul3A_96, %add3A_97 : i32
    "tpu.region"() ({
      %run_scoped3A_105 = tpu.sem_alloc : memref<!tpu.dma_semaphore, #tpu.memory_space<semaphore_mem>>
      %dma_start3A_106 = arith.constant 0 : i32
      %dma_start3A_107 = tpu.memref_slice %arg23[%add3A_98, %dma_start3A_106] : memref<10000x64xf32, #tpu.memory_space<vmem_shared>> -> memref<125x64xf32, #tpu.memory_space<vmem_shared>>
      %dma_start3A_108 = arith.constant 0 : i32
      %dma_start3A_109 = tpu.memref_slice %arg23[%add3A_98, %dma_start3A_108] : memref<10000x64xf32, #tpu.memory_space<vmem_shared>> -> memref<125x64xf32, #tpu.memory_space<vmem_shared>>
      tpu.enqueue_dma source(%dma_start3A_109 : memref<125x64xf32, #tpu.memory_space<vmem_shared>>) target(%arg12 : memref<125x64xf32, #tpu.memory_space<vmem>>) target_semaphore(%run_scoped3A_105 : memref<!tpu.dma_semaphore, #tpu.memory_space<semaphore_mem>>)
      %dma_wait3A_110 = arith.constant 0 : i32
      %dma_wait3A_111 = tpu.memref_slice %arg23[%add3A_98, %dma_wait3A_110] : memref<10000x64xf32, #tpu.memory_space<vmem_shared>> -> memref<125x64xf32, #tpu.memory_space<vmem_shared>>
      %dma_wait3A_112 = arith.constant 0 : i32
      %dma_wait3A_113 = tpu.memref_slice %arg23[%add3A_98, %dma_wait3A_112] : memref<10000x64xf32, #tpu.memory_space<vmem_shared>> -> memref<125x64xf32, #tpu.memory_space<vmem_shared>>
      tpu.wait_dma2 semaphore(%run_scoped3A_105 : memref<!tpu.dma_semaphore, #tpu.memory_space<semaphore_mem>>) src(%dma_wait3A_113 : memref<125x64xf32, #tpu.memory_space<vmem_shared>>) dst(%arg12 : memref<125x64xf32, #tpu.memory_space<vmem>>)
      tpu.yield
    }) : () -> ()
    %run_scoped3A_99 = arith.constant 3 : i32
    "tpu.region"() ({
      %run_scoped3A_105 = tpu.sem_alloc : memref<!tpu.dma_semaphore, #tpu.memory_space<semaphore_mem>>
      %dma_start3A_106 = arith.constant 0 : i32
      %dma_start3A_107 = tpu.memref_slice %arg10[%run_scoped3A_99, %dma_start3A_106] : memref<5x125xi32, #tpu.memory_space<vmem>> -> memref<1x125xi32, #tpu.memory_space<vmem>>
      %dma_start3A_108 = tpu.memref_squeeze %dma_start3A_107 : memref<1x125xi32, #tpu.memory_space<vmem>> -> memref<125xi32, #tpu.memory_space<vmem>>
      %dma_start3A_109 = arith.constant 0 : i32
      %dma_start3A_110 = arith.constant 0 : i32
      %dma_start3A_111 = tpu.memref_slice %arg7[%dma_start3A_109, %dma_start3A_110] : memref<20000x64xf32, #tpu.memory_space<hbm>> -> memref<20000x64xf32, #tpu.memory_space<hbm>>
      tpu.enqueue_indirect_dma source(%arg12 : memref<125x64xf32, #tpu.memory_space<vmem>>) target(%dma_start3A_111 : memref<20000x64xf32, #tpu.memory_space<hbm>>) offsets(%dma_start3A_108 : memref<125xi32, #tpu.memory_space<vmem>>) semaphore(%run_scoped3A_105 : memref<!tpu.dma_semaphore, #tpu.memory_space<semaphore_mem>>)
      %dma_wait3A_112 = arith.constant 0 : i32
      %dma_wait3A_113 = tpu.memref_slice %arg10[%run_scoped3A_99, %dma_wait3A_112] : memref<5x125xi32, #tpu.memory_space<vmem>> -> memref<1x125xi32, #tpu.memory_space<vmem>>
      %dma_wait3A_114 = tpu.memref_squeeze %dma_wait3A_113 : memref<1x125xi32, #tpu.memory_space<vmem>> -> memref<125xi32, #tpu.memory_space<vmem>>
      %dma_wait3A_115 = arith.constant 0 : i32
      %dma_wait3A_116 = arith.constant 0 : i32
      %dma_wait3A_117 = tpu.memref_slice %arg7[%dma_wait3A_115, %dma_wait3A_116] : memref<20000x64xf32, #tpu.memory_space<hbm>> -> memref<20000x64xf32, #tpu.memory_space<hbm>>
      tpu.wait_indirect_dma semaphore(%run_scoped3A_105 : memref<!tpu.dma_semaphore, #tpu.memory_space<semaphore_mem>>) src(%arg12 : memref<125x64xf32, #tpu.memory_space<vmem>>) dst(%dma_wait3A_117 : memref<20000x64xf32, #tpu.memory_space<hbm>>)
      tpu.yield
    }) : () -> ()
    %mul3A_100 = arith.constant 625 : i32
    %mul3A_101 = arith.muli %arg1, %mul3A_100 : i32
    %add3A_102 = arith.constant 500 : i32
    %add3A_103 = arith.addi %mul3A_101, %add3A_102 : i32
    "tpu.region"() ({
      %run_scoped3A_105 = tpu.sem_alloc : memref<!tpu.dma_semaphore, #tpu.memory_space<semaphore_mem>>
      %dma_start3A_106 = arith.constant 0 : i32
      %dma_start3A_107 = tpu.memref_slice %arg23[%add3A_103, %dma_start3A_106] : memref<10000x64xf32, #tpu.memory_space<vmem_shared>> -> memref<125x64xf32, #tpu.memory_space<vmem_shared>>
      %dma_start3A_108 = arith.constant 0 : i32
      %dma_start3A_109 = tpu.memref_slice %arg23[%add3A_103, %dma_start3A_108] : memref<10000x64xf32, #tpu.memory_space<vmem_shared>> -> memref<125x64xf32, #tpu.memory_space<vmem_shared>>
      tpu.enqueue_dma source(%dma_start3A_109 : memref<125x64xf32, #tpu.memory_space<vmem_shared>>) target(%arg11 : memref<125x64xf32, #tpu.memory_space<vmem>>) target_semaphore(%run_scoped3A_105 : memref<!tpu.dma_semaphore, #tpu.memory_space<semaphore_mem>>)
      %dma_wait3A_110 = arith.constant 0 : i32
      %dma_wait3A_111 = tpu.memref_slice %arg23[%add3A_103, %dma_wait3A_110] : memref<10000x64xf32, #tpu.memory_space<vmem_shared>> -> memref<125x64xf32, #tpu.memory_space<vmem_shared>>
      %dma_wait3A_112 = arith.constant 0 : i32
      %dma_wait3A_113 = tpu.memref_slice %arg23[%add3A_103, %dma_wait3A_112] : memref<10000x64xf32, #tpu.memory_space<vmem_shared>> -> memref<125x64xf32, #tpu.memory_space<vmem_shared>>
      tpu.wait_dma2 semaphore(%run_scoped3A_105 : memref<!tpu.dma_semaphore, #tpu.memory_space<semaphore_mem>>) src(%dma_wait3A_113 : memref<125x64xf32, #tpu.memory_space<vmem_shared>>) dst(%arg11 : memref<125x64xf32, #tpu.memory_space<vmem>>)
      tpu.yield
    }) : () -> ()
    %run_scoped3A_104 = arith.constant 4 : i32
    "tpu.region"() ({
      %run_scoped3A_105 = tpu.sem_alloc : memref<!tpu.dma_semaphore, #tpu.memory_space<semaphore_mem>>
      %dma_start3A_106 = arith.constant 0 : i32
      %dma_start3A_107 = tpu.memref_slice %arg10[%run_scoped3A_104, %dma_start3A_106] : memref<5x125xi32, #tpu.memory_space<vmem>> -> memref<1x125xi32, #tpu.memory_space<vmem>>
      %dma_start3A_108 = tpu.memref_squeeze %dma_start3A_107 : memref<1x125xi32, #tpu.memory_space<vmem>> -> memref<125xi32, #tpu.memory_space<vmem>>
      %dma_start3A_109 = arith.constant 0 : i32
      %dma_start3A_110 = arith.constant 0 : i32
      %dma_start3A_111 = tpu.memref_slice %arg7[%dma_start3A_109, %dma_start3A_110] : memref<20000x64xf32, #tpu.memory_space<hbm>> -> memref<20000x64xf32, #tpu.memory_space<hbm>>
      tpu.enqueue_indirect_dma source(%arg11 : memref<125x64xf32, #tpu.memory_space<vmem>>) target(%dma_start3A_111 : memref<20000x64xf32, #tpu.memory_space<hbm>>) offsets(%dma_start3A_108 : memref<125xi32, #tpu.memory_space<vmem>>) semaphore(%run_scoped3A_105 : memref<!tpu.dma_semaphore, #tpu.memory_space<semaphore_mem>>)
      %dma_wait3A_112 = arith.constant 0 : i32
      %dma_wait3A_113 = tpu.memref_slice %arg10[%run_scoped3A_104, %dma_wait3A_112] : memref<5x125xi32, #tpu.memory_space<vmem>> -> memref<1x125xi32, #tpu.memory_space<vmem>>
      %dma_wait3A_114 = tpu.memref_squeeze %dma_wait3A_113 : memref<1x125xi32, #tpu.memory_space<vmem>> -> memref<125xi32, #tpu.memory_space<vmem>>
      %dma_wait3A_115 = arith.constant 0 : i32
      %dma_wait3A_116 = arith.constant 0 : i32
      %dma_wait3A_117 = tpu.memref_slice %arg7[%dma_wait3A_115, %dma_wait3A_116] : memref<20000x64xf32, #tpu.memory_space<hbm>> -> memref<20000x64xf32, #tpu.memory_space<hbm>>
      tpu.wait_indirect_dma semaphore(%run_scoped3A_105 : memref<!tpu.dma_semaphore, #tpu.memory_space<semaphore_mem>>) src(%arg11 : memref<125x64xf32, #tpu.memory_space<vmem>>) dst(%dma_wait3A_117 : memref<20000x64xf32, #tpu.memory_space<hbm>>)
      tpu.yield
    }) : () -> ()
    return
  }
}

#map = affine_map<(d0, d1) -> (0, 0)>
#map1 = affine_map<(d0, d1) -> (0, 0, 0)>
module attributes {stable_mosaic.version = 14 : i64} {
  func.func @_agg_kernel(%arg0: i32, %arg1: i32, %arg2: memref<20000x64xf32, #tpu.memory_space<hbm>>, %arg3: memref<16x160x125xi32, #tpu.memory_space<hbm>>, %arg4: memref<16x160x125xi32, #tpu.memory_space<hbm>>, %arg5: memref<16x160x125xi32, #tpu.memory_space<hbm>>, %arg6: memref<32x5x125xi32, #tpu.memory_space<hbm>>, %arg7: memref<20000x64xf32, #tpu.memory_space<hbm>>, %arg8: memref<160x125xi32, #tpu.memory_space<vmem>>, %arg9: memref<160x125xi32, #tpu.memory_space<vmem>>, %arg10: memref<5x125xi32, #tpu.memory_space<vmem>>, %arg11: memref<125x64xf32, #tpu.memory_space<vmem>>, %arg12: memref<125x64xf32, #tpu.memory_space<vmem>>, %arg13: memref<125x64xf32, #tpu.memory_space<vmem>>, %arg14: memref<125x64xf32, #tpu.memory_space<vmem>>, %arg15: memref<!tpu.dma_semaphore, #tpu.memory_space<semaphore_mem>>, %arg16: memref<!tpu.dma_semaphore, #tpu.memory_space<semaphore_mem>>, %arg17: memref<!tpu.dma_semaphore, #tpu.memory_space<semaphore_mem>>, %arg18: memref<!tpu.dma_semaphore, #tpu.memory_space<semaphore_mem>>, %arg19: memref<!tpu.dma_semaphore, #tpu.memory_space<semaphore_mem>>, %arg20: memref<!tpu.dma_semaphore, #tpu.memory_space<semaphore_mem>>, %arg21: memref<!tpu.dma_semaphore, #tpu.memory_space<semaphore_mem>>, %arg22: memref<!tpu.dma_semaphore, #tpu.memory_space<semaphore_mem>>, %arg23: memref<10000x64xf32, #tpu.memory_space<vmem_shared>>) attributes {dimension_semantics = [#tpu.dimension_semantics<core_parallel>, #tpu.dimension_semantics<subcore_parallel>], iteration_bounds = array<i64: 2, 16>, scalar_prefetch = 0 : i64, scratch_operands = 16 : i64, tpu.core_type = #tpu.core_type<sc_vector_subcore>, window_params = [{transform_indices = #map}, {transform_indices = #map1}, {transform_indices = #map1}, {transform_indices = #map1}, {transform_indices = #map1}, {transform_indices = #map}]} {
    %eq3A = arith.constant 0 : i32
    %eq3A_0 = arith.cmpi eq, %arg0, %eq3A : i32
    %convert_element_type3A = arith.extui %eq3A_0 : i1 to i32
    %cond3A = arith.constant 0 : i32
    %cond3A_1 = arith.cmpi ne, %convert_element_type3A, %cond3A : i32
    scf.if %cond3A_1 {
      "tpu.region"() ({
        %run_scoped3A_105 = tpu.sem_alloc : memref<!tpu.dma_semaphore, #tpu.memory_space<semaphore_mem>>
        %dma_start3A_106 = arith.constant 0 : i32
        %dma_start3A_107 = arith.constant 0 : i32
        %dma_start3A_108 = tpu.memref_slice %arg3[%arg1, %dma_start3A_106, %dma_start3A_107] : memref<16x160x125xi32, #tpu.memory_space<hbm>> -> memref<1x160x125xi32, #tpu.memory_space<hbm>>
        %dma_start3A_109 = tpu.memref_squeeze %dma_start3A_108 : memref<1x160x125xi32, #tpu.memory_space<hbm>> -> memref<160x125xi32, #tpu.memory_space<hbm>>
        %dma_start3A_110 = arith.constant 0 : i32
        %dma_start3A_111 = arith.constant 0 : i32
        %dma_start3A_112 = tpu.memref_slice %arg3[%arg1, %dma_start3A_110, %dma_start3A_111] : memref<16x160x125xi32, #tpu.memory_space<hbm>> -> memref<1x160x125xi32, #tpu.memory_space<hbm>>
        %dma_start3A_113 = tpu.memref_squeeze %dma_start3A_112 : memref<1x160x125xi32, #tpu.memory_space<hbm>> -> memref<160x125xi32, #tpu.memory_space<hbm>>
        tpu.enqueue_dma source(%dma_start3A_113 : memref<160x125xi32, #tpu.memory_space<hbm>>) target(%arg8 : memref<160x125xi32, #tpu.memory_space<vmem>>) target_semaphore(%run_scoped3A_105 : memref<!tpu.dma_semaphore, #tpu.memory_space<semaphore_mem>>)
        %dma_wait3A_114 = arith.constant 0 : i32
        %dma_wait3A_115 = arith.constant 0 : i32
        %dma_wait3A_116 = tpu.memref_slice %arg3[%arg1, %dma_wait3A_114, %dma_wait3A_115] : memref<16x160x125xi32, #tpu.memory_space<hbm>> -> memref<1x160x125xi32, #tpu.memory_space<hbm>>
        %dma_wait3A_117 = tpu.memref_squeeze %dma_wait3A_116 : memref<1x160x125xi32, #tpu.memory_space<hbm>> -> memref<160x125xi32, #tpu.memory_space<hbm>>
        %dma_wait3A_118 = arith.constant 0 : i32
        %dma_wait3A_119 = arith.constant 0 : i32
        %dma_wait3A_120 = tpu.memref_slice %arg3[%arg1, %dma_wait3A_118, %dma_wait3A_119] : memref<16x160x125xi32, #tpu.memory_space<hbm>> -> memref<1x160x125xi32, #tpu.memory_space<hbm>>
        %dma_wait3A_121 = tpu.memref_squeeze %dma_wait3A_120 : memref<1x160x125xi32, #tpu.memory_space<hbm>> -> memref<160x125xi32, #tpu.memory_space<hbm>>
        tpu.wait_dma2 semaphore(%run_scoped3A_105 : memref<!tpu.dma_semaphore, #tpu.memory_space<semaphore_mem>>) src(%dma_wait3A_121 : memref<160x125xi32, #tpu.memory_space<hbm>>) dst(%arg8 : memref<160x125xi32, #tpu.memory_space<vmem>>)
        tpu.yield
      }) : () -> ()
    } else {
    }
    %eq3A_2 = arith.constant 1 : i32
    %eq3A_3 = arith.cmpi eq, %arg0, %eq3A_2 : i32
    %convert_element_type3A_4 = arith.extui %eq3A_3 : i1 to i32
    %cond3A_5 = arith.constant 0 : i32
    %cond3A_6 = arith.cmpi ne, %convert_element_type3A_4, %cond3A_5 : i32
    scf.if %cond3A_6 {
      "tpu.region"() ({
        %run_scoped3A_105 = tpu.sem_alloc : memref<!tpu.dma_semaphore, #tpu.memory_space<semaphore_mem>>
        %dma_start3A_106 = arith.constant 0 : i32
        %dma_start3A_107 = arith.constant 0 : i32
        %dma_start3A_108 = tpu.memref_slice %arg4[%arg1, %dma_start3A_106, %dma_start3A_107] : memref<16x160x125xi32, #tpu.memory_space<hbm>> -> memref<1x160x125xi32, #tpu.memory_space<hbm>>
        %dma_start3A_109 = tpu.memref_squeeze %dma_start3A_108 : memref<1x160x125xi32, #tpu.memory_space<hbm>> -> memref<160x125xi32, #tpu.memory_space<hbm>>
        %dma_start3A_110 = arith.constant 0 : i32
        %dma_start3A_111 = arith.constant 0 : i32
        %dma_start3A_112 = tpu.memref_slice %arg4[%arg1, %dma_start3A_110, %dma_start3A_111] : memref<16x160x125xi32, #tpu.memory_space<hbm>> -> memref<1x160x125xi32, #tpu.memory_space<hbm>>
        %dma_start3A_113 = tpu.memref_squeeze %dma_start3A_112 : memref<1x160x125xi32, #tpu.memory_space<hbm>> -> memref<160x125xi32, #tpu.memory_space<hbm>>
        tpu.enqueue_dma source(%dma_start3A_113 : memref<160x125xi32, #tpu.memory_space<hbm>>) target(%arg8 : memref<160x125xi32, #tpu.memory_space<vmem>>) target_semaphore(%run_scoped3A_105 : memref<!tpu.dma_semaphore, #tpu.memory_space<semaphore_mem>>)
        %dma_wait3A_114 = arith.constant 0 : i32
        %dma_wait3A_115 = arith.constant 0 : i32
        %dma_wait3A_116 = tpu.memref_slice %arg4[%arg1, %dma_wait3A_114, %dma_wait3A_115] : memref<16x160x125xi32, #tpu.memory_space<hbm>> -> memref<1x160x125xi32, #tpu.memory_space<hbm>>
        %dma_wait3A_117 = tpu.memref_squeeze %dma_wait3A_116 : memref<1x160x125xi32, #tpu.memory_space<hbm>> -> memref<160x125xi32, #tpu.memory_space<hbm>>
        %dma_wait3A_118 = arith.constant 0 : i32
        %dma_wait3A_119 = arith.constant 0 : i32
        %dma_wait3A_120 = tpu.memref_slice %arg4[%arg1, %dma_wait3A_118, %dma_wait3A_119] : memref<16x160x125xi32, #tpu.memory_space<hbm>> -> memref<1x160x125xi32, #tpu.memory_space<hbm>>
        %dma_wait3A_121 = tpu.memref_squeeze %dma_wait3A_120 : memref<1x160x125xi32, #tpu.memory_space<hbm>> -> memref<160x125xi32, #tpu.memory_space<hbm>>
        tpu.wait_dma2 semaphore(%run_scoped3A_105 : memref<!tpu.dma_semaphore, #tpu.memory_space<semaphore_mem>>) src(%dma_wait3A_121 : memref<160x125xi32, #tpu.memory_space<hbm>>) dst(%arg8 : memref<160x125xi32, #tpu.memory_space<vmem>>)
        tpu.yield
      }) : () -> ()
    } else {
    }
    "tpu.region"() ({
      %run_scoped3A_105 = tpu.sem_alloc : memref<!tpu.dma_semaphore, #tpu.memory_space<semaphore_mem>>
      %dma_start3A_106 = arith.constant 0 : i32
      %dma_start3A_107 = arith.constant 0 : i32
      %dma_start3A_108 = tpu.memref_slice %arg5[%arg1, %dma_start3A_106, %dma_start3A_107] : memref<16x160x125xi32, #tpu.memory_space<hbm>> -> memref<1x160x125xi32, #tpu.memory_space<hbm>>
      %dma_start3A_109 = tpu.memref_squeeze %dma_start3A_108 : memref<1x160x125xi32, #tpu.memory_space<hbm>> -> memref<160x125xi32, #tpu.memory_space<hbm>>
      %dma_start3A_110 = arith.constant 0 : i32
      %dma_start3A_111 = arith.constant 0 : i32
      %dma_start3A_112 = tpu.memref_slice %arg5[%arg1, %dma_start3A_110, %dma_start3A_111] : memref<16x160x125xi32, #tpu.memory_space<hbm>> -> memref<1x160x125xi32, #tpu.memory_space<hbm>>
      %dma_start3A_113 = tpu.memref_squeeze %dma_start3A_112 : memref<1x160x125xi32, #tpu.memory_space<hbm>> -> memref<160x125xi32, #tpu.memory_space<hbm>>
      tpu.enqueue_dma source(%dma_start3A_113 : memref<160x125xi32, #tpu.memory_space<hbm>>) target(%arg9 : memref<160x125xi32, #tpu.memory_space<vmem>>) target_semaphore(%run_scoped3A_105 : memref<!tpu.dma_semaphore, #tpu.memory_space<semaphore_mem>>)
      %dma_wait3A_114 = arith.constant 0 : i32
      %dma_wait3A_115 = arith.constant 0 : i32
      %dma_wait3A_116 = tpu.memref_slice %arg5[%arg1, %dma_wait3A_114, %dma_wait3A_115] : memref<16x160x125xi32, #tpu.memory_space<hbm>> -> memref<1x160x125xi32, #tpu.memory_space<hbm>>
      %dma_wait3A_117 = tpu.memref_squeeze %dma_wait3A_116 : memref<1x160x125xi32, #tpu.memory_space<hbm>> -> memref<160x125xi32, #tpu.memory_space<hbm>>
      %dma_wait3A_118 = arith.constant 0 : i32
      %dma_wait3A_119 = arith.constant 0 : i32
      %dma_wait3A_120 = tpu.memref_slice %arg5[%arg1, %dma_wait3A_118, %dma_wait3A_119] : memref<16x160x125xi32, #tpu.memory_space<hbm>> -> memref<1x160x125xi32, #tpu.memory_space<hbm>>
      %dma_wait3A_121 = tpu.memref_squeeze %dma_wait3A_120 : memref<1x160x125xi32, #tpu.memory_space<hbm>> -> memref<160x125xi32, #tpu.memory_space<hbm>>
      tpu.wait_dma2 semaphore(%run_scoped3A_105 : memref<!tpu.dma_semaphore, #tpu.memory_space<semaphore_mem>>) src(%dma_wait3A_121 : memref<160x125xi32, #tpu.memory_space<hbm>>) dst(%arg9 : memref<160x125xi32, #tpu.memory_space<vmem>>)
      tpu.yield
    }) : () -> ()
    %mul3A = arith.constant 16 : i32
    %mul3A_7 = arith.muli %arg0, %mul3A : i32
    %add3A = arith.addi %mul3A_7, %arg1 : i32
    "tpu.region"() ({
      %run_scoped3A_105 = tpu.sem_alloc : memref<!tpu.dma_semaphore, #tpu.memory_space<semaphore_mem>>
      %dma_start3A_106 = arith.constant 0 : i32
      %dma_start3A_107 = arith.constant 0 : i32
      %dma_start3A_108 = tpu.memref_slice %arg6[%add3A, %dma_start3A_106, %dma_start3A_107] : memref<32x5x125xi32, #tpu.memory_space<hbm>> -> memref<1x5x125xi32, #tpu.memory_space<hbm>>
      %dma_start3A_109 = tpu.memref_squeeze %dma_start3A_108 : memref<1x5x125xi32, #tpu.memory_space<hbm>> -> memref<5x125xi32, #tpu.memory_space<hbm>>
      %dma_start3A_110 = arith.constant 0 : i32
      %dma_start3A_111 = arith.constant 0 : i32
      %dma_start3A_112 = tpu.memref_slice %arg6[%add3A, %dma_start3A_110, %dma_start3A_111] : memref<32x5x125xi32, #tpu.memory_space<hbm>> -> memref<1x5x125xi32, #tpu.memory_space<hbm>>
      %dma_start3A_113 = tpu.memref_squeeze %dma_start3A_112 : memref<1x5x125xi32, #tpu.memory_space<hbm>> -> memref<5x125xi32, #tpu.memory_space<hbm>>
      tpu.enqueue_dma source(%dma_start3A_113 : memref<5x125xi32, #tpu.memory_space<hbm>>) target(%arg10 : memref<5x125xi32, #tpu.memory_space<vmem>>) target_semaphore(%run_scoped3A_105 : memref<!tpu.dma_semaphore, #tpu.memory_space<semaphore_mem>>)
      %dma_wait3A_114 = arith.constant 0 : i32
      %dma_wait3A_115 = arith.constant 0 : i32
      %dma_wait3A_116 = tpu.memref_slice %arg6[%add3A, %dma_wait3A_114, %dma_wait3A_115] : memref<32x5x125xi32, #tpu.memory_space<hbm>> -> memref<1x5x125xi32, #tpu.memory_space<hbm>>
      %dma_wait3A_117 = tpu.memref_squeeze %dma_wait3A_116 : memref<1x5x125xi32, #tpu.memory_space<hbm>> -> memref<5x125xi32, #tpu.memory_space<hbm>>
      %dma_wait3A_118 = arith.constant 0 : i32
      %dma_wait3A_119 = arith.constant 0 : i32
      %dma_wait3A_120 = tpu.memref_slice %arg6[%add3A, %dma_wait3A_118, %dma_wait3A_119] : memref<32x5x125xi32, #tpu.memory_space<hbm>> -> memref<1x5x125xi32, #tpu.memory_space<hbm>>
      %dma_wait3A_121 = tpu.memref_squeeze %dma_wait3A_120 : memref<1x5x125xi32, #tpu.memory_space<hbm>> -> memref<5x125xi32, #tpu.memory_space<hbm>>
      tpu.wait_dma2 semaphore(%run_scoped3A_105 : memref<!tpu.dma_semaphore, #tpu.memory_space<semaphore_mem>>) src(%dma_wait3A_121 : memref<5x125xi32, #tpu.memory_space<hbm>>) dst(%arg10 : memref<5x125xi32, #tpu.memory_space<vmem>>)
      tpu.yield
    }) : () -> ()
    %broadcast_in_dim3A = arith.constant 0.000000e+00 : f32
    %broadcast_in_dim3A_8 = vector.broadcast %broadcast_in_dim3A : f32 to vector<16xf32>
    %scan3A = arith.constant 0 : i32
    %scan3A_9 = arith.constant 0 : i32
    %scan3A_10 = arith.constant 125 : i32
    %scan3A_11 = arith.addi %scan3A_9, %scan3A_10 : i32
    %scan3A_12 = arith.constant 1 : i32
    scf.for %scan3A_105 = %scan3A_9 to %scan3A_11 step %scan3A_12  : i32 {
      %swap3A = arith.index_cast %scan3A_105 : i32 to index
      %swap3A_106 = arith.constant 0 : index
      %swap3A_107 = tpu.vector_load %arg11[%swap3A, %swap3A_106] {strides = array<i32>} : memref<125x64xf32, #tpu.memory_space<vmem>>, vector<1x16xf32>,
      %swap3A_108 = vector.shape_cast %swap3A_107 : vector<1x16xf32> to vector<16xf32>
      %swap3A_109 = vector.shape_cast %broadcast_in_dim3A_8 : vector<16xf32> to vector<1x16xf32>
      tpu.vector_store %arg11[%swap3A, %swap3A_106], %swap3A_109 {strides = array<i32>} : memref<125x64xf32, #tpu.memory_space<vmem>>, vector<1x16xf32>,
      %swap3A_110 = arith.index_cast %scan3A_105 : i32 to index
      %swap3A_111 = arith.constant 16 : index
      %swap3A_112 = tpu.vector_load %arg11[%swap3A_110, %swap3A_111] {strides = array<i32>} : memref<125x64xf32, #tpu.memory_space<vmem>>, vector<1x16xf32>,
      %swap3A_113 = vector.shape_cast %swap3A_112 : vector<1x16xf32> to vector<16xf32>
      %swap3A_114 = vector.shape_cast %broadcast_in_dim3A_8 : vector<16xf32> to vector<1x16xf32>
      tpu.vector_store %arg11[%swap3A_110, %swap3A_111], %swap3A_114 {strides = array<i32>} : memref<125x64xf32, #tpu.memory_space<vmem>>, vector<1x16xf32>,
      %swap3A_115 = arith.index_cast %scan3A_105 : i32 to index
      %swap3A_116 = arith.constant 32 : index
      %swap3A_117 = tpu.vector_load %arg11[%swap3A_115, %swap3A_116] {strides = array<i32>} : memref<125x64xf32, #tpu.memory_space<vmem>>, vector<1x16xf32>,
      %swap3A_118 = vector.shape_cast %swap3A_117 : vector<1x16xf32> to vector<16xf32>
      %swap3A_119 = vector.shape_cast %broadcast_in_dim3A_8 : vector<16xf32> to vector<1x16xf32>
      tpu.vector_store %arg11[%swap3A_115, %swap3A_116], %swap3A_119 {strides = array<i32>} : memref<125x64xf32, #tpu.memory_space<vmem>>, vector<1x16xf32>,
      %swap3A_120 = arith.index_cast %scan3A_105 : i32 to index
      %swap3A_121 = arith.constant 48 : index
      %swap3A_122 = tpu.vector_load %arg11[%swap3A_120, %swap3A_121] {strides = array<i32>} : memref<125x64xf32, #tpu.memory_space<vmem>>, vector<1x16xf32>,
      %swap3A_123 = vector.shape_cast %swap3A_122 : vector<1x16xf32> to vector<16xf32>
      %swap3A_124 = vector.shape_cast %broadcast_in_dim3A_8 : vector<16xf32> to vector<1x16xf32>
      tpu.vector_store %arg11[%swap3A_120, %swap3A_121], %swap3A_124 {strides = array<i32>} : memref<125x64xf32, #tpu.memory_space<vmem>>, vector<1x16xf32>,
    }
    %scan3A_13 = arith.constant 125 : i32
    %mul3A_14 = arith.constant 625 : i32
    %mul3A_15 = arith.muli %arg1, %mul3A_14 : i32
    %add3A_16 = arith.constant 0 : i32
    %add3A_17 = arith.addi %mul3A_15, %add3A_16 : i32
    "tpu.region"() ({
      %run_scoped3A_105 = tpu.sem_alloc : memref<!tpu.dma_semaphore, #tpu.memory_space<semaphore_mem>>
      %dma_start3A_106 = arith.constant 0 : i32
      %dma_start3A_107 = tpu.memref_slice %arg23[%add3A_17, %dma_start3A_106] : memref<10000x64xf32, #tpu.memory_space<vmem_shared>> -> memref<125x64xf32, #tpu.memory_space<vmem_shared>>
      %dma_start3A_108 = arith.constant 0 : i32
      %dma_start3A_109 = tpu.memref_slice %arg23[%add3A_17, %dma_start3A_108] : memref<10000x64xf32, #tpu.memory_space<vmem_shared>> -> memref<125x64xf32, #tpu.memory_space<vmem_shared>>
      tpu.enqueue_dma source(%arg11 : memref<125x64xf32, #tpu.memory_space<vmem>>) target(%dma_start3A_109 : memref<125x64xf32, #tpu.memory_space<vmem_shared>>) target_semaphore(%run_scoped3A_105 : memref<!tpu.dma_semaphore, #tpu.memory_space<semaphore_mem>>)
      %dma_wait3A_110 = arith.constant 0 : i32
      %dma_wait3A_111 = tpu.memref_slice %arg23[%add3A_17, %dma_wait3A_110] : memref<10000x64xf32, #tpu.memory_space<vmem_shared>> -> memref<125x64xf32, #tpu.memory_space<vmem_shared>>
      %dma_wait3A_112 = arith.constant 0 : i32
      %dma_wait3A_113 = tpu.memref_slice %arg23[%add3A_17, %dma_wait3A_112] : memref<10000x64xf32, #tpu.memory_space<vmem_shared>> -> memref<125x64xf32, #tpu.memory_space<vmem_shared>>
      tpu.wait_dma2 semaphore(%run_scoped3A_105 : memref<!tpu.dma_semaphore, #tpu.memory_space<semaphore_mem>>) src(%arg11 : memref<125x64xf32, #tpu.memory_space<vmem>>) dst(%dma_wait3A_113 : memref<125x64xf32, #tpu.memory_space<vmem_shared>>)
      tpu.yield
    }) : () -> ()
    %mul3A_18 = arith.constant 625 : i32
    %mul3A_19 = arith.muli %arg1, %mul3A_18 : i32
    %add3A_20 = arith.constant 125 : i32
    %add3A_21 = arith.addi %mul3A_19, %add3A_20 : i32
    "tpu.region"() ({
      %run_scoped3A_105 = tpu.sem_alloc : memref<!tpu.dma_semaphore, #tpu.memory_space<semaphore_mem>>
      %dma_start3A_106 = arith.constant 0 : i32
      %dma_start3A_107 = tpu.memref_slice %arg23[%add3A_21, %dma_start3A_106] : memref<10000x64xf32, #tpu.memory_space<vmem_shared>> -> memref<125x64xf32, #tpu.memory_space<vmem_shared>>
      %dma_start3A_108 = arith.constant 0 : i32
      %dma_start3A_109 = tpu.memref_slice %arg23[%add3A_21, %dma_start3A_108] : memref<10000x64xf32, #tpu.memory_space<vmem_shared>> -> memref<125x64xf32, #tpu.memory_space<vmem_shared>>
      tpu.enqueue_dma source(%arg11 : memref<125x64xf32, #tpu.memory_space<vmem>>) target(%dma_start3A_109 : memref<125x64xf32, #tpu.memory_space<vmem_shared>>) target_semaphore(%run_scoped3A_105 : memref<!tpu.dma_semaphore, #tpu.memory_space<semaphore_mem>>)
      %dma_wait3A_110 = arith.constant 0 : i32
      %dma_wait3A_111 = tpu.memref_slice %arg23[%add3A_21, %dma_wait3A_110] : memref<10000x64xf32, #tpu.memory_space<vmem_shared>> -> memref<125x64xf32, #tpu.memory_space<vmem_shared>>
      %dma_wait3A_112 = arith.constant 0 : i32
      %dma_wait3A_113 = tpu.memref_slice %arg23[%add3A_21, %dma_wait3A_112] : memref<10000x64xf32, #tpu.memory_space<vmem_shared>> -> memref<125x64xf32, #tpu.memory_space<vmem_shared>>
      tpu.wait_dma2 semaphore(%run_scoped3A_105 : memref<!tpu.dma_semaphore, #tpu.memory_space<semaphore_mem>>) src(%arg11 : memref<125x64xf32, #tpu.memory_space<vmem>>) dst(%dma_wait3A_113 : memref<125x64xf32, #tpu.memory_space<vmem_shared>>)
      tpu.yield
    }) : () -> ()
    %mul3A_22 = arith.constant 625 : i32
    %mul3A_23 = arith.muli %arg1, %mul3A_22 : i32
    %add3A_24 = arith.constant 250 : i32
    %add3A_25 = arith.addi %mul3A_23, %add3A_24 : i32
    "tpu.region"() ({
      %run_scoped3A_105 = tpu.sem_alloc : memref<!tpu.dma_semaphore, #tpu.memory_space<semaphore_mem>>
      %dma_start3A_106 = arith.constant 0 : i32
      %dma_start3A_107 = tpu.memref_slice %arg23[%add3A_25, %dma_start3A_106] : memref<10000x64xf32, #tpu.memory_space<vmem_shared>> -> memref<125x64xf32, #tpu.memory_space<vmem_shared>>
      %dma_start3A_108 = arith.constant 0 : i32
      %dma_start3A_109 = tpu.memref_slice %arg23[%add3A_25, %dma_start3A_108] : memref<10000x64xf32, #tpu.memory_space<vmem_shared>> -> memref<125x64xf32, #tpu.memory_space<vmem_shared>>
      tpu.enqueue_dma source(%arg11 : memref<125x64xf32, #tpu.memory_space<vmem>>) target(%dma_start3A_109 : memref<125x64xf32, #tpu.memory_space<vmem_shared>>) target_semaphore(%run_scoped3A_105 : memref<!tpu.dma_semaphore, #tpu.memory_space<semaphore_mem>>)
      %dma_wait3A_110 = arith.constant 0 : i32
      %dma_wait3A_111 = tpu.memref_slice %arg23[%add3A_25, %dma_wait3A_110] : memref<10000x64xf32, #tpu.memory_space<vmem_shared>> -> memref<125x64xf32, #tpu.memory_space<vmem_shared>>
      %dma_wait3A_112 = arith.constant 0 : i32
      %dma_wait3A_113 = tpu.memref_slice %arg23[%add3A_25, %dma_wait3A_112] : memref<10000x64xf32, #tpu.memory_space<vmem_shared>> -> memref<125x64xf32, #tpu.memory_space<vmem_shared>>
      tpu.wait_dma2 semaphore(%run_scoped3A_105 : memref<!tpu.dma_semaphore, #tpu.memory_space<semaphore_mem>>) src(%arg11 : memref<125x64xf32, #tpu.memory_space<vmem>>) dst(%dma_wait3A_113 : memref<125x64xf32, #tpu.memory_space<vmem_shared>>)
      tpu.yield
    }) : () -> ()
    %mul3A_26 = arith.constant 625 : i32
    %mul3A_27 = arith.muli %arg1, %mul3A_26 : i32
    %add3A_28 = arith.constant 375 : i32
    %add3A_29 = arith.addi %mul3A_27, %add3A_28 : i32
    "tpu.region"() ({
      %run_scoped3A_105 = tpu.sem_alloc : memref<!tpu.dma_semaphore, #tpu.memory_space<semaphore_mem>>
      %dma_start3A_106 = arith.constant 0 : i32
      %dma_start3A_107 = tpu.memref_slice %arg23[%add3A_29, %dma_start3A_106] : memref<10000x64xf32, #tpu.memory_space<vmem_shared>> -> memref<125x64xf32, #tpu.memory_space<vmem_shared>>
      %dma_start3A_108 = arith.constant 0 : i32
      %dma_start3A_109 = tpu.memref_slice %arg23[%add3A_29, %dma_start3A_108] : memref<10000x64xf32, #tpu.memory_space<vmem_shared>> -> memref<125x64xf32, #tpu.memory_space<vmem_shared>>
      tpu.enqueue_dma source(%arg11 : memref<125x64xf32, #tpu.memory_space<vmem>>) target(%dma_start3A_109 : memref<125x64xf32, #tpu.memory_space<vmem_shared>>) target_semaphore(%run_scoped3A_105 : memref<!tpu.dma_semaphore, #tpu.memory_space<semaphore_mem>>)
      %dma_wait3A_110 = arith.constant 0 : i32
      %dma_wait3A_111 = tpu.memref_slice %arg23[%add3A_29, %dma_wait3A_110] : memref<10000x64xf32, #tpu.memory_space<vmem_shared>> -> memref<125x64xf32, #tpu.memory_space<vmem_shared>>
      %dma_wait3A_112 = arith.constant 0 : i32
      %dma_wait3A_113 = tpu.memref_slice %arg23[%add3A_29, %dma_wait3A_112] : memref<10000x64xf32, #tpu.memory_space<vmem_shared>> -> memref<125x64xf32, #tpu.memory_space<vmem_shared>>
      tpu.wait_dma2 semaphore(%run_scoped3A_105 : memref<!tpu.dma_semaphore, #tpu.memory_space<semaphore_mem>>) src(%arg11 : memref<125x64xf32, #tpu.memory_space<vmem>>) dst(%dma_wait3A_113 : memref<125x64xf32, #tpu.memory_space<vmem_shared>>)
      tpu.yield
    }) : () -> ()
    %mul3A_30 = arith.constant 625 : i32
    %mul3A_31 = arith.muli %arg1, %mul3A_30 : i32
    %add3A_32 = arith.constant 500 : i32
    %add3A_33 = arith.addi %mul3A_31, %add3A_32 : i32
    "tpu.region"() ({
      %run_scoped3A_105 = tpu.sem_alloc : memref<!tpu.dma_semaphore, #tpu.memory_space<semaphore_mem>>
      %dma_start3A_106 = arith.constant 0 : i32
      %dma_start3A_107 = tpu.memref_slice %arg23[%add3A_33, %dma_start3A_106] : memref<10000x64xf32, #tpu.memory_space<vmem_shared>> -> memref<125x64xf32, #tpu.memory_space<vmem_shared>>
      %dma_start3A_108 = arith.constant 0 : i32
      %dma_start3A_109 = tpu.memref_slice %arg23[%add3A_33, %dma_start3A_108] : memref<10000x64xf32, #tpu.memory_space<vmem_shared>> -> memref<125x64xf32, #tpu.memory_space<vmem_shared>>
      tpu.enqueue_dma source(%arg11 : memref<125x64xf32, #tpu.memory_space<vmem>>) target(%dma_start3A_109 : memref<125x64xf32, #tpu.memory_space<vmem_shared>>) target_semaphore(%run_scoped3A_105 : memref<!tpu.dma_semaphore, #tpu.memory_space<semaphore_mem>>)
      %dma_wait3A_110 = arith.constant 0 : i32
      %dma_wait3A_111 = tpu.memref_slice %arg23[%add3A_33, %dma_wait3A_110] : memref<10000x64xf32, #tpu.memory_space<vmem_shared>> -> memref<125x64xf32, #tpu.memory_space<vmem_shared>>
      %dma_wait3A_112 = arith.constant 0 : i32
      %dma_wait3A_113 = tpu.memref_slice %arg23[%add3A_33, %dma_wait3A_112] : memref<10000x64xf32, #tpu.memory_space<vmem_shared>> -> memref<125x64xf32, #tpu.memory_space<vmem_shared>>
      tpu.wait_dma2 semaphore(%run_scoped3A_105 : memref<!tpu.dma_semaphore, #tpu.memory_space<semaphore_mem>>) src(%arg11 : memref<125x64xf32, #tpu.memory_space<vmem>>) dst(%dma_wait3A_113 : memref<125x64xf32, #tpu.memory_space<vmem_shared>>)
      tpu.yield
    }) : () -> ()
    %barrier3A = arith.constant 0 : index
    tpu.barrier barrier_id(%barrier3A)
    %dma_start3A = arith.constant 0 : i32
    %dma_start3A_34 = arith.constant 0 : i32
    %dma_start3A_35 = tpu.memref_slice %arg8[%dma_start3A, %dma_start3A_34] : memref<160x125xi32, #tpu.memory_space<vmem>> -> memref<1x125xi32, #tpu.memory_space<vmem>>
    %dma_start3A_36 = tpu.memref_squeeze %dma_start3A_35 : memref<1x125xi32, #tpu.memory_space<vmem>> -> memref<125xi32, #tpu.memory_space<vmem>>
    %dma_start3A_37 = arith.constant 0 : i32
    %dma_start3A_38 = arith.constant 0 : i32
    %dma_start3A_39 = tpu.memref_slice %arg2[%dma_start3A_37, %dma_start3A_38] : memref<20000x64xf32, #tpu.memory_space<hbm>> -> memref<20000x64xf32, #tpu.memory_space<hbm>>
    tpu.enqueue_indirect_dma source(%dma_start3A_39 : memref<20000x64xf32, #tpu.memory_space<hbm>>) target(%arg11 : memref<125x64xf32, #tpu.memory_space<vmem>>) offsets(%dma_start3A_36 : memref<125xi32, #tpu.memory_space<vmem>>) semaphore(%arg15 : memref<!tpu.dma_semaphore, #tpu.memory_space<semaphore_mem>>)
    %dma_start3A_40 = arith.constant 1 : i32
    %dma_start3A_41 = arith.constant 0 : i32
    %dma_start3A_42 = tpu.memref_slice %arg8[%dma_start3A_40, %dma_start3A_41] : memref<160x125xi32, #tpu.memory_space<vmem>> -> memref<1x125xi32, #tpu.memory_space<vmem>>
    %dma_start3A_43 = tpu.memref_squeeze %dma_start3A_42 : memref<1x125xi32, #tpu.memory_space<vmem>> -> memref<125xi32, #tpu.memory_space<vmem>>
    %dma_start3A_44 = arith.constant 0 : i32
    %dma_start3A_45 = arith.constant 0 : i32
    %dma_start3A_46 = tpu.memref_slice %arg2[%dma_start3A_44, %dma_start3A_45] : memref<20000x64xf32, #tpu.memory_space<hbm>> -> memref<20000x64xf32, #tpu.memory_space<hbm>>
    tpu.enqueue_indirect_dma source(%dma_start3A_46 : memref<20000x64xf32, #tpu.memory_space<hbm>>) target(%arg12 : memref<125x64xf32, #tpu.memory_space<vmem>>) offsets(%dma_start3A_43 : memref<125xi32, #tpu.memory_space<vmem>>) semaphore(%arg16 : memref<!tpu.dma_semaphore, #tpu.memory_space<semaphore_mem>>)
    %scan3A_47 = arith.constant 0 : i32
    %scan3A_48 = arith.constant 0 : i32
    %scan3A_49 = arith.constant 40 : i32
    %scan3A_50 = arith.addi %scan3A_48, %scan3A_49 : i32
    %scan3A_51 = arith.constant 1 : i32
    scf.for %scan3A_105 = %scan3A_48 to %scan3A_50 step %scan3A_51  : i32 {
      %mul3A_106 = arith.constant 4 : i32
      %mul3A_107 = arith.muli %mul3A_106, %scan3A_105 : i32
      %add3A_108 = arith.constant 0 : i32
      %add3A_109 = arith.addi %mul3A_107, %add3A_108 : i32
      %dma_wait3A_110 = arith.constant 0 : i32
      %dma_wait3A_111 = tpu.memref_slice %arg8[%add3A_109, %dma_wait3A_110] : memref<160x125xi32, #tpu.memory_space<vmem>> -> memref<1x125xi32, #tpu.memory_space<vmem>>
      %dma_wait3A_112 = tpu.memref_squeeze %dma_wait3A_111 : memref<1x125xi32, #tpu.memory_space<vmem>> -> memref<125xi32, #tpu.memory_space<vmem>>
      %dma_wait3A_113 = arith.constant 0 : i32
      %dma_wait3A_114 = arith.constant 0 : i32
      %dma_wait3A_115 = tpu.memref_slice %arg2[%dma_wait3A_113, %dma_wait3A_114] : memref<20000x64xf32, #tpu.memory_space<hbm>> -> memref<20000x64xf32, #tpu.memory_space<hbm>>
      tpu.wait_indirect_dma semaphore(%arg15 : memref<!tpu.dma_semaphore, #tpu.memory_space<semaphore_mem>>) src(%dma_wait3A_115 : memref<20000x64xf32, #tpu.memory_space<hbm>>) dst(%arg11 : memref<125x64xf32, #tpu.memory_space<vmem>>)
      %dma_start3A_116 = arith.constant 0 : i32
      %dma_start3A_117 = tpu.memref_slice %arg9[%add3A_109, %dma_start3A_116] : memref<160x125xi32, #tpu.memory_space<vmem>> -> memref<1x125xi32, #tpu.memory_space<vmem>>
      %dma_start3A_118 = tpu.memref_squeeze %dma_start3A_117 : memref<1x125xi32, #tpu.memory_space<vmem>> -> memref<125xi32, #tpu.memory_space<vmem>>
      %dma_start3A_119 = arith.constant 0 : i32
      %dma_start3A_120 = arith.constant 0 : i32
      %dma_start3A_121 = tpu.memref_slice %arg23[%dma_start3A_119, %dma_start3A_120] : memref<10000x64xf32, #tpu.memory_space<vmem_shared>> -> memref<10000x64xf32, #tpu.memory_space<vmem_shared>>
      tpu.enqueue_indirect_dma source(%arg11 : memref<125x64xf32, #tpu.memory_space<vmem>>) target(%dma_start3A_121 : memref<10000x64xf32, #tpu.memory_space<vmem_shared>>) offsets(%dma_start3A_118 : memref<125xi32, #tpu.memory_space<vmem>>) semaphore(%arg19 : memref<!tpu.dma_semaphore, #tpu.memory_space<semaphore_mem>>) {add = true}
      %add3A_122 = arith.constant 2 : i32
      %add3A_123 = arith.addi %add3A_109, %add3A_122 : i32
      %lt3A = arith.constant 160 : i32
      %lt3A_124 = arith.cmpi slt, %add3A_123, %lt3A : i32
      %convert_element_type3A_125 = arith.extui %lt3A_124 : i1 to i32
      %cond3A_126 = arith.constant 0 : i32
      %cond3A_127 = arith.cmpi ne, %convert_element_type3A_125, %cond3A_126 : i32
      scf.if %cond3A_127 {
        %ge3A = arith.constant 2 : i32
        %ge3A_191 = arith.cmpi sge, %add3A_109, %ge3A : i32
        %convert_element_type3A_192 = arith.extui %ge3A_191 : i1 to i32
        %cond3A_193 = arith.constant 0 : i32
        %cond3A_194 = arith.cmpi ne, %convert_element_type3A_192, %cond3A_193 : i32
        scf.if %cond3A_194 {
          %sub3A = arith.constant 2 : i32
          %sub3A_203 = arith.subi %add3A_109, %sub3A : i32
          %dma_wait3A_204 = arith.constant 0 : i32
          %dma_wait3A_205 = tpu.memref_slice %arg9[%sub3A_203, %dma_wait3A_204] : memref<160x125xi32, #tpu.memory_space<vmem>> -> memref<1x125xi32, #tpu.memory_space<vmem>>
          %dma_wait3A_206 = tpu.memref_squeeze %dma_wait3A_205 : memref<1x125xi32, #tpu.memory_space<vmem>> -> memref<125xi32, #tpu.memory_space<vmem>>
          %dma_wait3A_207 = arith.constant 0 : i32
          %dma_wait3A_208 = arith.constant 0 : i32
          %dma_wait3A_209 = tpu.memref_slice %arg23[%dma_wait3A_207, %dma_wait3A_208] : memref<10000x64xf32, #tpu.memory_space<vmem_shared>> -> memref<10000x64xf32, #tpu.memory_space<vmem_shared>>
          tpu.wait_indirect_dma semaphore(%arg21 : memref<!tpu.dma_semaphore, #tpu.memory_space<semaphore_mem>>) src(%arg13 : memref<125x64xf32, #tpu.memory_space<vmem>>) dst(%dma_wait3A_209 : memref<10000x64xf32, #tpu.memory_space<vmem_shared>>)
        } else {
        }
        %add3A_195 = arith.constant 2 : i32
        %add3A_196 = arith.addi %add3A_109, %add3A_195 : i32
        %dma_start3A_197 = arith.constant 0 : i32
        %dma_start3A_198 = tpu.memref_slice %arg8[%add3A_196, %dma_start3A_197] : memref<160x125xi32, #tpu.memory_space<vmem>> -> memref<1x125xi32, #tpu.memory_space<vmem>>
        %dma_start3A_199 = tpu.memref_squeeze %dma_start3A_198 : memref<1x125xi32, #tpu.memory_space<vmem>> -> memref<125xi32, #tpu.memory_space<vmem>>
        %dma_start3A_200 = arith.constant 0 : i32
        %dma_start3A_201 = arith.constant 0 : i32
        %dma_start3A_202 = tpu.memref_slice %arg2[%dma_start3A_200, %dma_start3A_201] : memref<20000x64xf32, #tpu.memory_space<hbm>> -> memref<20000x64xf32, #tpu.memory_space<hbm>>
        tpu.enqueue_indirect_dma source(%dma_start3A_202 : memref<20000x64xf32, #tpu.memory_space<hbm>>) target(%arg13 : memref<125x64xf32, #tpu.memory_space<vmem>>) offsets(%dma_start3A_199 : memref<125xi32, #tpu.memory_space<vmem>>) semaphore(%arg17 : memref<!tpu.dma_semaphore, #tpu.memory_space<semaphore_mem>>)
      } else {
      }
      %add3A_128 = arith.constant 1 : i32
      %add3A_129 = arith.addi %mul3A_107, %add3A_128 : i32
      %dma_wait3A_130 = arith.constant 0 : i32
      %dma_wait3A_131 = tpu.memref_slice %arg8[%add3A_129, %dma_wait3A_130] : memref<160x125xi32, #tpu.memory_space<vmem>> -> memref<1x125xi32, #tpu.memory_space<vmem>>
      %dma_wait3A_132 = tpu.memref_squeeze %dma_wait3A_131 : memref<1x125xi32, #tpu.memory_space<vmem>> -> memref<125xi32, #tpu.memory_space<vmem>>
      %dma_wait3A_133 = arith.constant 0 : i32
      %dma_wait3A_134 = arith.constant 0 : i32
      %dma_wait3A_135 = tpu.memref_slice %arg2[%dma_wait3A_133, %dma_wait3A_134] : memref<20000x64xf32, #tpu.memory_space<hbm>> -> memref<20000x64xf32, #tpu.memory_space<hbm>>
      tpu.wait_indirect_dma semaphore(%arg16 : memref<!tpu.dma_semaphore, #tpu.memory_space<semaphore_mem>>) src(%dma_wait3A_135 : memref<20000x64xf32, #tpu.memory_space<hbm>>) dst(%arg12 : memref<125x64xf32, #tpu.memory_space<vmem>>)
      %dma_start3A_136 = arith.constant 0 : i32
      %dma_start3A_137 = tpu.memref_slice %arg9[%add3A_129, %dma_start3A_136] : memref<160x125xi32, #tpu.memory_space<vmem>> -> memref<1x125xi32, #tpu.memory_space<vmem>>
      %dma_start3A_138 = tpu.memref_squeeze %dma_start3A_137 : memref<1x125xi32, #tpu.memory_space<vmem>> -> memref<125xi32, #tpu.memory_space<vmem>>
      %dma_start3A_139 = arith.constant 0 : i32
      %dma_start3A_140 = arith.constant 0 : i32
      %dma_start3A_141 = tpu.memref_slice %arg23[%dma_start3A_139, %dma_start3A_140] : memref<10000x64xf32, #tpu.memory_space<vmem_shared>> -> memref<10000x64xf32, #tpu.memory_space<vmem_shared>>
      tpu.enqueue_indirect_dma source(%arg12 : memref<125x64xf32, #tpu.memory_space<vmem>>) target(%dma_start3A_141 : memref<10000x64xf32, #tpu.memory_space<vmem_shared>>) offsets(%dma_start3A_138 : memref<125xi32, #tpu.memory_space<vmem>>) semaphore(%arg20 : memref<!tpu.dma_semaphore, #tpu.memory_space<semaphore_mem>>) {add = true}
      %add3A_142 = arith.constant 2 : i32
      %add3A_143 = arith.addi %add3A_129, %add3A_142 : i32
      %lt3A_144 = arith.constant 160 : i32
      %lt3A_145 = arith.cmpi slt, %add3A_143, %lt3A_144 : i32
      %convert_element_type3A_146 = arith.extui %lt3A_145 : i1 to i32
      %cond3A_147 = arith.constant 0 : i32
      %cond3A_148 = arith.cmpi ne, %convert_element_type3A_146, %cond3A_147 : i32
      scf.if %cond3A_148 {
        %ge3A = arith.constant 2 : i32
        %ge3A_191 = arith.cmpi sge, %add3A_129, %ge3A : i32
        %convert_element_type3A_192 = arith.extui %ge3A_191 : i1 to i32
        %cond3A_193 = arith.constant 0 : i32
        %cond3A_194 = arith.cmpi ne, %convert_element_type3A_192, %cond3A_193 : i32
        scf.if %cond3A_194 {
          %sub3A = arith.constant 2 : i32
          %sub3A_203 = arith.subi %add3A_129, %sub3A : i32
          %dma_wait3A_204 = arith.constant 0 : i32
          %dma_wait3A_205 = tpu.memref_slice %arg9[%sub3A_203, %dma_wait3A_204] : memref<160x125xi32, #tpu.memory_space<vmem>> -> memref<1x125xi32, #tpu.memory_space<vmem>>
          %dma_wait3A_206 = tpu.memref_squeeze %dma_wait3A_205 : memref<1x125xi32, #tpu.memory_space<vmem>> -> memref<125xi32, #tpu.memory_space<vmem>>
          %dma_wait3A_207 = arith.constant 0 : i32
          %dma_wait3A_208 = arith.constant 0 : i32
          %dma_wait3A_209 = tpu.memref_slice %arg23[%dma_wait3A_207, %dma_wait3A_208] : memref<10000x64xf32, #tpu.memory_space<vmem_shared>> -> memref<10000x64xf32, #tpu.memory_space<vmem_shared>>
          tpu.wait_indirect_dma semaphore(%arg22 : memref<!tpu.dma_semaphore, #tpu.memory_space<semaphore_mem>>) src(%arg14 : memref<125x64xf32, #tpu.memory_space<vmem>>) dst(%dma_wait3A_209 : memref<10000x64xf32, #tpu.memory_space<vmem_shared>>)
        } else {
        }
        %add3A_195 = arith.constant 2 : i32
        %add3A_196 = arith.addi %add3A_129, %add3A_195 : i32
        %dma_start3A_197 = arith.constant 0 : i32
        %dma_start3A_198 = tpu.memref_slice %arg8[%add3A_196, %dma_start3A_197] : memref<160x125xi32, #tpu.memory_space<vmem>> -> memref<1x125xi32, #tpu.memory_space<vmem>>
        %dma_start3A_199 = tpu.memref_squeeze %dma_start3A_198 : memref<1x125xi32, #tpu.memory_space<vmem>> -> memref<125xi32, #tpu.memory_space<vmem>>
        %dma_start3A_200 = arith.constant 0 : i32
        %dma_start3A_201 = arith.constant 0 : i32
        %dma_start3A_202 = tpu.memref_slice %arg2[%dma_start3A_200, %dma_start3A_201] : memref<20000x64xf32, #tpu.memory_space<hbm>> -> memref<20000x64xf32, #tpu.memory_space<hbm>>
        tpu.enqueue_indirect_dma source(%dma_start3A_202 : memref<20000x64xf32, #tpu.memory_space<hbm>>) target(%arg14 : memref<125x64xf32, #tpu.memory_space<vmem>>) offsets(%dma_start3A_199 : memref<125xi32, #tpu.memory_space<vmem>>) semaphore(%arg18 : memref<!tpu.dma_semaphore, #tpu.memory_space<semaphore_mem>>)
      } else {
      }
      %add3A_149 = arith.constant 2 : i32
      %add3A_150 = arith.addi %mul3A_107, %add3A_149 : i32
      %dma_wait3A_151 = arith.constant 0 : i32
      %dma_wait3A_152 = tpu.memref_slice %arg8[%add3A_150, %dma_wait3A_151] : memref<160x125xi32, #tpu.memory_space<vmem>> -> memref<1x125xi32, #tpu.memory_space<vmem>>
      %dma_wait3A_153 = tpu.memref_squeeze %dma_wait3A_152 : memref<1x125xi32, #tpu.memory_space<vmem>> -> memref<125xi32, #tpu.memory_space<vmem>>
      %dma_wait3A_154 = arith.constant 0 : i32
      %dma_wait3A_155 = arith.constant 0 : i32
      %dma_wait3A_156 = tpu.memref_slice %arg2[%dma_wait3A_154, %dma_wait3A_155] : memref<20000x64xf32, #tpu.memory_space<hbm>> -> memref<20000x64xf32, #tpu.memory_space<hbm>>
      tpu.wait_indirect_dma semaphore(%arg17 : memref<!tpu.dma_semaphore, #tpu.memory_space<semaphore_mem>>) src(%dma_wait3A_156 : memref<20000x64xf32, #tpu.memory_space<hbm>>) dst(%arg13 : memref<125x64xf32, #tpu.memory_space<vmem>>)
      %dma_start3A_157 = arith.constant 0 : i32
      %dma_start3A_158 = tpu.memref_slice %arg9[%add3A_150, %dma_start3A_157] : memref<160x125xi32, #tpu.memory_space<vmem>> -> memref<1x125xi32, #tpu.memory_space<vmem>>
      %dma_start3A_159 = tpu.memref_squeeze %dma_start3A_158 : memref<1x125xi32, #tpu.memory_space<vmem>> -> memref<125xi32, #tpu.memory_space<vmem>>
      %dma_start3A_160 = arith.constant 0 : i32
      %dma_start3A_161 = arith.constant 0 : i32
      %dma_start3A_162 = tpu.memref_slice %arg23[%dma_start3A_160, %dma_start3A_161] : memref<10000x64xf32, #tpu.memory_space<vmem_shared>> -> memref<10000x64xf32, #tpu.memory_space<vmem_shared>>
      tpu.enqueue_indirect_dma source(%arg13 : memref<125x64xf32, #tpu.memory_space<vmem>>) target(%dma_start3A_162 : memref<10000x64xf32, #tpu.memory_space<vmem_shared>>) offsets(%dma_start3A_159 : memref<125xi32, #tpu.memory_space<vmem>>) semaphore(%arg21 : memref<!tpu.dma_semaphore, #tpu.memory_space<semaphore_mem>>) {add = true}
      %add3A_163 = arith.constant 2 : i32
      %add3A_164 = arith.addi %add3A_150, %add3A_163 : i32
      %lt3A_165 = arith.constant 160 : i32
      %lt3A_166 = arith.cmpi slt, %add3A_164, %lt3A_165 : i32
      %convert_element_type3A_167 = arith.extui %lt3A_166 : i1 to i32
      %cond3A_168 = arith.constant 0 : i32
      %cond3A_169 = arith.cmpi ne, %convert_element_type3A_167, %cond3A_168 : i32
      scf.if %cond3A_169 {
        %ge3A = arith.constant 2 : i32
        %ge3A_191 = arith.cmpi sge, %add3A_150, %ge3A : i32
        %convert_element_type3A_192 = arith.extui %ge3A_191 : i1 to i32
        %cond3A_193 = arith.constant 0 : i32
        %cond3A_194 = arith.cmpi ne, %convert_element_type3A_192, %cond3A_193 : i32
        scf.if %cond3A_194 {
          %sub3A = arith.constant 2 : i32
          %sub3A_203 = arith.subi %add3A_150, %sub3A : i32
          %dma_wait3A_204 = arith.constant 0 : i32
          %dma_wait3A_205 = tpu.memref_slice %arg9[%sub3A_203, %dma_wait3A_204] : memref<160x125xi32, #tpu.memory_space<vmem>> -> memref<1x125xi32, #tpu.memory_space<vmem>>
          %dma_wait3A_206 = tpu.memref_squeeze %dma_wait3A_205 : memref<1x125xi32, #tpu.memory_space<vmem>> -> memref<125xi32, #tpu.memory_space<vmem>>
          %dma_wait3A_207 = arith.constant 0 : i32
          %dma_wait3A_208 = arith.constant 0 : i32
          %dma_wait3A_209 = tpu.memref_slice %arg23[%dma_wait3A_207, %dma_wait3A_208] : memref<10000x64xf32, #tpu.memory_space<vmem_shared>> -> memref<10000x64xf32, #tpu.memory_space<vmem_shared>>
          tpu.wait_indirect_dma semaphore(%arg19 : memref<!tpu.dma_semaphore, #tpu.memory_space<semaphore_mem>>) src(%arg11 : memref<125x64xf32, #tpu.memory_space<vmem>>) dst(%dma_wait3A_209 : memref<10000x64xf32, #tpu.memory_space<vmem_shared>>)
        } else {
        }
        %add3A_195 = arith.constant 2 : i32
        %add3A_196 = arith.addi %add3A_150, %add3A_195 : i32
        %dma_start3A_197 = arith.constant 0 : i32
        %dma_start3A_198 = tpu.memref_slice %arg8[%add3A_196, %dma_start3A_197] : memref<160x125xi32, #tpu.memory_space<vmem>> -> memref<1x125xi32, #tpu.memory_space<vmem>>
        %dma_start3A_199 = tpu.memref_squeeze %dma_start3A_198 : memref<1x125xi32, #tpu.memory_space<vmem>> -> memref<125xi32, #tpu.memory_space<vmem>>
        %dma_start3A_200 = arith.constant 0 : i32
        %dma_start3A_201 = arith.constant 0 : i32
        %dma_start3A_202 = tpu.memref_slice %arg2[%dma_start3A_200, %dma_start3A_201] : memref<20000x64xf32, #tpu.memory_space<hbm>> -> memref<20000x64xf32, #tpu.memory_space<hbm>>
        tpu.enqueue_indirect_dma source(%dma_start3A_202 : memref<20000x64xf32, #tpu.memory_space<hbm>>) target(%arg11 : memref<125x64xf32, #tpu.memory_space<vmem>>) offsets(%dma_start3A_199 : memref<125xi32, #tpu.memory_space<vmem>>) semaphore(%arg15 : memref<!tpu.dma_semaphore, #tpu.memory_space<semaphore_mem>>)
      } else {
      }
      %add3A_170 = arith.constant 3 : i32
      %add3A_171 = arith.addi %mul3A_107, %add3A_170 : i32
      %dma_wait3A_172 = arith.constant 0 : i32
      %dma_wait3A_173 = tpu.memref_slice %arg8[%add3A_171, %dma_wait3A_172] : memref<160x125xi32, #tpu.memory_space<vmem>> -> memref<1x125xi32, #tpu.memory_space<vmem>>
      %dma_wait3A_174 = tpu.memref_squeeze %dma_wait3A_173 : memref<1x125xi32, #tpu.memory_space<vmem>> -> memref<125xi32, #tpu.memory_space<vmem>>
      %dma_wait3A_175 = arith.constant 0 : i32
      %dma_wait3A_176 = arith.constant 0 : i32
      %dma_wait3A_177 = tpu.memref_slice %arg2[%dma_wait3A_175, %dma_wait3A_176] : memref<20000x64xf32, #tpu.memory_space<hbm>> -> memref<20000x64xf32, #tpu.memory_space<hbm>>
      tpu.wait_indirect_dma semaphore(%arg18 : memref<!tpu.dma_semaphore, #tpu.memory_space<semaphore_mem>>) src(%dma_wait3A_177 : memref<20000x64xf32, #tpu.memory_space<hbm>>) dst(%arg14 : memref<125x64xf32, #tpu.memory_space<vmem>>)
      %dma_start3A_178 = arith.constant 0 : i32
      %dma_start3A_179 = tpu.memref_slice %arg9[%add3A_171, %dma_start3A_178] : memref<160x125xi32, #tpu.memory_space<vmem>> -> memref<1x125xi32, #tpu.memory_space<vmem>>
      %dma_start3A_180 = tpu.memref_squeeze %dma_start3A_179 : memref<1x125xi32, #tpu.memory_space<vmem>> -> memref<125xi32, #tpu.memory_space<vmem>>
      %dma_start3A_181 = arith.constant 0 : i32
      %dma_start3A_182 = arith.constant 0 : i32
      %dma_start3A_183 = tpu.memref_slice %arg23[%dma_start3A_181, %dma_start3A_182] : memref<10000x64xf32, #tpu.memory_space<vmem_shared>> -> memref<10000x64xf32, #tpu.memory_space<vmem_shared>>
      tpu.enqueue_indirect_dma source(%arg14 : memref<125x64xf32, #tpu.memory_space<vmem>>) target(%dma_start3A_183 : memref<10000x64xf32, #tpu.memory_space<vmem_shared>>) offsets(%dma_start3A_180 : memref<125xi32, #tpu.memory_space<vmem>>) semaphore(%arg22 : memref<!tpu.dma_semaphore, #tpu.memory_space<semaphore_mem>>) {add = true}
      %add3A_184 = arith.constant 2 : i32
      %add3A_185 = arith.addi %add3A_171, %add3A_184 : i32
      %lt3A_186 = arith.constant 160 : i32
      %lt3A_187 = arith.cmpi slt, %add3A_185, %lt3A_186 : i32
      %convert_element_type3A_188 = arith.extui %lt3A_187 : i1 to i32
      %cond3A_189 = arith.constant 0 : i32
      %cond3A_190 = arith.cmpi ne, %convert_element_type3A_188, %cond3A_189 : i32
      scf.if %cond3A_190 {
        %ge3A = arith.constant 2 : i32
        %ge3A_191 = arith.cmpi sge, %add3A_171, %ge3A : i32
        %convert_element_type3A_192 = arith.extui %ge3A_191 : i1 to i32
        %cond3A_193 = arith.constant 0 : i32
        %cond3A_194 = arith.cmpi ne, %convert_element_type3A_192, %cond3A_193 : i32
        scf.if %cond3A_194 {
          %sub3A = arith.constant 2 : i32
          %sub3A_203 = arith.subi %add3A_171, %sub3A : i32
          %dma_wait3A_204 = arith.constant 0 : i32
          %dma_wait3A_205 = tpu.memref_slice %arg9[%sub3A_203, %dma_wait3A_204] : memref<160x125xi32, #tpu.memory_space<vmem>> -> memref<1x125xi32, #tpu.memory_space<vmem>>
          %dma_wait3A_206 = tpu.memref_squeeze %dma_wait3A_205 : memref<1x125xi32, #tpu.memory_space<vmem>> -> memref<125xi32, #tpu.memory_space<vmem>>
          %dma_wait3A_207 = arith.constant 0 : i32
          %dma_wait3A_208 = arith.constant 0 : i32
          %dma_wait3A_209 = tpu.memref_slice %arg23[%dma_wait3A_207, %dma_wait3A_208] : memref<10000x64xf32, #tpu.memory_space<vmem_shared>> -> memref<10000x64xf32, #tpu.memory_space<vmem_shared>>
          tpu.wait_indirect_dma semaphore(%arg20 : memref<!tpu.dma_semaphore, #tpu.memory_space<semaphore_mem>>) src(%arg12 : memref<125x64xf32, #tpu.memory_space<vmem>>) dst(%dma_wait3A_209 : memref<10000x64xf32, #tpu.memory_space<vmem_shared>>)
        } else {
        }
        %add3A_195 = arith.constant 2 : i32
        %add3A_196 = arith.addi %add3A_171, %add3A_195 : i32
        %dma_start3A_197 = arith.constant 0 : i32
        %dma_start3A_198 = tpu.memref_slice %arg8[%add3A_196, %dma_start3A_197] : memref<160x125xi32, #tpu.memory_space<vmem>> -> memref<1x125xi32, #tpu.memory_space<vmem>>
        %dma_start3A_199 = tpu.memref_squeeze %dma_start3A_198 : memref<1x125xi32, #tpu.memory_space<vmem>> -> memref<125xi32, #tpu.memory_space<vmem>>
        %dma_start3A_200 = arith.constant 0 : i32
        %dma_start3A_201 = arith.constant 0 : i32
        %dma_start3A_202 = tpu.memref_slice %arg2[%dma_start3A_200, %dma_start3A_201] : memref<20000x64xf32, #tpu.memory_space<hbm>> -> memref<20000x64xf32, #tpu.memory_space<hbm>>
        tpu.enqueue_indirect_dma source(%dma_start3A_202 : memref<20000x64xf32, #tpu.memory_space<hbm>>) target(%arg12 : memref<125x64xf32, #tpu.memory_space<vmem>>) offsets(%dma_start3A_199 : memref<125xi32, #tpu.memory_space<vmem>>) semaphore(%arg16 : memref<!tpu.dma_semaphore, #tpu.memory_space<semaphore_mem>>)
      } else {
      }
    }
    %scan3A_52 = arith.constant 40 : i32
    %dma_wait3A = arith.constant 156 : i32
    %dma_wait3A_53 = arith.constant 0 : i32
    %dma_wait3A_54 = tpu.memref_slice %arg9[%dma_wait3A, %dma_wait3A_53] : memref<160x125xi32, #tpu.memory_space<vmem>> -> memref<1x125xi32, #tpu.memory_space<vmem>>
    %dma_wait3A_55 = tpu.memref_squeeze %dma_wait3A_54 : memref<1x125xi32, #tpu.memory_space<vmem>> -> memref<125xi32, #tpu.memory_space<vmem>>
    %dma_wait3A_56 = arith.constant 0 : i32
    %dma_wait3A_57 = arith.constant 0 : i32
    %dma_wait3A_58 = tpu.memref_slice %arg23[%dma_wait3A_56, %dma_wait3A_57] : memref<10000x64xf32, #tpu.memory_space<vmem_shared>> -> memref<10000x64xf32, #tpu.memory_space<vmem_shared>>
    tpu.wait_indirect_dma semaphore(%arg19 : memref<!tpu.dma_semaphore, #tpu.memory_space<semaphore_mem>>) src(%arg11 : memref<125x64xf32, #tpu.memory_space<vmem>>) dst(%dma_wait3A_58 : memref<10000x64xf32, #tpu.memory_space<vmem_shared>>)
    %dma_wait3A_59 = arith.constant 157 : i32
    %dma_wait3A_60 = arith.constant 0 : i32
    %dma_wait3A_61 = tpu.memref_slice %arg9[%dma_wait3A_59, %dma_wait3A_60] : memref<160x125xi32, #tpu.memory_space<vmem>> -> memref<1x125xi32, #tpu.memory_space<vmem>>
    %dma_wait3A_62 = tpu.memref_squeeze %dma_wait3A_61 : memref<1x125xi32, #tpu.memory_space<vmem>> -> memref<125xi32, #tpu.memory_space<vmem>>
    %dma_wait3A_63 = arith.constant 0 : i32
    %dma_wait3A_64 = arith.constant 0 : i32
    %dma_wait3A_65 = tpu.memref_slice %arg23[%dma_wait3A_63, %dma_wait3A_64] : memref<10000x64xf32, #tpu.memory_space<vmem_shared>> -> memref<10000x64xf32, #tpu.memory_space<vmem_shared>>
    tpu.wait_indirect_dma semaphore(%arg20 : memref<!tpu.dma_semaphore, #tpu.memory_space<semaphore_mem>>) src(%arg12 : memref<125x64xf32, #tpu.memory_space<vmem>>) dst(%dma_wait3A_65 : memref<10000x64xf32, #tpu.memory_space<vmem_shared>>)
    %dma_wait3A_66 = arith.constant 158 : i32
    %dma_wait3A_67 = arith.constant 0 : i32
    %dma_wait3A_68 = tpu.memref_slice %arg9[%dma_wait3A_66, %dma_wait3A_67] : memref<160x125xi32, #tpu.memory_space<vmem>> -> memref<1x125xi32, #tpu.memory_space<vmem>>
    %dma_wait3A_69 = tpu.memref_squeeze %dma_wait3A_68 : memref<1x125xi32, #tpu.memory_space<vmem>> -> memref<125xi32, #tpu.memory_space<vmem>>
    %dma_wait3A_70 = arith.constant 0 : i32
    %dma_wait3A_71 = arith.constant 0 : i32
    %dma_wait3A_72 = tpu.memref_slice %arg23[%dma_wait3A_70, %dma_wait3A_71] : memref<10000x64xf32, #tpu.memory_space<vmem_shared>> -> memref<10000x64xf32, #tpu.memory_space<vmem_shared>>
    tpu.wait_indirect_dma semaphore(%arg21 : memref<!tpu.dma_semaphore, #tpu.memory_space<semaphore_mem>>) src(%arg13 : memref<125x64xf32, #tpu.memory_space<vmem>>) dst(%dma_wait3A_72 : memref<10000x64xf32, #tpu.memory_space<vmem_shared>>)
    %dma_wait3A_73 = arith.constant 159 : i32
    %dma_wait3A_74 = arith.constant 0 : i32
    %dma_wait3A_75 = tpu.memref_slice %arg9[%dma_wait3A_73, %dma_wait3A_74] : memref<160x125xi32, #tpu.memory_space<vmem>> -> memref<1x125xi32, #tpu.memory_space<vmem>>
    %dma_wait3A_76 = tpu.memref_squeeze %dma_wait3A_75 : memref<1x125xi32, #tpu.memory_space<vmem>> -> memref<125xi32, #tpu.memory_space<vmem>>
    %dma_wait3A_77 = arith.constant 0 : i32
    %dma_wait3A_78 = arith.constant 0 : i32
    %dma_wait3A_79 = tpu.memref_slice %arg23[%dma_wait3A_77, %dma_wait3A_78] : memref<10000x64xf32, #tpu.memory_space<vmem_shared>> -> memref<10000x64xf32, #tpu.memory_space<vmem_shared>>
    tpu.wait_indirect_dma semaphore(%arg22 : memref<!tpu.dma_semaphore, #tpu.memory_space<semaphore_mem>>) src(%arg14 : memref<125x64xf32, #tpu.memory_space<vmem>>) dst(%dma_wait3A_79 : memref<10000x64xf32, #tpu.memory_space<vmem_shared>>)
    %barrier3A_80 = arith.constant 0 : index
    tpu.barrier barrier_id(%barrier3A_80)
    %mul3A_81 = arith.constant 625 : i32
    %mul3A_82 = arith.muli %arg1, %mul3A_81 : i32
    %add3A_83 = arith.constant 0 : i32
    %add3A_84 = arith.addi %mul3A_82, %add3A_83 : i32
    "tpu.region"() ({
      %run_scoped3A_105 = tpu.sem_alloc : memref<!tpu.dma_semaphore, #tpu.memory_space<semaphore_mem>>
      %dma_start3A_106 = arith.constant 0 : i32
      %dma_start3A_107 = tpu.memref_slice %arg23[%add3A_84, %dma_start3A_106] : memref<10000x64xf32, #tpu.memory_space<vmem_shared>> -> memref<125x64xf32, #tpu.memory_space<vmem_shared>>
      %dma_start3A_108 = arith.constant 0 : i32
      %dma_start3A_109 = tpu.memref_slice %arg23[%add3A_84, %dma_start3A_108] : memref<10000x64xf32, #tpu.memory_space<vmem_shared>> -> memref<125x64xf32, #tpu.memory_space<vmem_shared>>
      tpu.enqueue_dma source(%dma_start3A_109 : memref<125x64xf32, #tpu.memory_space<vmem_shared>>) target(%arg11 : memref<125x64xf32, #tpu.memory_space<vmem>>) target_semaphore(%run_scoped3A_105 : memref<!tpu.dma_semaphore, #tpu.memory_space<semaphore_mem>>)
      %dma_wait3A_110 = arith.constant 0 : i32
      %dma_wait3A_111 = tpu.memref_slice %arg23[%add3A_84, %dma_wait3A_110] : memref<10000x64xf32, #tpu.memory_space<vmem_shared>> -> memref<125x64xf32, #tpu.memory_space<vmem_shared>>
      %dma_wait3A_112 = arith.constant 0 : i32
      %dma_wait3A_113 = tpu.memref_slice %arg23[%add3A_84, %dma_wait3A_112] : memref<10000x64xf32, #tpu.memory_space<vmem_shared>> -> memref<125x64xf32, #tpu.memory_space<vmem_shared>>
      tpu.wait_dma2 semaphore(%run_scoped3A_105 : memref<!tpu.dma_semaphore, #tpu.memory_space<semaphore_mem>>) src(%dma_wait3A_113 : memref<125x64xf32, #tpu.memory_space<vmem_shared>>) dst(%arg11 : memref<125x64xf32, #tpu.memory_space<vmem>>)
      tpu.yield
    }) : () -> ()
    %run_scoped3A = arith.constant 0 : i32
    "tpu.region"() ({
      %run_scoped3A_105 = tpu.sem_alloc : memref<!tpu.dma_semaphore, #tpu.memory_space<semaphore_mem>>
      %dma_start3A_106 = arith.constant 0 : i32
      %dma_start3A_107 = tpu.memref_slice %arg10[%run_scoped3A, %dma_start3A_106] : memref<5x125xi32, #tpu.memory_space<vmem>> -> memref<1x125xi32, #tpu.memory_space<vmem>>
      %dma_start3A_108 = tpu.memref_squeeze %dma_start3A_107 : memref<1x125xi32, #tpu.memory_space<vmem>> -> memref<125xi32, #tpu.memory_space<vmem>>
      %dma_start3A_109 = arith.constant 0 : i32
      %dma_start3A_110 = arith.constant 0 : i32
      %dma_start3A_111 = tpu.memref_slice %arg7[%dma_start3A_109, %dma_start3A_110] : memref<20000x64xf32, #tpu.memory_space<hbm>> -> memref<20000x64xf32, #tpu.memory_space<hbm>>
      tpu.enqueue_indirect_dma source(%arg11 : memref<125x64xf32, #tpu.memory_space<vmem>>) target(%dma_start3A_111 : memref<20000x64xf32, #tpu.memory_space<hbm>>) offsets(%dma_start3A_108 : memref<125xi32, #tpu.memory_space<vmem>>) semaphore(%run_scoped3A_105 : memref<!tpu.dma_semaphore, #tpu.memory_space<semaphore_mem>>)
      %dma_wait3A_112 = arith.constant 0 : i32
      %dma_wait3A_113 = tpu.memref_slice %arg10[%run_scoped3A, %dma_wait3A_112] : memref<5x125xi32, #tpu.memory_space<vmem>> -> memref<1x125xi32, #tpu.memory_space<vmem>>
      %dma_wait3A_114 = tpu.memref_squeeze %dma_wait3A_113 : memref<1x125xi32, #tpu.memory_space<vmem>> -> memref<125xi32, #tpu.memory_space<vmem>>
      %dma_wait3A_115 = arith.constant 0 : i32
      %dma_wait3A_116 = arith.constant 0 : i32
      %dma_wait3A_117 = tpu.memref_slice %arg7[%dma_wait3A_115, %dma_wait3A_116] : memref<20000x64xf32, #tpu.memory_space<hbm>> -> memref<20000x64xf32, #tpu.memory_space<hbm>>
      tpu.wait_indirect_dma semaphore(%run_scoped3A_105 : memref<!tpu.dma_semaphore, #tpu.memory_space<semaphore_mem>>) src(%arg11 : memref<125x64xf32, #tpu.memory_space<vmem>>) dst(%dma_wait3A_117 : memref<20000x64xf32, #tpu.memory_space<hbm>>)
      tpu.yield
    }) : () -> ()
    %mul3A_85 = arith.constant 625 : i32
    %mul3A_86 = arith.muli %arg1, %mul3A_85 : i32
    %add3A_87 = arith.constant 125 : i32
    %add3A_88 = arith.addi %mul3A_86, %add3A_87 : i32
    "tpu.region"() ({
      %run_scoped3A_105 = tpu.sem_alloc : memref<!tpu.dma_semaphore, #tpu.memory_space<semaphore_mem>>
      %dma_start3A_106 = arith.constant 0 : i32
      %dma_start3A_107 = tpu.memref_slice %arg23[%add3A_88, %dma_start3A_106] : memref<10000x64xf32, #tpu.memory_space<vmem_shared>> -> memref<125x64xf32, #tpu.memory_space<vmem_shared>>
      %dma_start3A_108 = arith.constant 0 : i32
      %dma_start3A_109 = tpu.memref_slice %arg23[%add3A_88, %dma_start3A_108] : memref<10000x64xf32, #tpu.memory_space<vmem_shared>> -> memref<125x64xf32, #tpu.memory_space<vmem_shared>>
      tpu.enqueue_dma source(%dma_start3A_109 : memref<125x64xf32, #tpu.memory_space<vmem_shared>>) target(%arg12 : memref<125x64xf32, #tpu.memory_space<vmem>>) target_semaphore(%run_scoped3A_105 : memref<!tpu.dma_semaphore, #tpu.memory_space<semaphore_mem>>)
      %dma_wait3A_110 = arith.constant 0 : i32
      %dma_wait3A_111 = tpu.memref_slice %arg23[%add3A_88, %dma_wait3A_110] : memref<10000x64xf32, #tpu.memory_space<vmem_shared>> -> memref<125x64xf32, #tpu.memory_space<vmem_shared>>
      %dma_wait3A_112 = arith.constant 0 : i32
      %dma_wait3A_113 = tpu.memref_slice %arg23[%add3A_88, %dma_wait3A_112] : memref<10000x64xf32, #tpu.memory_space<vmem_shared>> -> memref<125x64xf32, #tpu.memory_space<vmem_shared>>
      tpu.wait_dma2 semaphore(%run_scoped3A_105 : memref<!tpu.dma_semaphore, #tpu.memory_space<semaphore_mem>>) src(%dma_wait3A_113 : memref<125x64xf32, #tpu.memory_space<vmem_shared>>) dst(%arg12 : memref<125x64xf32, #tpu.memory_space<vmem>>)
      tpu.yield
    }) : () -> ()
    %run_scoped3A_89 = arith.constant 1 : i32
    "tpu.region"() ({
      %run_scoped3A_105 = tpu.sem_alloc : memref<!tpu.dma_semaphore, #tpu.memory_space<semaphore_mem>>
      %dma_start3A_106 = arith.constant 0 : i32
      %dma_start3A_107 = tpu.memref_slice %arg10[%run_scoped3A_89, %dma_start3A_106] : memref<5x125xi32, #tpu.memory_space<vmem>> -> memref<1x125xi32, #tpu.memory_space<vmem>>
      %dma_start3A_108 = tpu.memref_squeeze %dma_start3A_107 : memref<1x125xi32, #tpu.memory_space<vmem>> -> memref<125xi32, #tpu.memory_space<vmem>>
      %dma_start3A_109 = arith.constant 0 : i32
      %dma_start3A_110 = arith.constant 0 : i32
      %dma_start3A_111 = tpu.memref_slice %arg7[%dma_start3A_109, %dma_start3A_110] : memref<20000x64xf32, #tpu.memory_space<hbm>> -> memref<20000x64xf32, #tpu.memory_space<hbm>>
      tpu.enqueue_indirect_dma source(%arg12 : memref<125x64xf32, #tpu.memory_space<vmem>>) target(%dma_start3A_111 : memref<20000x64xf32, #tpu.memory_space<hbm>>) offsets(%dma_start3A_108 : memref<125xi32, #tpu.memory_space<vmem>>) semaphore(%run_scoped3A_105 : memref<!tpu.dma_semaphore, #tpu.memory_space<semaphore_mem>>)
      %dma_wait3A_112 = arith.constant 0 : i32
      %dma_wait3A_113 = tpu.memref_slice %arg10[%run_scoped3A_89, %dma_wait3A_112] : memref<5x125xi32, #tpu.memory_space<vmem>> -> memref<1x125xi32, #tpu.memory_space<vmem>>
      %dma_wait3A_114 = tpu.memref_squeeze %dma_wait3A_113 : memref<1x125xi32, #tpu.memory_space<vmem>> -> memref<125xi32, #tpu.memory_space<vmem>>
      %dma_wait3A_115 = arith.constant 0 : i32
      %dma_wait3A_116 = arith.constant 0 : i32
      %dma_wait3A_117 = tpu.memref_slice %arg7[%dma_wait3A_115, %dma_wait3A_116] : memref<20000x64xf32, #tpu.memory_space<hbm>> -> memref<20000x64xf32, #tpu.memory_space<hbm>>
      tpu.wait_indirect_dma semaphore(%run_scoped3A_105 : memref<!tpu.dma_semaphore, #tpu.memory_space<semaphore_mem>>) src(%arg12 : memref<125x64xf32, #tpu.memory_space<vmem>>) dst(%dma_wait3A_117 : memref<20000x64xf32, #tpu.memory_space<hbm>>)
      tpu.yield
    }) : () -> ()
    %mul3A_90 = arith.constant 625 : i32
    %mul3A_91 = arith.muli %arg1, %mul3A_90 : i32
    %add3A_92 = arith.constant 250 : i32
    %add3A_93 = arith.addi %mul3A_91, %add3A_92 : i32
    "tpu.region"() ({
      %run_scoped3A_105 = tpu.sem_alloc : memref<!tpu.dma_semaphore, #tpu.memory_space<semaphore_mem>>
      %dma_start3A_106 = arith.constant 0 : i32
      %dma_start3A_107 = tpu.memref_slice %arg23[%add3A_93, %dma_start3A_106] : memref<10000x64xf32, #tpu.memory_space<vmem_shared>> -> memref<125x64xf32, #tpu.memory_space<vmem_shared>>
      %dma_start3A_108 = arith.constant 0 : i32
      %dma_start3A_109 = tpu.memref_slice %arg23[%add3A_93, %dma_start3A_108] : memref<10000x64xf32, #tpu.memory_space<vmem_shared>> -> memref<125x64xf32, #tpu.memory_space<vmem_shared>>
      tpu.enqueue_dma source(%dma_start3A_109 : memref<125x64xf32, #tpu.memory_space<vmem_shared>>) target(%arg11 : memref<125x64xf32, #tpu.memory_space<vmem>>) target_semaphore(%run_scoped3A_105 : memref<!tpu.dma_semaphore, #tpu.memory_space<semaphore_mem>>)
      %dma_wait3A_110 = arith.constant 0 : i32
      %dma_wait3A_111 = tpu.memref_slice %arg23[%add3A_93, %dma_wait3A_110] : memref<10000x64xf32, #tpu.memory_space<vmem_shared>> -> memref<125x64xf32, #tpu.memory_space<vmem_shared>>
      %dma_wait3A_112 = arith.constant 0 : i32
      %dma_wait3A_113 = tpu.memref_slice %arg23[%add3A_93, %dma_wait3A_112] : memref<10000x64xf32, #tpu.memory_space<vmem_shared>> -> memref<125x64xf32, #tpu.memory_space<vmem_shared>>
      tpu.wait_dma2 semaphore(%run_scoped3A_105 : memref<!tpu.dma_semaphore, #tpu.memory_space<semaphore_mem>>) src(%dma_wait3A_113 : memref<125x64xf32, #tpu.memory_space<vmem_shared>>) dst(%arg11 : memref<125x64xf32, #tpu.memory_space<vmem>>)
      tpu.yield
    }) : () -> ()
    %run_scoped3A_94 = arith.constant 2 : i32
    "tpu.region"() ({
      %run_scoped3A_105 = tpu.sem_alloc : memref<!tpu.dma_semaphore, #tpu.memory_space<semaphore_mem>>
      %dma_start3A_106 = arith.constant 0 : i32
      %dma_start3A_107 = tpu.memref_slice %arg10[%run_scoped3A_94, %dma_start3A_106] : memref<5x125xi32, #tpu.memory_space<vmem>> -> memref<1x125xi32, #tpu.memory_space<vmem>>
      %dma_start3A_108 = tpu.memref_squeeze %dma_start3A_107 : memref<1x125xi32, #tpu.memory_space<vmem>> -> memref<125xi32, #tpu.memory_space<vmem>>
      %dma_start3A_109 = arith.constant 0 : i32
      %dma_start3A_110 = arith.constant 0 : i32
      %dma_start3A_111 = tpu.memref_slice %arg7[%dma_start3A_109, %dma_start3A_110] : memref<20000x64xf32, #tpu.memory_space<hbm>> -> memref<20000x64xf32, #tpu.memory_space<hbm>>
      tpu.enqueue_indirect_dma source(%arg11 : memref<125x64xf32, #tpu.memory_space<vmem>>) target(%dma_start3A_111 : memref<20000x64xf32, #tpu.memory_space<hbm>>) offsets(%dma_start3A_108 : memref<125xi32, #tpu.memory_space<vmem>>) semaphore(%run_scoped3A_105 : memref<!tpu.dma_semaphore, #tpu.memory_space<semaphore_mem>>)
      %dma_wait3A_112 = arith.constant 0 : i32
      %dma_wait3A_113 = tpu.memref_slice %arg10[%run_scoped3A_94, %dma_wait3A_112] : memref<5x125xi32, #tpu.memory_space<vmem>> -> memref<1x125xi32, #tpu.memory_space<vmem>>
      %dma_wait3A_114 = tpu.memref_squeeze %dma_wait3A_113 : memref<1x125xi32, #tpu.memory_space<vmem>> -> memref<125xi32, #tpu.memory_space<vmem>>
      %dma_wait3A_115 = arith.constant 0 : i32
      %dma_wait3A_116 = arith.constant 0 : i32
      %dma_wait3A_117 = tpu.memref_slice %arg7[%dma_wait3A_115, %dma_wait3A_116] : memref<20000x64xf32, #tpu.memory_space<hbm>> -> memref<20000x64xf32, #tpu.memory_space<hbm>>
      tpu.wait_indirect_dma semaphore(%run_scoped3A_105 : memref<!tpu.dma_semaphore, #tpu.memory_space<semaphore_mem>>) src(%arg11 : memref<125x64xf32, #tpu.memory_space<vmem>>) dst(%dma_wait3A_117 : memref<20000x64xf32, #tpu.memory_space<hbm>>)
      tpu.yield
    }) : () -> ()
    %mul3A_95 = arith.constant 625 : i32
    %mul3A_96 = arith.muli %arg1, %mul3A_95 : i32
    %add3A_97 = arith.constant 375 : i32
    %add3A_98 = arith.addi %mul3A_96, %add3A_97 : i32
    "tpu.region"() ({
      %run_scoped3A_105 = tpu.sem_alloc : memref<!tpu.dma_semaphore, #tpu.memory_space<semaphore_mem>>
      %dma_start3A_106 = arith.constant 0 : i32
      %dma_start3A_107 = tpu.memref_slice %arg23[%add3A_98, %dma_start3A_106] : memref<10000x64xf32, #tpu.memory_space<vmem_shared>> -> memref<125x64xf32, #tpu.memory_space<vmem_shared>>
      %dma_start3A_108 = arith.constant 0 : i32
      %dma_start3A_109 = tpu.memref_slice %arg23[%add3A_98, %dma_start3A_108] : memref<10000x64xf32, #tpu.memory_space<vmem_shared>> -> memref<125x64xf32, #tpu.memory_space<vmem_shared>>
      tpu.enqueue_dma source(%dma_start3A_109 : memref<125x64xf32, #tpu.memory_space<vmem_shared>>) target(%arg12 : memref<125x64xf32, #tpu.memory_space<vmem>>) target_semaphore(%run_scoped3A_105 : memref<!tpu.dma_semaphore, #tpu.memory_space<semaphore_mem>>)
      %dma_wait3A_110 = arith.constant 0 : i32
      %dma_wait3A_111 = tpu.memref_slice %arg23[%add3A_98, %dma_wait3A_110] : memref<10000x64xf32, #tpu.memory_space<vmem_shared>> -> memref<125x64xf32, #tpu.memory_space<vmem_shared>>
      %dma_wait3A_112 = arith.constant 0 : i32
      %dma_wait3A_113 = tpu.memref_slice %arg23[%add3A_98, %dma_wait3A_112] : memref<10000x64xf32, #tpu.memory_space<vmem_shared>> -> memref<125x64xf32, #tpu.memory_space<vmem_shared>>
      tpu.wait_dma2 semaphore(%run_scoped3A_105 : memref<!tpu.dma_semaphore, #tpu.memory_space<semaphore_mem>>) src(%dma_wait3A_113 : memref<125x64xf32, #tpu.memory_space<vmem_shared>>) dst(%arg12 : memref<125x64xf32, #tpu.memory_space<vmem>>)
      tpu.yield
    }) : () -> ()
    %run_scoped3A_99 = arith.constant 3 : i32
    "tpu.region"() ({
      %run_scoped3A_105 = tpu.sem_alloc : memref<!tpu.dma_semaphore, #tpu.memory_space<semaphore_mem>>
      %dma_start3A_106 = arith.constant 0 : i32
      %dma_start3A_107 = tpu.memref_slice %arg10[%run_scoped3A_99, %dma_start3A_106] : memref<5x125xi32, #tpu.memory_space<vmem>> -> memref<1x125xi32, #tpu.memory_space<vmem>>
      %dma_start3A_108 = tpu.memref_squeeze %dma_start3A_107 : memref<1x125xi32, #tpu.memory_space<vmem>> -> memref<125xi32, #tpu.memory_space<vmem>>
      %dma_start3A_109 = arith.constant 0 : i32
      %dma_start3A_110 = arith.constant 0 : i32
      %dma_start3A_111 = tpu.memref_slice %arg7[%dma_start3A_109, %dma_start3A_110] : memref<20000x64xf32, #tpu.memory_space<hbm>> -> memref<20000x64xf32, #tpu.memory_space<hbm>>
      tpu.enqueue_indirect_dma source(%arg12 : memref<125x64xf32, #tpu.memory_space<vmem>>) target(%dma_start3A_111 : memref<20000x64xf32, #tpu.memory_space<hbm>>) offsets(%dma_start3A_108 : memref<125xi32, #tpu.memory_space<vmem>>) semaphore(%run_scoped3A_105 : memref<!tpu.dma_semaphore, #tpu.memory_space<semaphore_mem>>)
      %dma_wait3A_112 = arith.constant 0 : i32
      %dma_wait3A_113 = tpu.memref_slice %arg10[%run_scoped3A_99, %dma_wait3A_112] : memref<5x125xi32, #tpu.memory_space<vmem>> -> memref<1x125xi32, #tpu.memory_space<vmem>>
      %dma_wait3A_114 = tpu.memref_squeeze %dma_wait3A_113 : memref<1x125xi32, #tpu.memory_space<vmem>> -> memref<125xi32, #tpu.memory_space<vmem>>
      %dma_wait3A_115 = arith.constant 0 : i32
      %dma_wait3A_116 = arith.constant 0 : i32
      %dma_wait3A_117 = tpu.memref_slice %arg7[%dma_wait3A_115, %dma_wait3A_116] : memref<20000x64xf32, #tpu.memory_space<hbm>> -> memref<20000x64xf32, #tpu.memory_space<hbm>>
      tpu.wait_indirect_dma semaphore(%run_scoped3A_105 : memref<!tpu.dma_semaphore, #tpu.memory_space<semaphore_mem>>) src(%arg12 : memref<125x64xf32, #tpu.memory_space<vmem>>) dst(%dma_wait3A_117 : memref<20000x64xf32, #tpu.memory_space<hbm>>)
      tpu.yield
    }) : () -> ()
    %mul3A_100 = arith.constant 625 : i32
    %mul3A_101 = arith.muli %arg1, %mul3A_100 : i32
    %add3A_102 = arith.constant 500 : i32
    %add3A_103 = arith.addi %mul3A_101, %add3A_102 : i32
    "tpu.region"() ({
      %run_scoped3A_105 = tpu.sem_alloc : memref<!tpu.dma_semaphore, #tpu.memory_space<semaphore_mem>>
      %dma_start3A_106 = arith.constant 0 : i32
      %dma_start3A_107 = tpu.memref_slice %arg23[%add3A_103, %dma_start3A_106] : memref<10000x64xf32, #tpu.memory_space<vmem_shared>> -> memref<125x64xf32, #tpu.memory_space<vmem_shared>>
      %dma_start3A_108 = arith.constant 0 : i32
      %dma_start3A_109 = tpu.memref_slice %arg23[%add3A_103, %dma_start3A_108] : memref<10000x64xf32, #tpu.memory_space<vmem_shared>> -> memref<125x64xf32, #tpu.memory_space<vmem_shared>>
      tpu.enqueue_dma source(%dma_start3A_109 : memref<125x64xf32, #tpu.memory_space<vmem_shared>>) target(%arg11 : memref<125x64xf32, #tpu.memory_space<vmem>>) target_semaphore(%run_scoped3A_105 : memref<!tpu.dma_semaphore, #tpu.memory_space<semaphore_mem>>)
      %dma_wait3A_110 = arith.constant 0 : i32
      %dma_wait3A_111 = tpu.memref_slice %arg23[%add3A_103, %dma_wait3A_110] : memref<10000x64xf32, #tpu.memory_space<vmem_shared>> -> memref<125x64xf32, #tpu.memory_space<vmem_shared>>
      %dma_wait3A_112 = arith.constant 0 : i32
      %dma_wait3A_113 = tpu.memref_slice %arg23[%add3A_103, %dma_wait3A_112] : memref<10000x64xf32, #tpu.memory_space<vmem_shared>> -> memref<125x64xf32, #tpu.memory_space<vmem_shared>>
      tpu.wait_dma2 semaphore(%run_scoped3A_105 : memref<!tpu.dma_semaphore, #tpu.memory_space<semaphore_mem>>) src(%dma_wait3A_113 : memref<125x64xf32, #tpu.memory_space<vmem_shared>>) dst(%arg11 : memref<125x64xf32, #tpu.memory_space<vmem>>)
      tpu.yield
    }) : () -> ()
    %run_scoped3A_104 = arith.constant 4 : i32
    "tpu.region"() ({
      %run_scoped3A_105 = tpu.sem_alloc : memref<!tpu.dma_semaphore, #tpu.memory_space<semaphore_mem>>
      %dma_start3A_106 = arith.constant 0 : i32
      %dma_start3A_107 = tpu.memref_slice %arg10[%run_scoped3A_104, %dma_start3A_106] : memref<5x125xi32, #tpu.memory_space<vmem>> -> memref<1x125xi32, #tpu.memory_space<vmem>>
      %dma_start3A_108 = tpu.memref_squeeze %dma_start3A_107 : memref<1x125xi32, #tpu.memory_space<vmem>> -> memref<125xi32, #tpu.memory_space<vmem>>
      %dma_start3A_109 = arith.constant 0 : i32
      %dma_start3A_110 = arith.constant 0 : i32
      %dma_start3A_111 = tpu.memref_slice %arg7[%dma_start3A_109, %dma_start3A_110] : memref<20000x64xf32, #tpu.memory_space<hbm>> -> memref<20000x64xf32, #tpu.memory_space<hbm>>
      tpu.enqueue_indirect_dma source(%arg11 : memref<125x64xf32, #tpu.memory_space<vmem>>) target(%dma_start3A_111 : memref<20000x64xf32, #tpu.memory_space<hbm>>) offsets(%dma_start3A_108 : memref<125xi32, #tpu.memory_space<vmem>>) semaphore(%run_scoped3A_105 : memref<!tpu.dma_semaphore, #tpu.memory_space<semaphore_mem>>)
      %dma_wait3A_112 = arith.constant 0 : i32
      %dma_wait3A_113 = tpu.memref_slice %arg10[%run_scoped3A_104, %dma_wait3A_112] : memref<5x125xi32, #tpu.memory_space<vmem>> -> memref<1x125xi32, #tpu.memory_space<vmem>>
      %dma_wait3A_114 = tpu.memref_squeeze %dma_wait3A_113 : memref<1x125xi32, #tpu.memory_space<vmem>> -> memref<125xi32, #tpu.memory_space<vmem>>
      %dma_wait3A_115 = arith.constant 0 : i32
      %dma_wait3A_116 = arith.constant 0 : i32
      %dma_wait3A_117 = tpu.memref_slice %arg7[%dma_wait3A_115, %dma_wait3A_116] : memref<20000x64xf32, #tpu.memory_space<hbm>> -> memref<20000x64xf32, #tpu.memory_space<hbm>>
      tpu.wait_indirect_dma semaphore(%run_scoped3A_105 : memref<!tpu.dma_semaphore, #tpu.memory_space<semaphore_mem>>) src(%arg11 : memref<125x64xf32, #tpu.memory_space<vmem>>) dst(%dma_wait3A_117 : memref<20000x64xf32, #tpu.memory_space<hbm>>)
      tpu.yield
    }) : () -> ()
    return
  }
}

#map = affine_map<(d0, d1) -> (0, 0, 0)>
#map1 = affine_map<(d0, d1) -> (0)>
#map2 = affine_map<(d0, d1) -> (0, 0)>
module attributes {stable_mosaic.version = 14 : i64} {
  func.func @_deg_kernel(%arg0: i32, %arg1: i32, %arg2: memref<16x160x125xi32, #tpu.memory_space<hbm>>, %arg3: memref<10000xf32, #tpu.memory_space<hbm>>, %arg4: memref<2x10000xf32, #tpu.memory_space<hbm>>, %arg5: memref<160x125xi32, #tpu.memory_space<vmem>>, %arg6: memref<128xf32, #tpu.memory_space<vmem>>, %arg7: memref<10000xf32, #tpu.memory_space<vmem_shared>>) attributes {dimension_semantics = [#tpu.dimension_semantics<core_parallel>, #tpu.dimension_semantics<subcore_parallel>], iteration_bounds = array<i64: 2, 16>, scalar_prefetch = 0 : i64, scratch_operands = 3 : i64, tpu.core_type = #tpu.core_type<sc_vector_subcore>, window_params = [{transform_indices = #map}, {transform_indices = #map1}, {transform_indices = #map2}]} {
    %broadcast_in_dim3A = arith.constant 1.000000e+00 : f32
    %broadcast_in_dim3A_0 = vector.broadcast %broadcast_in_dim3A : f32 to vector<16xf32>
    %swap3A = arith.constant 0 : index
    %swap3A_1 = tpu.vector_load %arg6[%swap3A] {strides = array<i32>} : memref<128xf32, #tpu.memory_space<vmem>>, vector<16xf32>,
    %swap3A_2 = vector.shape_cast %swap3A_1 : vector<16xf32> to vector<16xf32>
    %swap3A_3 = vector.shape_cast %broadcast_in_dim3A_0 : vector<16xf32> to vector<16xf32>
    tpu.vector_store %arg6[%swap3A], %swap3A_3 {strides = array<i32>} : memref<128xf32, #tpu.memory_space<vmem>>, vector<16xf32>,
    %broadcast_in_dim3A_4 = arith.constant 1.000000e+00 : f32
    %broadcast_in_dim3A_5 = vector.broadcast %broadcast_in_dim3A_4 : f32 to vector<16xf32>
    %swap3A_6 = arith.constant 16 : index
    %swap3A_7 = tpu.vector_load %arg6[%swap3A_6] {strides = array<i32>} : memref<128xf32, #tpu.memory_space<vmem>>, vector<16xf32>,
    %swap3A_8 = vector.shape_cast %swap3A_7 : vector<16xf32> to vector<16xf32>
    %swap3A_9 = vector.shape_cast %broadcast_in_dim3A_5 : vector<16xf32> to vector<16xf32>
    tpu.vector_store %arg6[%swap3A_6], %swap3A_9 {strides = array<i32>} : memref<128xf32, #tpu.memory_space<vmem>>, vector<16xf32>,
    %broadcast_in_dim3A_10 = arith.constant 1.000000e+00 : f32
    %broadcast_in_dim3A_11 = vector.broadcast %broadcast_in_dim3A_10 : f32 to vector<16xf32>
    %swap3A_12 = arith.constant 32 : index
    %swap3A_13 = tpu.vector_load %arg6[%swap3A_12] {strides = array<i32>} : memref<128xf32, #tpu.memory_space<vmem>>, vector<16xf32>,
    %swap3A_14 = vector.shape_cast %swap3A_13 : vector<16xf32> to vector<16xf32>
    %swap3A_15 = vector.shape_cast %broadcast_in_dim3A_11 : vector<16xf32> to vector<16xf32>
    tpu.vector_store %arg6[%swap3A_12], %swap3A_15 {strides = array<i32>} : memref<128xf32, #tpu.memory_space<vmem>>, vector<16xf32>,
    %broadcast_in_dim3A_16 = arith.constant 1.000000e+00 : f32
    %broadcast_in_dim3A_17 = vector.broadcast %broadcast_in_dim3A_16 : f32 to vector<16xf32>
    %swap3A_18 = arith.constant 48 : index
    %swap3A_19 = tpu.vector_load %arg6[%swap3A_18] {strides = array<i32>} : memref<128xf32, #tpu.memory_space<vmem>>, vector<16xf32>,
    %swap3A_20 = vector.shape_cast %swap3A_19 : vector<16xf32> to vector<16xf32>
    %swap3A_21 = vector.shape_cast %broadcast_in_dim3A_17 : vector<16xf32> to vector<16xf32>
    tpu.vector_store %arg6[%swap3A_18], %swap3A_21 {strides = array<i32>} : memref<128xf32, #tpu.memory_space<vmem>>, vector<16xf32>,
    %broadcast_in_dim3A_22 = arith.constant 1.000000e+00 : f32
    %broadcast_in_dim3A_23 = vector.broadcast %broadcast_in_dim3A_22 : f32 to vector<16xf32>
    %swap3A_24 = arith.constant 64 : index
    %swap3A_25 = tpu.vector_load %arg6[%swap3A_24] {strides = array<i32>} : memref<128xf32, #tpu.memory_space<vmem>>, vector<16xf32>,
    %swap3A_26 = vector.shape_cast %swap3A_25 : vector<16xf32> to vector<16xf32>
    %swap3A_27 = vector.shape_cast %broadcast_in_dim3A_23 : vector<16xf32> to vector<16xf32>
    tpu.vector_store %arg6[%swap3A_24], %swap3A_27 {strides = array<i32>} : memref<128xf32, #tpu.memory_space<vmem>>, vector<16xf32>,
    %broadcast_in_dim3A_28 = arith.constant 1.000000e+00 : f32
    %broadcast_in_dim3A_29 = vector.broadcast %broadcast_in_dim3A_28 : f32 to vector<16xf32>
    %swap3A_30 = arith.constant 80 : index
    %swap3A_31 = tpu.vector_load %arg6[%swap3A_30] {strides = array<i32>} : memref<128xf32, #tpu.memory_space<vmem>>, vector<16xf32>,
    %swap3A_32 = vector.shape_cast %swap3A_31 : vector<16xf32> to vector<16xf32>
    %swap3A_33 = vector.shape_cast %broadcast_in_dim3A_29 : vector<16xf32> to vector<16xf32>
    tpu.vector_store %arg6[%swap3A_30], %swap3A_33 {strides = array<i32>} : memref<128xf32, #tpu.memory_space<vmem>>, vector<16xf32>,
    %broadcast_in_dim3A_34 = arith.constant 1.000000e+00 : f32
    %broadcast_in_dim3A_35 = vector.broadcast %broadcast_in_dim3A_34 : f32 to vector<16xf32>
    %swap3A_36 = arith.constant 96 : index
    %swap3A_37 = tpu.vector_load %arg6[%swap3A_36] {strides = array<i32>} : memref<128xf32, #tpu.memory_space<vmem>>, vector<16xf32>,
    %swap3A_38 = vector.shape_cast %swap3A_37 : vector<16xf32> to vector<16xf32>
    %swap3A_39 = vector.shape_cast %broadcast_in_dim3A_35 : vector<16xf32> to vector<16xf32>
    tpu.vector_store %arg6[%swap3A_36], %swap3A_39 {strides = array<i32>} : memref<128xf32, #tpu.memory_space<vmem>>, vector<16xf32>,
    %broadcast_in_dim3A_40 = arith.constant 1.000000e+00 : f32
    %broadcast_in_dim3A_41 = vector.broadcast %broadcast_in_dim3A_40 : f32 to vector<16xf32>
    %swap3A_42 = arith.constant 112 : index
    %swap3A_43 = tpu.vector_load %arg6[%swap3A_42] {strides = array<i32>} : memref<128xf32, #tpu.memory_space<vmem>>, vector<16xf32>,
    %swap3A_44 = vector.shape_cast %swap3A_43 : vector<16xf32> to vector<16xf32>
    %swap3A_45 = vector.shape_cast %broadcast_in_dim3A_41 : vector<16xf32> to vector<16xf32>
    tpu.vector_store %arg6[%swap3A_42], %swap3A_45 {strides = array<i32>} : memref<128xf32, #tpu.memory_space<vmem>>, vector<16xf32>,
    %eq3A = arith.constant 0 : i32
    %eq3A_46 = arith.cmpi eq, %arg1, %eq3A : i32
    %convert_element_type3A = arith.extui %eq3A_46 : i1 to i32
    %cond3A = arith.constant 0 : i32
    %cond3A_47 = arith.cmpi ne, %convert_element_type3A, %cond3A : i32
    scf.if %cond3A_47 {
      "tpu.region"() ({
        %run_scoped3A = tpu.sem_alloc : memref<!tpu.dma_semaphore, #tpu.memory_space<semaphore_mem>>
        tpu.enqueue_dma source(%arg3 : memref<10000xf32, #tpu.memory_space<hbm>>) target(%arg7 : memref<10000xf32, #tpu.memory_space<vmem_shared>>) target_semaphore(%run_scoped3A : memref<!tpu.dma_semaphore, #tpu.memory_space<semaphore_mem>>)
        tpu.wait_dma2 semaphore(%run_scoped3A : memref<!tpu.dma_semaphore, #tpu.memory_space<semaphore_mem>>) src(%arg3 : memref<10000xf32, #tpu.memory_space<hbm>>) dst(%arg7 : memref<10000xf32, #tpu.memory_space<vmem_shared>>)
        tpu.yield
      }) : () -> ()
    } else {
    }
    "tpu.region"() ({
      %run_scoped3A = tpu.sem_alloc : memref<!tpu.dma_semaphore, #tpu.memory_space<semaphore_mem>>
      %dma_start3A = arith.constant 0 : i32
      %dma_start3A_60 = arith.constant 0 : i32
      %dma_start3A_61 = tpu.memref_slice %arg2[%arg1, %dma_start3A, %dma_start3A_60] : memref<16x160x125xi32, #tpu.memory_space<hbm>> -> memref<1x160x125xi32, #tpu.memory_space<hbm>>
      %dma_start3A_62 = tpu.memref_squeeze %dma_start3A_61 : memref<1x160x125xi32, #tpu.memory_space<hbm>> -> memref<160x125xi32, #tpu.memory_space<hbm>>
      %dma_start3A_63 = arith.constant 0 : i32
      %dma_start3A_64 = arith.constant 0 : i32
      %dma_start3A_65 = tpu.memref_slice %arg2[%arg1, %dma_start3A_63, %dma_start3A_64] : memref<16x160x125xi32, #tpu.memory_space<hbm>> -> memref<1x160x125xi32, #tpu.memory_space<hbm>>
      %dma_start3A_66 = tpu.memref_squeeze %dma_start3A_65 : memref<1x160x125xi32, #tpu.memory_space<hbm>> -> memref<160x125xi32, #tpu.memory_space<hbm>>
      tpu.enqueue_dma source(%dma_start3A_66 : memref<160x125xi32, #tpu.memory_space<hbm>>) target(%arg5 : memref<160x125xi32, #tpu.memory_space<vmem>>) target_semaphore(%run_scoped3A : memref<!tpu.dma_semaphore, #tpu.memory_space<semaphore_mem>>)
      %dma_wait3A = arith.constant 0 : i32
      %dma_wait3A_67 = arith.constant 0 : i32
      %dma_wait3A_68 = tpu.memref_slice %arg2[%arg1, %dma_wait3A, %dma_wait3A_67] : memref<16x160x125xi32, #tpu.memory_space<hbm>> -> memref<1x160x125xi32, #tpu.memory_space<hbm>>
      %dma_wait3A_69 = tpu.memref_squeeze %dma_wait3A_68 : memref<1x160x125xi32, #tpu.memory_space<hbm>> -> memref<160x125xi32, #tpu.memory_space<hbm>>
      %dma_wait3A_70 = arith.constant 0 : i32
      %dma_wait3A_71 = arith.constant 0 : i32
      %dma_wait3A_72 = tpu.memref_slice %arg2[%arg1, %dma_wait3A_70, %dma_wait3A_71] : memref<16x160x125xi32, #tpu.memory_space<hbm>> -> memref<1x160x125xi32, #tpu.memory_space<hbm>>
      %dma_wait3A_73 = tpu.memref_squeeze %dma_wait3A_72 : memref<1x160x125xi32, #tpu.memory_space<hbm>> -> memref<160x125xi32, #tpu.memory_space<hbm>>
      tpu.wait_dma2 semaphore(%run_scoped3A : memref<!tpu.dma_semaphore, #tpu.memory_space<semaphore_mem>>) src(%dma_wait3A_73 : memref<160x125xi32, #tpu.memory_space<hbm>>) dst(%arg5 : memref<160x125xi32, #tpu.memory_space<vmem>>)
      tpu.yield
    }) : () -> ()
    %barrier3A = arith.constant 0 : index
    tpu.barrier barrier_id(%barrier3A)
    %mul3A = arith.constant 80 : i32
    %mul3A_48 = arith.muli %arg0, %mul3A : i32
    %scan3A = arith.constant 0 : i32
    %scan3A_49 = arith.constant 0 : i32
    %scan3A_50 = arith.constant 80 : i32
    %scan3A_51 = arith.addi %scan3A_49, %scan3A_50 : i32
    %scan3A_52 = arith.constant 1 : i32
    scf.for %scan3A_60 = %scan3A_49 to %scan3A_51 step %scan3A_52  : i32 {
      %add3A = arith.addi %mul3A_48, %scan3A_60 : i32
      "tpu.region"() ({
        %run_scoped3A = tpu.sem_alloc : memref<!tpu.dma_semaphore, #tpu.memory_space<semaphore_mem>>
        %dma_start3A = arith.constant 0 : i32
        %dma_start3A_61 = tpu.memref_slice %arg6[%dma_start3A] : memref<128xf32, #tpu.memory_space<vmem>> -> memref<125xf32, #tpu.memory_space<vmem>>
        %dma_start3A_62 = arith.constant 0 : i32
        %dma_start3A_63 = tpu.memref_slice %arg5[%add3A, %dma_start3A_62] : memref<160x125xi32, #tpu.memory_space<vmem>> -> memref<1x125xi32, #tpu.memory_space<vmem>>
        %dma_start3A_64 = tpu.memref_squeeze %dma_start3A_63 : memref<1x125xi32, #tpu.memory_space<vmem>> -> memref<125xi32, #tpu.memory_space<vmem>>
        %dma_start3A_65 = arith.constant 0 : i32
        %dma_start3A_66 = tpu.memref_slice %arg7[%dma_start3A_65] : memref<10000xf32, #tpu.memory_space<vmem_shared>> -> memref<10000xf32, #tpu.memory_space<vmem_shared>>
        tpu.enqueue_indirect_dma source(%dma_start3A_61 : memref<125xf32, #tpu.memory_space<vmem>>) target(%dma_start3A_66 : memref<10000xf32, #tpu.memory_space<vmem_shared>>) offsets(%dma_start3A_64 : memref<125xi32, #tpu.memory_space<vmem>>) semaphore(%run_scoped3A : memref<!tpu.dma_semaphore, #tpu.memory_space<semaphore_mem>>) {add = true}
        %dma_wait3A = arith.constant 0 : i32
        %dma_wait3A_67 = tpu.memref_slice %arg6[%dma_wait3A] : memref<128xf32, #tpu.memory_space<vmem>> -> memref<125xf32, #tpu.memory_space<vmem>>
        %dma_wait3A_68 = arith.constant 0 : i32
        %dma_wait3A_69 = tpu.memref_slice %arg5[%add3A, %dma_wait3A_68] : memref<160x125xi32, #tpu.memory_space<vmem>> -> memref<1x125xi32, #tpu.memory_space<vmem>>
        %dma_wait3A_70 = tpu.memref_squeeze %dma_wait3A_69 : memref<1x125xi32, #tpu.memory_space<vmem>> -> memref<125xi32, #tpu.memory_space<vmem>>
        %dma_wait3A_71 = arith.constant 0 : i32
        %dma_wait3A_72 = tpu.memref_slice %arg7[%dma_wait3A_71] : memref<10000xf32, #tpu.memory_space<vmem_shared>> -> memref<10000xf32, #tpu.memory_space<vmem_shared>>
        tpu.wait_indirect_dma semaphore(%run_scoped3A : memref<!tpu.dma_semaphore, #tpu.memory_space<semaphore_mem>>) src(%dma_wait3A_67 : memref<125xf32, #tpu.memory_space<vmem>>) dst(%dma_wait3A_72 : memref<10000xf32, #tpu.memory_space<vmem_shared>>)
        tpu.yield
      }) : () -> ()
    }
    %scan3A_53 = arith.constant 80 : i32
    %barrier3A_54 = arith.constant 0 : index
    tpu.barrier barrier_id(%barrier3A_54)
    %eq3A_55 = arith.constant 0 : i32
    %eq3A_56 = arith.cmpi eq, %arg1, %eq3A_55 : i32
    %convert_element_type3A_57 = arith.extui %eq3A_56 : i1 to i32
    %cond3A_58 = arith.constant 0 : i32
    %cond3A_59 = arith.cmpi ne, %convert_element_type3A_57, %cond3A_58 : i32
    scf.if %cond3A_59 {
      "tpu.region"() ({
        %run_scoped3A = tpu.sem_alloc : memref<!tpu.dma_semaphore, #tpu.memory_space<semaphore_mem>>
        %dma_start3A = arith.constant 0 : i32
        %dma_start3A_60 = tpu.memref_slice %arg4[%arg0, %dma_start3A] : memref<2x10000xf32, #tpu.memory_space<hbm>> -> memref<1x10000xf32, #tpu.memory_space<hbm>>
        %dma_start3A_61 = tpu.memref_squeeze %dma_start3A_60 : memref<1x10000xf32, #tpu.memory_space<hbm>> -> memref<10000xf32, #tpu.memory_space<hbm>>
        tpu.enqueue_dma source(%arg7 : memref<10000xf32, #tpu.memory_space<vmem_shared>>) target(%dma_start3A_61 : memref<10000xf32, #tpu.memory_space<hbm>>) target_semaphore(%run_scoped3A : memref<!tpu.dma_semaphore, #tpu.memory_space<semaphore_mem>>)
        %dma_wait3A = arith.constant 0 : i32
        %dma_wait3A_62 = tpu.memref_slice %arg4[%arg0, %dma_wait3A] : memref<2x10000xf32, #tpu.memory_space<hbm>> -> memref<1x10000xf32, #tpu.memory_space<hbm>>
        %dma_wait3A_63 = tpu.memref_squeeze %dma_wait3A_62 : memref<1x10000xf32, #tpu.memory_space<hbm>> -> memref<10000xf32, #tpu.memory_space<hbm>>
        tpu.wait_dma2 semaphore(%run_scoped3A : memref<!tpu.dma_semaphore, #tpu.memory_space<semaphore_mem>>) src(%arg7 : memref<10000xf32, #tpu.memory_space<vmem_shared>>) dst(%dma_wait3A_63 : memref<10000xf32, #tpu.memory_space<hbm>>)
        tpu.yield
      }) : () -> ()
    } else {
    }
    return
  }
}

module attributes {stable_mosaic.version = 14 : i64} {
  func.func @body(%arg0: i32, %arg1: memref<2000x128xf32, #tpu.memory_space<vmem>>, %arg2: memref<128x128xf32, #tpu.memory_space<vmem>>, %arg3: memref<2000x128xf32, #tpu.memory_space<vmem>>) attributes {dimension_semantics = [#tpu.dimension_semantics<arbitrary>], iteration_bounds = array<i64: 5>, scalar_prefetch = 0 : i64, scratch_operands = 0 : i64, tpu.core_type = #tpu.core_type<tc>, window_params = [{transform_indices = @transform_0, window_bounds = array<i64: 2000, 128>}, {pipeline_mode = #tpu.pipeline_mode<synchronous>, transform_indices = @transform_1, window_bounds = array<i64: 128, 128>}, {transform_indices = @transform_2, window_bounds = array<i64: 2000, 128>}]} {
    %get3A = arith.constant 0 : index
    %get3A_0 = arith.constant 0 : index
    %get3A_1 = vector.load %arg1[%get3A, %get3A_0] : memref<2000x128xf32, #tpu.memory_space<vmem>>, vector<2000x128xf32>
    %get3A_2 = arith.constant 0 : index
    %get3A_3 = arith.constant 0 : index
    %get3A_4 = vector.load %arg2[%get3A_2, %get3A_3] : memref<128x128xf32, #tpu.memory_space<vmem>>, vector<128x128xf32>
    %dot_general3A = arith.constant dense<0.000000e+00> : vector<2000x128xf32>
    %dot_general3A_5 = tpu.matmul %get3A_1, %get3A_4, %dot_general3A {dimension_numbers = #tpu.dot_dimension_numbers<[1], [0], [0], [1], [0, 0, 1, 1], [], []>, transpose_lhs_hint = false} : vector<2000x128xf32>, vector<128x128xf32>, vector<2000x128xf32> -> vector<2000x128xf32>
    %swap3A = arith.constant 0 : index
    %swap3A_6 = arith.constant 0 : index
    %swap3A_7 = vector.load %arg3[%swap3A, %swap3A_6] : memref<2000x128xf32, #tpu.memory_space<vmem>>, vector<2000x128xf32>
    tpu.vector_store %arg3[%swap3A, %swap3A_6], %dot_general3A_5 {strides = array<i32>} : memref<2000x128xf32, #tpu.memory_space<vmem>>, vector<2000x128xf32>,
    return
  }
  func.func @transform_0(%arg0: i32) -> (i32, i32) {
    %c0_i32 = arith.constant 0 : i32
    %c0_i32_0 = arith.constant 0 : i32
    return %arg0, %c0_i32 : i32, i32
  }
  func.func @transform_1(%arg0: i32) -> (i32, i32) {
    %c0_i32 = arith.constant 0 : i32
    %c0_i32_0 = arith.constant 0 : i32
    %c0_i32_1 = arith.constant 0 : i32
    return %c0_i32, %c0_i32_0 : i32, i32
  }
  func.func @transform_2(%arg0: i32) -> (i32, i32) {
    %c0_i32 = arith.constant 0 : i32
    %c0_i32_0 = arith.constant 0 : i32
    return %arg0, %c0_i32 : i32, i32
  }
}

module attributes {stable_mosaic.version = 14 : i64} {
  func.func @body(%arg0: i32, %arg1: memref<2000x128xf32, #tpu.memory_space<vmem>>, %arg2: memref<2000x128xf32, #tpu.memory_space<vmem>>, %arg3: memref<2000x1xf32, #tpu.memory_space<vmem>>, %arg4: memref<1x128xf32, #tpu.memory_space<vmem>>, %arg5: memref<1x128xf32, #tpu.memory_space<vmem>>, %arg6: memref<1x128xf32, #tpu.memory_space<vmem>>, %arg7: memref<2000x128xf32, #tpu.memory_space<vmem>>, %arg8: memref<128x128xf32, #tpu.memory_space<vmem>>, %arg9: memref<2000x128xf32, #tpu.memory_space<vmem>>, %arg10: memref<2000x128xf32, #tpu.memory_space<vmem>>) attributes {dimension_semantics = [#tpu.dimension_semantics<arbitrary>], iteration_bounds = array<i64: 5>, scalar_prefetch = 0 : i64, scratch_operands = 0 : i64, tpu.core_type = #tpu.core_type<tc>, window_params = [{transform_indices = @transform_0, window_bounds = array<i64: 2000, 128>}, {transform_indices = @transform_1, window_bounds = array<i64: 2000, 128>}, {transform_indices = @transform_2, window_bounds = array<i64: 2000, 1>}, {pipeline_mode = #tpu.pipeline_mode<synchronous>, transform_indices = @transform_3, window_bounds = array<i64: 1, 128>}, {pipeline_mode = #tpu.pipeline_mode<synchronous>, transform_indices = @transform_4, window_bounds = array<i64: 1, 128>}, {pipeline_mode = #tpu.pipeline_mode<synchronous>, transform_indices = @transform_5, window_bounds = array<i64: 1, 128>}, {transform_indices = @transform_6, window_bounds = array<i64: 2000, 128>}, {pipeline_mode = #tpu.pipeline_mode<synchronous>, transform_indices = @transform_7, window_bounds = array<i64: 128, 128>}, {transform_indices = @transform_8, window_bounds = array<i64: 2000, 128>}, {transform_indices = @transform_9, window_bounds = array<i64: 2000, 128>}]} {
    %get3A = arith.constant 0 : index
    %get3A_0 = arith.constant 0 : index
    %get3A_1 = vector.load %arg1[%get3A, %get3A_0] : memref<2000x128xf32, #tpu.memory_space<vmem>>, vector<2000x128xf32>
    %get3A_2 = arith.constant 0 : index
    %get3A_3 = arith.constant 0 : index
    %get3A_4 = vector.load %arg3[%get3A_2, %get3A_3] : memref<2000x1xf32, #tpu.memory_space<vmem>>, vector<2000x1xf32>
    %get3A_5 = arith.constant 0 : index
    %get3A_6 = arith.constant 0 : index
    %get3A_7 = vector.load %arg2[%get3A_5, %get3A_6] : memref<2000x128xf32, #tpu.memory_space<vmem>>, vector<2000x128xf32>
    %mul3A = vector.broadcast %get3A_4 : vector<2000x1xf32> to vector<2000x128xf32>
    %mul3A_8 = arith.mulf %get3A_7, %mul3A : vector<2000x128xf32>
    %add3A = arith.addf %get3A_1, %mul3A_8 : vector<2000x128xf32>
    %mul3A_9 = vector.broadcast %get3A_4 : vector<2000x1xf32> to vector<2000x128xf32>
    %mul3A_10 = arith.mulf %add3A, %mul3A_9 : vector<2000x128xf32>
    %get3A_11 = arith.constant 0 : index
    %get3A_12 = arith.constant 0 : index
    %get3A_13 = vector.load %arg4[%get3A_11, %get3A_12] : memref<1x128xf32, #tpu.memory_space<vmem>>, vector<1x128xf32>
    %add3A_14 = vector.broadcast %get3A_13 : vector<1x128xf32> to vector<2000x128xf32>
    %add3A_15 = arith.addf %mul3A_10, %add3A_14 : vector<2000x128xf32>
    %logistic3A = arith.negf %add3A_15 : vector<2000x128xf32>
    %logistic3A_16 = math.exp %logistic3A : vector<2000x128xf32>
    %logistic3A_17 = arith.constant 1.000000e+00 : f32
    %logistic3A_18 = vector.broadcast %logistic3A_17 : f32 to vector<2000x128xf32>
    %logistic3A_19 = arith.addf %logistic3A_18, %logistic3A_16 : vector<2000x128xf32>
    %logistic3A_20 = arith.divf %logistic3A_18, %logistic3A_19 : vector<2000x128xf32>
    %mul3A_21 = arith.mulf %add3A_15, %logistic3A_20 : vector<2000x128xf32>
    %get3A_22 = arith.constant 0 : index
    %get3A_23 = arith.constant 0 : index
    %get3A_24 = vector.load %arg5[%get3A_22, %get3A_23] : memref<1x128xf32, #tpu.memory_space<vmem>>, vector<1x128xf32>
    %get3A_25 = arith.constant 0 : index
    %get3A_26 = arith.constant 0 : index
    %get3A_27 = vector.load %arg6[%get3A_25, %get3A_26] : memref<1x128xf32, #tpu.memory_space<vmem>>, vector<1x128xf32>
    %reduce_sum3A = arith.constant dense<0.000000e+00> : vector<2000xf32>
    %reduce_sum3A_28 = vector.multi_reduction <add>, %mul3A_21, %reduce_sum3A [1] : vector<2000x128xf32> to vector<2000xf32>
    %broadcast_in_dim3A = vector.shape_cast %reduce_sum3A_28 : vector<2000xf32> to vector<2000x1xf32>
    %div3A = arith.constant 1.280000e+02 : f32
    %div3A_29 = vector.broadcast %div3A : f32 to vector<2000x1xf32>
    %div3A_30 = arith.divf %broadcast_in_dim3A, %div3A_29 : vector<2000x1xf32>
    %sub3A = vector.broadcast %div3A_30 : vector<2000x1xf32> to vector<2000x128xf32>
    %sub3A_31 = arith.subf %mul3A_21, %sub3A : vector<2000x128xf32>
    %sub3A_32 = vector.broadcast %div3A_30 : vector<2000x1xf32> to vector<2000x128xf32>
    %sub3A_33 = arith.subf %mul3A_21, %sub3A_32 : vector<2000x128xf32>
    %mul3A_34 = arith.mulf %sub3A_31, %sub3A_33 : vector<2000x128xf32>
    %reduce_sum3A_35 = arith.constant dense<0.000000e+00> : vector<2000xf32>
    %reduce_sum3A_36 = vector.multi_reduction <add>, %mul3A_34, %reduce_sum3A_35 [1] : vector<2000x128xf32> to vector<2000xf32>
    %broadcast_in_dim3A_37 = vector.shape_cast %reduce_sum3A_36 : vector<2000xf32> to vector<2000x1xf32>
    %div3A_38 = arith.constant 1.280000e+02 : f32
    %div3A_39 = vector.broadcast %div3A_38 : f32 to vector<2000x1xf32>
    %div3A_40 = arith.divf %broadcast_in_dim3A_37, %div3A_39 : vector<2000x1xf32>
    %sub3A_41 = vector.broadcast %div3A_30 : vector<2000x1xf32> to vector<2000x128xf32>
    %sub3A_42 = arith.subf %mul3A_21, %sub3A_41 : vector<2000x128xf32>
    %add3A_43 = arith.constant 9.99999974E-6 : f32
    %add3A_44 = vector.broadcast %add3A_43 : f32 to vector<2000x1xf32>
    %add3A_45 = arith.addf %div3A_40, %add3A_44 : vector<2000x1xf32>
    %rsqrt3A = math.rsqrt %add3A_45 : vector<2000x1xf32>
    %mul3A_46 = vector.broadcast %rsqrt3A : vector<2000x1xf32> to vector<2000x128xf32>
    %mul3A_47 = arith.mulf %sub3A_42, %mul3A_46 : vector<2000x128xf32>
    %mul3A_48 = vector.broadcast %get3A_24 : vector<1x128xf32> to vector<2000x128xf32>
    %mul3A_49 = arith.mulf %mul3A_47, %mul3A_48 : vector<2000x128xf32>
    %add3A_50 = vector.broadcast %get3A_27 : vector<1x128xf32> to vector<2000x128xf32>
    %add3A_51 = arith.addf %mul3A_49, %add3A_50 : vector<2000x128xf32>
    %get3A_52 = arith.constant 0 : index
    %get3A_53 = arith.constant 0 : index
    %get3A_54 = vector.load %arg7[%get3A_52, %get3A_53] : memref<2000x128xf32, #tpu.memory_space<vmem>>, vector<2000x128xf32>
    %add3A_55 = arith.addf %add3A_51, %get3A_54 : vector<2000x128xf32>
    %swap3A = arith.constant 0 : index
    %swap3A_56 = arith.constant 0 : index
    %swap3A_57 = vector.load %arg9[%swap3A, %swap3A_56] : memref<2000x128xf32, #tpu.memory_space<vmem>>, vector<2000x128xf32>
    tpu.vector_store %arg9[%swap3A, %swap3A_56], %add3A_55 {strides = array<i32>} : memref<2000x128xf32, #tpu.memory_space<vmem>>, vector<2000x128xf32>,
    %get3A_58 = arith.constant 0 : index
    %get3A_59 = arith.constant 0 : index
    %get3A_60 = vector.load %arg8[%get3A_58, %get3A_59] : memref<128x128xf32, #tpu.memory_space<vmem>>, vector<128x128xf32>
    %dot_general3A = arith.constant dense<0.000000e+00> : vector<2000x128xf32>
    %dot_general3A_61 = tpu.matmul %add3A_55, %get3A_60, %dot_general3A {dimension_numbers = #tpu.dot_dimension_numbers<[1], [0], [0], [1], [0, 0, 1, 1], [], []>, transpose_lhs_hint = false} : vector<2000x128xf32>, vector<128x128xf32>, vector<2000x128xf32> -> vector<2000x128xf32>
    %mul3A_62 = vector.broadcast %get3A_4 : vector<2000x1xf32> to vector<2000x128xf32>
    %mul3A_63 = arith.mulf %dot_general3A_61, %mul3A_62 : vector<2000x128xf32>
    %swap3A_64 = arith.constant 0 : index
    %swap3A_65 = arith.constant 0 : index
    %swap3A_66 = vector.load %arg10[%swap3A_64, %swap3A_65] : memref<2000x128xf32, #tpu.memory_space<vmem>>, vector<2000x128xf32>
    tpu.vector_store %arg10[%swap3A_64, %swap3A_65], %mul3A_63 {strides = array<i32>} : memref<2000x128xf32, #tpu.memory_space<vmem>>, vector<2000x128xf32>,
    return
  }
  func.func @transform_0(%arg0: i32) -> (i32, i32) {
    %c0_i32 = arith.constant 0 : i32
    %c0_i32_0 = arith.constant 0 : i32
    return %arg0, %c0_i32 : i32, i32
  }
  func.func @transform_1(%arg0: i32) -> (i32, i32) {
    %c0_i32 = arith.constant 0 : i32
    %c0_i32_0 = arith.constant 0 : i32
    return %arg0, %c0_i32 : i32, i32
  }
  func.func @transform_2(%arg0: i32) -> (i32, i32) {
    %c0_i32 = arith.constant 0 : i32
    %c0_i32_0 = arith.constant 0 : i32
    return %arg0, %c0_i32 : i32, i32
  }
  func.func @transform_3(%arg0: i32) -> (i32, i32) {
    %c0_i32 = arith.constant 0 : i32
    %c0_i32_0 = arith.constant 0 : i32
    %c0_i32_1 = arith.constant 0 : i32
    return %c0_i32, %c0_i32_0 : i32, i32
  }
  func.func @transform_4(%arg0: i32) -> (i32, i32) {
    %c0_i32 = arith.constant 0 : i32
    %c0_i32_0 = arith.constant 0 : i32
    %c0_i32_1 = arith.constant 0 : i32
    return %c0_i32, %c0_i32_0 : i32, i32
  }
  func.func @transform_5(%arg0: i32) -> (i32, i32) {
    %c0_i32 = arith.constant 0 : i32
    %c0_i32_0 = arith.constant 0 : i32
    %c0_i32_1 = arith.constant 0 : i32
    return %c0_i32, %c0_i32_0 : i32, i32
  }
  func.func @transform_6(%arg0: i32) -> (i32, i32) {
    %c0_i32 = arith.constant 0 : i32
    %c0_i32_0 = arith.constant 0 : i32
    return %arg0, %c0_i32 : i32, i32
  }
  func.func @transform_7(%arg0: i32) -> (i32, i32) {
    %c0_i32 = arith.constant 0 : i32
    %c0_i32_0 = arith.constant 0 : i32
    %c0_i32_1 = arith.constant 0 : i32
    return %c0_i32, %c0_i32_0 : i32, i32
  }
  func.func @transform_8(%arg0: i32) -> (i32, i32) {
    %c0_i32 = arith.constant 0 : i32
    %c0_i32_0 = arith.constant 0 : i32
    return %arg0, %c0_i32 : i32, i32
  }
  func.func @transform_9(%arg0: i32) -> (i32, i32) {
    %c0_i32 = arith.constant 0 : i32
    %c0_i32_0 = arith.constant 0 : i32
    return %arg0, %c0_i32 : i32, i32
  }
}

module attributes {stable_mosaic.version = 14 : i64} {
  func.func @body(%arg0: i32, %arg1: memref<2000x128xf32, #tpu.memory_space<vmem>>, %arg2: memref<2000x128xf32, #tpu.memory_space<vmem>>, %arg3: memref<2000x1xf32, #tpu.memory_space<vmem>>, %arg4: memref<1x128xf32, #tpu.memory_space<vmem>>, %arg5: memref<1x128xf32, #tpu.memory_space<vmem>>, %arg6: memref<1x128xf32, #tpu.memory_space<vmem>>, %arg7: memref<2000x128xf32, #tpu.memory_space<vmem>>, %arg8: memref<1x128xf32, #tpu.memory_space<vmem>>, %arg9: memref<1x128xf32, #tpu.memory_space<vmem>>, %arg10: memref<128x32xf32, #tpu.memory_space<vmem>>, %arg11: memref<1x32xf32, #tpu.memory_space<vmem>>, %arg12: memref<1x32xf32, #tpu.memory_space<vmem>>, %arg13: memref<1x32xf32, #tpu.memory_space<vmem>>, %arg14: memref<32x8xf32, #tpu.memory_space<vmem>>, %arg15: memref<1x8xf32, #tpu.memory_space<vmem>>, %arg16: memref<1x8xf32, #tpu.memory_space<vmem>>, %arg17: memref<1x8xf32, #tpu.memory_space<vmem>>, %arg18: memref<8x2xf32, #tpu.memory_space<vmem>>, %arg19: memref<1x2xf32, #tpu.memory_space<vmem>>, %arg20: memref<2000x1xi32, #tpu.memory_space<vmem>>, %arg21: memref<2000x2xf32, #tpu.memory_space<vmem>>, %arg22: memref<2000x1xi32, #tpu.memory_space<vmem>>, %arg23: memref<1x1xf32, #tpu.memory_space<vmem>>, %arg24: memref<1x1xi32, #tpu.memory_space<vmem>>, %arg25: memref<1x1xi32, #tpu.memory_space<vmem>>, %arg26: memref<1x1xi32, #tpu.memory_space<vmem>>, %arg27: memref<1x1xi32, #tpu.memory_space<vmem>>) attributes {dimension_semantics = [#tpu.dimension_semantics<arbitrary>], iteration_bounds = array<i64: 5>, scalar_prefetch = 0 : i64, scratch_operands = 0 : i64, tpu.core_type = #tpu.core_type<tc>, window_params = [{transform_indices = @transform_0, window_bounds = array<i64: 2000, 128>}, {transform_indices = @transform_1, window_bounds = array<i64: 2000, 128>}, {transform_indices = @transform_2, window_bounds = array<i64: 2000, 1>}, {pipeline_mode = #tpu.pipeline_mode<synchronous>, transform_indices = @transform_3, window_bounds = array<i64: 1, 128>}, {pipeline_mode = #tpu.pipeline_mode<synchronous>, transform_indices = @transform_4, window_bounds = array<i64: 1, 128>}, {pipeline_mode = #tpu.pipeline_mode<synchronous>, transform_indices = @transform_5, window_bounds = array<i64: 1, 128>}, {transform_indices = @transform_6, window_bounds = array<i64: 2000, 128>}, {pipeline_mode = #tpu.pipeline_mode<synchronous>, transform_indices = @transform_7, window_bounds = array<i64: 1, 128>}, {pipeline_mode = #tpu.pipeline_mode<synchronous>, transform_indices = @transform_8, window_bounds = array<i64: 1, 128>}, {pipeline_mode = #tpu.pipeline_mode<synchronous>, transform_indices = @transform_9, window_bounds = array<i64: 128, 32>}, {pipeline_mode = #tpu.pipeline_mode<synchronous>, transform_indices = @transform_10, window_bounds = array<i64: 1, 32>}, {pipeline_mode = #tpu.pipeline_mode<synchronous>, transform_indices = @transform_11, window_bounds = array<i64: 1, 32>}, {pipeline_mode = #tpu.pipeline_mode<synchronous>, transform_indices = @transform_12, window_bounds = array<i64: 1, 32>}, {pipeline_mode = #tpu.pipeline_mode<synchronous>, transform_indices = @transform_13, window_bounds = array<i64: 32, 8>}, {pipeline_mode = #tpu.pipeline_mode<synchronous>, transform_indices = @transform_14, window_bounds = array<i64: 1, 8>}, {pipeline_mode = #tpu.pipeline_mode<synchronous>, transform_indices = @transform_15, window_bounds = array<i64: 1, 8>}, {pipeline_mode = #tpu.pipeline_mode<synchronous>, transform_indices = @transform_16, window_bounds = array<i64: 1, 8>}, {pipeline_mode = #tpu.pipeline_mode<synchronous>, transform_indices = @transform_17, window_bounds = array<i64: 8, 2>}, {pipeline_mode = #tpu.pipeline_mode<synchronous>, transform_indices = @transform_18, window_bounds = array<i64: 1, 2>}, {transform_indices = @transform_19, window_bounds = array<i64: 2000, 1>}, {transform_indices = @transform_20, window_bounds = array<i64: 2000, 2>}, {transform_indices = @transform_21, window_bounds = array<i64: 2000, 1>}, {pipeline_mode = #tpu.pipeline_mode<synchronous>, transform_indices = @transform_22, window_bounds = array<i64: 1, 1>}, {pipeline_mode = #tpu.pipeline_mode<synchronous>, transform_indices = @transform_23, window_bounds = array<i64: 1, 1>}, {pipeline_mode = #tpu.pipeline_mode<synchronous>, transform_indices = @transform_24, window_bounds = array<i64: 1, 1>}, {pipeline_mode = #tpu.pipeline_mode<synchronous>, transform_indices = @transform_25, window_bounds = array<i64: 1, 1>}, {pipeline_mode = #tpu.pipeline_mode<synchronous>, transform_indices = @transform_26, window_bounds = array<i64: 1, 1>}]} {
    %get3A = arith.constant 0 : index
    %get3A_0 = arith.constant 0 : index
    %get3A_1 = vector.load %arg1[%get3A, %get3A_0] : memref<2000x128xf32, #tpu.memory_space<vmem>>, vector<2000x128xf32>
    %get3A_2 = arith.constant 0 : index
    %get3A_3 = arith.constant 0 : index
    %get3A_4 = vector.load %arg3[%get3A_2, %get3A_3] : memref<2000x1xf32, #tpu.memory_space<vmem>>, vector<2000x1xf32>
    %get3A_5 = arith.constant 0 : index
    %get3A_6 = arith.constant 0 : index
    %get3A_7 = vector.load %arg2[%get3A_5, %get3A_6] : memref<2000x128xf32, #tpu.memory_space<vmem>>, vector<2000x128xf32>
    %add3A = arith.addf %get3A_1, %get3A_7 : vector<2000x128xf32>
    %mul3A = vector.broadcast %get3A_4 : vector<2000x1xf32> to vector<2000x128xf32>
    %mul3A_8 = arith.mulf %add3A, %mul3A : vector<2000x128xf32>
    %get3A_9 = arith.constant 0 : index
    %get3A_10 = arith.constant 0 : index
    %get3A_11 = vector.load %arg4[%get3A_9, %get3A_10] : memref<1x128xf32, #tpu.memory_space<vmem>>, vector<1x128xf32>
    %add3A_12 = vector.broadcast %get3A_11 : vector<1x128xf32> to vector<2000x128xf32>
    %add3A_13 = arith.addf %mul3A_8, %add3A_12 : vector<2000x128xf32>
    %logistic3A = arith.negf %add3A_13 : vector<2000x128xf32>
    %logistic3A_14 = math.exp %logistic3A : vector<2000x128xf32>
    %logistic3A_15 = arith.constant 1.000000e+00 : f32
    %logistic3A_16 = vector.broadcast %logistic3A_15 : f32 to vector<2000x128xf32>
    %logistic3A_17 = arith.addf %logistic3A_16, %logistic3A_14 : vector<2000x128xf32>
    %logistic3A_18 = arith.divf %logistic3A_16, %logistic3A_17 : vector<2000x128xf32>
    %mul3A_19 = arith.mulf %add3A_13, %logistic3A_18 : vector<2000x128xf32>
    %get3A_20 = arith.constant 0 : index
    %get3A_21 = arith.constant 0 : index
    %get3A_22 = vector.load %arg5[%get3A_20, %get3A_21] : memref<1x128xf32, #tpu.memory_space<vmem>>, vector<1x128xf32>
    %get3A_23 = arith.constant 0 : index
    %get3A_24 = arith.constant 0 : index
    %get3A_25 = vector.load %arg6[%get3A_23, %get3A_24] : memref<1x128xf32, #tpu.memory_space<vmem>>, vector<1x128xf32>
    %reduce_sum3A = arith.constant dense<0.000000e+00> : vector<2000xf32>
    %reduce_sum3A_26 = vector.multi_reduction <add>, %mul3A_19, %reduce_sum3A [1] : vector<2000x128xf32> to vector<2000xf32>
    %broadcast_in_dim3A = vector.shape_cast %reduce_sum3A_26 : vector<2000xf32> to vector<2000x1xf32>
    %div3A = arith.constant 1.280000e+02 : f32
    %div3A_27 = vector.broadcast %div3A : f32 to vector<2000x1xf32>
    %div3A_28 = arith.divf %broadcast_in_dim3A, %div3A_27 : vector<2000x1xf32>
    %sub3A = vector.broadcast %div3A_28 : vector<2000x1xf32> to vector<2000x128xf32>
    %sub3A_29 = arith.subf %mul3A_19, %sub3A : vector<2000x128xf32>
    %sub3A_30 = vector.broadcast %div3A_28 : vector<2000x1xf32> to vector<2000x128xf32>
    %sub3A_31 = arith.subf %mul3A_19, %sub3A_30 : vector<2000x128xf32>
    %mul3A_32 = arith.mulf %sub3A_29, %sub3A_31 : vector<2000x128xf32>
    %reduce_sum3A_33 = arith.constant dense<0.000000e+00> : vector<2000xf32>
    %reduce_sum3A_34 = vector.multi_reduction <add>, %mul3A_32, %reduce_sum3A_33 [1] : vector<2000x128xf32> to vector<2000xf32>
    %broadcast_in_dim3A_35 = vector.shape_cast %reduce_sum3A_34 : vector<2000xf32> to vector<2000x1xf32>
    %div3A_36 = arith.constant 1.280000e+02 : f32
    %div3A_37 = vector.broadcast %div3A_36 : f32 to vector<2000x1xf32>
    %div3A_38 = arith.divf %broadcast_in_dim3A_35, %div3A_37 : vector<2000x1xf32>
    %sub3A_39 = vector.broadcast %div3A_28 : vector<2000x1xf32> to vector<2000x128xf32>
    %sub3A_40 = arith.subf %mul3A_19, %sub3A_39 : vector<2000x128xf32>
    %add3A_41 = arith.constant 9.99999974E-6 : f32
    %add3A_42 = vector.broadcast %add3A_41 : f32 to vector<2000x1xf32>
    %add3A_43 = arith.addf %div3A_38, %add3A_42 : vector<2000x1xf32>
    %rsqrt3A = math.rsqrt %add3A_43 : vector<2000x1xf32>
    %mul3A_44 = vector.broadcast %rsqrt3A : vector<2000x1xf32> to vector<2000x128xf32>
    %mul3A_45 = arith.mulf %sub3A_40, %mul3A_44 : vector<2000x128xf32>
    %mul3A_46 = vector.broadcast %get3A_22 : vector<1x128xf32> to vector<2000x128xf32>
    %mul3A_47 = arith.mulf %mul3A_45, %mul3A_46 : vector<2000x128xf32>
    %add3A_48 = vector.broadcast %get3A_25 : vector<1x128xf32> to vector<2000x128xf32>
    %add3A_49 = arith.addf %mul3A_47, %add3A_48 : vector<2000x128xf32>
    %get3A_50 = arith.constant 0 : index
    %get3A_51 = arith.constant 0 : index
    %get3A_52 = vector.load %arg7[%get3A_50, %get3A_51] : memref<2000x128xf32, #tpu.memory_space<vmem>>, vector<2000x128xf32>
    %add3A_53 = arith.addf %add3A_49, %get3A_52 : vector<2000x128xf32>
    %get3A_54 = arith.constant 0 : index
    %get3A_55 = arith.constant 0 : index
    %get3A_56 = vector.load %arg8[%get3A_54, %get3A_55] : memref<1x128xf32, #tpu.memory_space<vmem>>, vector<1x128xf32>
    %get3A_57 = arith.constant 0 : index
    %get3A_58 = arith.constant 0 : index
    %get3A_59 = vector.load %arg9[%get3A_57, %get3A_58] : memref<1x128xf32, #tpu.memory_space<vmem>>, vector<1x128xf32>
    %reduce_sum3A_60 = arith.constant dense<0.000000e+00> : vector<2000xf32>
    %reduce_sum3A_61 = vector.multi_reduction <add>, %add3A_53, %reduce_sum3A_60 [1] : vector<2000x128xf32> to vector<2000xf32>
    %broadcast_in_dim3A_62 = vector.shape_cast %reduce_sum3A_61 : vector<2000xf32> to vector<2000x1xf32>
    %div3A_63 = arith.constant 1.280000e+02 : f32
    %div3A_64 = vector.broadcast %div3A_63 : f32 to vector<2000x1xf32>
    %div3A_65 = arith.divf %broadcast_in_dim3A_62, %div3A_64 : vector<2000x1xf32>
    %sub3A_66 = vector.broadcast %div3A_65 : vector<2000x1xf32> to vector<2000x128xf32>
    %sub3A_67 = arith.subf %add3A_53, %sub3A_66 : vector<2000x128xf32>
    %sub3A_68 = vector.broadcast %div3A_65 : vector<2000x1xf32> to vector<2000x128xf32>
    %sub3A_69 = arith.subf %add3A_53, %sub3A_68 : vector<2000x128xf32>
    %mul3A_70 = arith.mulf %sub3A_67, %sub3A_69 : vector<2000x128xf32>
    %reduce_sum3A_71 = arith.constant dense<0.000000e+00> : vector<2000xf32>
    %reduce_sum3A_72 = vector.multi_reduction <add>, %mul3A_70, %reduce_sum3A_71 [1] : vector<2000x128xf32> to vector<2000xf32>
    %broadcast_in_dim3A_73 = vector.shape_cast %reduce_sum3A_72 : vector<2000xf32> to vector<2000x1xf32>
    %div3A_74 = arith.constant 1.280000e+02 : f32
    %div3A_75 = vector.broadcast %div3A_74 : f32 to vector<2000x1xf32>
    %div3A_76 = arith.divf %broadcast_in_dim3A_73, %div3A_75 : vector<2000x1xf32>
    %sub3A_77 = vector.broadcast %div3A_65 : vector<2000x1xf32> to vector<2000x128xf32>
    %sub3A_78 = arith.subf %add3A_53, %sub3A_77 : vector<2000x128xf32>
    %add3A_79 = arith.constant 9.99999974E-6 : f32
    %add3A_80 = vector.broadcast %add3A_79 : f32 to vector<2000x1xf32>
    %add3A_81 = arith.addf %div3A_76, %add3A_80 : vector<2000x1xf32>
    %rsqrt3A_82 = math.rsqrt %add3A_81 : vector<2000x1xf32>
    %mul3A_83 = vector.broadcast %rsqrt3A_82 : vector<2000x1xf32> to vector<2000x128xf32>
    %mul3A_84 = arith.mulf %sub3A_78, %mul3A_83 : vector<2000x128xf32>
    %mul3A_85 = vector.broadcast %get3A_56 : vector<1x128xf32> to vector<2000x128xf32>
    %mul3A_86 = arith.mulf %mul3A_84, %mul3A_85 : vector<2000x128xf32>
    %add3A_87 = vector.broadcast %get3A_59 : vector<1x128xf32> to vector<2000x128xf32>
    %add3A_88 = arith.addf %mul3A_86, %add3A_87 : vector<2000x128xf32>
    %get3A_89 = arith.constant 0 : index
    %get3A_90 = arith.constant 0 : index
    %get3A_91 = vector.load %arg10[%get3A_89, %get3A_90] : memref<128x32xf32, #tpu.memory_space<vmem>>, vector<128x32xf32>
    %dot_general3A = arith.constant dense<0.000000e+00> : vector<2000x32xf32>
    %dot_general3A_92 = tpu.matmul %add3A_88, %get3A_91, %dot_general3A {dimension_numbers = #tpu.dot_dimension_numbers<[1], [0], [0], [1], [0, 0, 1, 1], [], []>, transpose_lhs_hint = false} : vector<2000x128xf32>, vector<128x32xf32>, vector<2000x32xf32> -> vector<2000x32xf32>
    %get3A_93 = arith.constant 0 : index
    %get3A_94 = arith.constant 0 : index
    %get3A_95 = vector.load %arg11[%get3A_93, %get3A_94] : memref<1x32xf32, #tpu.memory_space<vmem>>, vector<1x32xf32>
    %add3A_96 = vector.broadcast %get3A_95 : vector<1x32xf32> to vector<2000x32xf32>
    %add3A_97 = arith.addf %dot_general3A_92, %add3A_96 : vector<2000x32xf32>
    %logistic3A_98 = arith.negf %add3A_97 : vector<2000x32xf32>
    %logistic3A_99 = math.exp %logistic3A_98 : vector<2000x32xf32>
    %logistic3A_100 = arith.constant 1.000000e+00 : f32
    %logistic3A_101 = vector.broadcast %logistic3A_100 : f32 to vector<2000x32xf32>
    %logistic3A_102 = arith.addf %logistic3A_101, %logistic3A_99 : vector<2000x32xf32>
    %logistic3A_103 = arith.divf %logistic3A_101, %logistic3A_102 : vector<2000x32xf32>
    %mul3A_104 = arith.mulf %add3A_97, %logistic3A_103 : vector<2000x32xf32>
    %get3A_105 = arith.constant 0 : index
    %get3A_106 = arith.constant 0 : index
    %get3A_107 = vector.load %arg12[%get3A_105, %get3A_106] : memref<1x32xf32, #tpu.memory_space<vmem>>, vector<1x32xf32>
    %get3A_108 = arith.constant 0 : index
    %get3A_109 = arith.constant 0 : index
    %get3A_110 = vector.load %arg13[%get3A_108, %get3A_109] : memref<1x32xf32, #tpu.memory_space<vmem>>, vector<1x32xf32>
    %reduce_sum3A_111 = arith.constant dense<0.000000e+00> : vector<2000xf32>
    %reduce_sum3A_112 = vector.multi_reduction <add>, %mul3A_104, %reduce_sum3A_111 [1] : vector<2000x32xf32> to vector<2000xf32>
    %broadcast_in_dim3A_113 = vector.shape_cast %reduce_sum3A_112 : vector<2000xf32> to vector<2000x1xf32>
    %div3A_114 = arith.constant 3.200000e+01 : f32
    %div3A_115 = vector.broadcast %div3A_114 : f32 to vector<2000x1xf32>
    %div3A_116 = arith.divf %broadcast_in_dim3A_113, %div3A_115 : vector<2000x1xf32>
    %sub3A_117 = vector.broadcast %div3A_116 : vector<2000x1xf32> to vector<2000x32xf32>
    %sub3A_118 = arith.subf %mul3A_104, %sub3A_117 : vector<2000x32xf32>
    %sub3A_119 = vector.broadcast %div3A_116 : vector<2000x1xf32> to vector<2000x32xf32>
    %sub3A_120 = arith.subf %mul3A_104, %sub3A_119 : vector<2000x32xf32>
    %mul3A_121 = arith.mulf %sub3A_118, %sub3A_120 : vector<2000x32xf32>
    %reduce_sum3A_122 = arith.constant dense<0.000000e+00> : vector<2000xf32>
    %reduce_sum3A_123 = vector.multi_reduction <add>, %mul3A_121, %reduce_sum3A_122 [1] : vector<2000x32xf32> to vector<2000xf32>
    %broadcast_in_dim3A_124 = vector.shape_cast %reduce_sum3A_123 : vector<2000xf32> to vector<2000x1xf32>
    %div3A_125 = arith.constant 3.200000e+01 : f32
    %div3A_126 = vector.broadcast %div3A_125 : f32 to vector<2000x1xf32>
    %div3A_127 = arith.divf %broadcast_in_dim3A_124, %div3A_126 : vector<2000x1xf32>
    %sub3A_128 = vector.broadcast %div3A_116 : vector<2000x1xf32> to vector<2000x32xf32>
    %sub3A_129 = arith.subf %mul3A_104, %sub3A_128 : vector<2000x32xf32>
    %add3A_130 = arith.constant 9.99999974E-6 : f32
    %add3A_131 = vector.broadcast %add3A_130 : f32 to vector<2000x1xf32>
    %add3A_132 = arith.addf %div3A_127, %add3A_131 : vector<2000x1xf32>
    %rsqrt3A_133 = math.rsqrt %add3A_132 : vector<2000x1xf32>
    %mul3A_134 = vector.broadcast %rsqrt3A_133 : vector<2000x1xf32> to vector<2000x32xf32>
    %mul3A_135 = arith.mulf %sub3A_129, %mul3A_134 : vector<2000x32xf32>
    %mul3A_136 = vector.broadcast %get3A_107 : vector<1x32xf32> to vector<2000x32xf32>
    %mul3A_137 = arith.mulf %mul3A_135, %mul3A_136 : vector<2000x32xf32>
    %add3A_138 = vector.broadcast %get3A_110 : vector<1x32xf32> to vector<2000x32xf32>
    %add3A_139 = arith.addf %mul3A_137, %add3A_138 : vector<2000x32xf32>
    %get3A_140 = arith.constant 0 : index
    %get3A_141 = arith.constant 0 : index
    %get3A_142 = vector.load %arg14[%get3A_140, %get3A_141] : memref<32x8xf32, #tpu.memory_space<vmem>>, vector<32x8xf32>
    %dot_general3A_143 = arith.constant dense<0.000000e+00> : vector<2000x8xf32>
    %dot_general3A_144 = tpu.matmul %add3A_139, %get3A_142, %dot_general3A_143 {dimension_numbers = #tpu.dot_dimension_numbers<[1], [0], [0], [1], [0, 0, 1, 1], [], []>, transpose_lhs_hint = false} : vector<2000x32xf32>, vector<32x8xf32>, vector<2000x8xf32> -> vector<2000x8xf32>
    %get3A_145 = arith.constant 0 : index
    %get3A_146 = arith.constant 0 : index
    %get3A_147 = vector.load %arg15[%get3A_145, %get3A_146] : memref<1x8xf32, #tpu.memory_space<vmem>>, vector<1x8xf32>
    %add3A_148 = vector.broadcast %get3A_147 : vector<1x8xf32> to vector<2000x8xf32>
    %add3A_149 = arith.addf %dot_general3A_144, %add3A_148 : vector<2000x8xf32>
    %logistic3A_150 = arith.negf %add3A_149 : vector<2000x8xf32>
    %logistic3A_151 = math.exp %logistic3A_150 : vector<2000x8xf32>
    %logistic3A_152 = arith.constant 1.000000e+00 : f32
    %logistic3A_153 = vector.broadcast %logistic3A_152 : f32 to vector<2000x8xf32>
    %logistic3A_154 = arith.addf %logistic3A_153, %logistic3A_151 : vector<2000x8xf32>
    %logistic3A_155 = arith.divf %logistic3A_153, %logistic3A_154 : vector<2000x8xf32>
    %mul3A_156 = arith.mulf %add3A_149, %logistic3A_155 : vector<2000x8xf32>
    %get3A_157 = arith.constant 0 : index
    %get3A_158 = arith.constant 0 : index
    %get3A_159 = vector.load %arg16[%get3A_157, %get3A_158] : memref<1x8xf32, #tpu.memory_space<vmem>>, vector<1x8xf32>
    %get3A_160 = arith.constant 0 : index
    %get3A_161 = arith.constant 0 : index
    %get3A_162 = vector.load %arg17[%get3A_160, %get3A_161] : memref<1x8xf32, #tpu.memory_space<vmem>>, vector<1x8xf32>
    %reduce_sum3A_163 = arith.constant dense<0.000000e+00> : vector<2000xf32>
    %reduce_sum3A_164 = vector.multi_reduction <add>, %mul3A_156, %reduce_sum3A_163 [1] : vector<2000x8xf32> to vector<2000xf32>
    %broadcast_in_dim3A_165 = vector.shape_cast %reduce_sum3A_164 : vector<2000xf32> to vector<2000x1xf32>
    %div3A_166 = arith.constant 8.000000e+00 : f32
    %div3A_167 = vector.broadcast %div3A_166 : f32 to vector<2000x1xf32>
    %div3A_168 = arith.divf %broadcast_in_dim3A_165, %div3A_167 : vector<2000x1xf32>
    %sub3A_169 = vector.broadcast %div3A_168 : vector<2000x1xf32> to vector<2000x8xf32>
    %sub3A_170 = arith.subf %mul3A_156, %sub3A_169 : vector<2000x8xf32>
    %sub3A_171 = vector.broadcast %div3A_168 : vector<2000x1xf32> to vector<2000x8xf32>
    %sub3A_172 = arith.subf %mul3A_156, %sub3A_171 : vector<2000x8xf32>
    %mul3A_173 = arith.mulf %sub3A_170, %sub3A_172 : vector<2000x8xf32>
    %reduce_sum3A_174 = arith.constant dense<0.000000e+00> : vector<2000xf32>
    %reduce_sum3A_175 = vector.multi_reduction <add>, %mul3A_173, %reduce_sum3A_174 [1] : vector<2000x8xf32> to vector<2000xf32>
    %broadcast_in_dim3A_176 = vector.shape_cast %reduce_sum3A_175 : vector<2000xf32> to vector<2000x1xf32>
    %div3A_177 = arith.constant 8.000000e+00 : f32
    %div3A_178 = vector.broadcast %div3A_177 : f32 to vector<2000x1xf32>
    %div3A_179 = arith.divf %broadcast_in_dim3A_176, %div3A_178 : vector<2000x1xf32>
    %sub3A_180 = vector.broadcast %div3A_168 : vector<2000x1xf32> to vector<2000x8xf32>
    %sub3A_181 = arith.subf %mul3A_156, %sub3A_180 : vector<2000x8xf32>
    %add3A_182 = arith.constant 9.99999974E-6 : f32
    %add3A_183 = vector.broadcast %add3A_182 : f32 to vector<2000x1xf32>
    %add3A_184 = arith.addf %div3A_179, %add3A_183 : vector<2000x1xf32>
    %rsqrt3A_185 = math.rsqrt %add3A_184 : vector<2000x1xf32>
    %mul3A_186 = vector.broadcast %rsqrt3A_185 : vector<2000x1xf32> to vector<2000x8xf32>
    %mul3A_187 = arith.mulf %sub3A_181, %mul3A_186 : vector<2000x8xf32>
    %mul3A_188 = vector.broadcast %get3A_159 : vector<1x8xf32> to vector<2000x8xf32>
    %mul3A_189 = arith.mulf %mul3A_187, %mul3A_188 : vector<2000x8xf32>
    %add3A_190 = vector.broadcast %get3A_162 : vector<1x8xf32> to vector<2000x8xf32>
    %add3A_191 = arith.addf %mul3A_189, %add3A_190 : vector<2000x8xf32>
    %get3A_192 = arith.constant 0 : index
    %get3A_193 = arith.constant 0 : index
    %get3A_194 = vector.load %arg18[%get3A_192, %get3A_193] : memref<8x2xf32, #tpu.memory_space<vmem>>, vector<8x2xf32>
    %dot_general3A_195 = arith.constant dense<0.000000e+00> : vector<2000x2xf32>
    %dot_general3A_196 = tpu.matmul %add3A_191, %get3A_194, %dot_general3A_195 {dimension_numbers = #tpu.dot_dimension_numbers<[1], [0], [0], [1], [0, 0, 1, 1], [], []>, transpose_lhs_hint = false} : vector<2000x8xf32>, vector<8x2xf32>, vector<2000x2xf32> -> vector<2000x2xf32>
    %get3A_197 = arith.constant 0 : index
    %get3A_198 = arith.constant 0 : index
    %get3A_199 = vector.load %arg19[%get3A_197, %get3A_198] : memref<1x2xf32, #tpu.memory_space<vmem>>, vector<1x2xf32>
    %add3A_200 = vector.broadcast %get3A_199 : vector<1x2xf32> to vector<2000x2xf32>
    %add3A_201 = arith.addf %dot_general3A_196, %add3A_200 : vector<2000x2xf32>
    %swap3A = arith.constant 0 : index
    %swap3A_202 = arith.constant 0 : index
    %swap3A_203 = vector.load %arg21[%swap3A, %swap3A_202] : memref<2000x2xf32, #tpu.memory_space<vmem>>, vector<2000x2xf32>
    tpu.vector_store %arg21[%swap3A, %swap3A_202], %add3A_201 {strides = array<i32>} : memref<2000x2xf32, #tpu.memory_space<vmem>>, vector<2000x2xf32>,
    %reduce_max3A = arith.constant dense<0xFF800000> : vector<2000xf32>
    %reduce_max3A_204 = vector.multi_reduction <maximumf>, %add3A_201, %reduce_max3A [1] : vector<2000x2xf32> to vector<2000xf32>
    %broadcast_in_dim3A_205 = vector.shape_cast %reduce_max3A_204 : vector<2000xf32> to vector<2000x1xf32>
    %sub3A_206 = vector.broadcast %broadcast_in_dim3A_205 : vector<2000x1xf32> to vector<2000x2xf32>
    %sub3A_207 = arith.subf %add3A_201, %sub3A_206 : vector<2000x2xf32>
    %exp3A = math.exp %sub3A_207 : vector<2000x2xf32>
    %reduce_sum3A_208 = arith.constant dense<0.000000e+00> : vector<2000xf32>
    %reduce_sum3A_209 = vector.multi_reduction <add>, %exp3A, %reduce_sum3A_208 [1] : vector<2000x2xf32> to vector<2000xf32>
    %broadcast_in_dim3A_210 = vector.shape_cast %reduce_sum3A_209 : vector<2000xf32> to vector<2000x1xf32>
    %log3A = math.log %broadcast_in_dim3A_210 : vector<2000x1xf32>
    %add3A_211 = arith.addf %broadcast_in_dim3A_205, %log3A : vector<2000x1xf32>
    %get3A_212 = arith.constant 0 : index
    %get3A_213 = arith.constant 0 : index
    %get3A_214 = vector.load %arg20[%get3A_212, %get3A_213] : memref<2000x1xi32, #tpu.memory_space<vmem>>, vector<2000x1xi32>
    %iota3A = tpu.iota {dimensions = array<i32: 1>} : vector<2000x2xi32>
    %eq3A = vector.broadcast %get3A_214 : vector<2000x1xi32> to vector<2000x2xi32>
    %eq3A_215 = arith.cmpi eq, %iota3A, %eq3A : vector<2000x2xi32>
    %jit3A = arith.constant 0.000000e+00 : f32
    %broadcast_in_dim3A_216 = vector.broadcast %jit3A : f32 to vector<2000x2xf32>
    %select_n3A = arith.select %eq3A_215, %add3A_201, %broadcast_in_dim3A_216 : vector<2000x2xi1>, vector<2000x2xf32>
    %reduce_sum3A_217 = arith.constant dense<0.000000e+00> : vector<2000xf32>
    %reduce_sum3A_218 = vector.multi_reduction <add>, %select_n3A, %reduce_sum3A_217 [1] : vector<2000x2xf32> to vector<2000xf32>
    %broadcast_in_dim3A_219 = vector.shape_cast %reduce_sum3A_218 : vector<2000xf32> to vector<2000x1xf32>
    %eq3A_220 = arith.constant 0 : i32
    %eq3A_221 = vector.broadcast %eq3A_220 : i32 to vector<2000x2xi32>
    %eq3A_222 = arith.cmpi eq, %iota3A, %eq3A_221 : vector<2000x2xi32>
    %jit3A_223 = arith.constant 0.000000e+00 : f32
    %broadcast_in_dim3A_224 = vector.broadcast %jit3A_223 : f32 to vector<2000x2xf32>
    %select_n3A_225 = arith.select %eq3A_222, %add3A_201, %broadcast_in_dim3A_224 : vector<2000x2xi1>, vector<2000x2xf32>
    %reduce_sum3A_226 = arith.constant dense<0.000000e+00> : vector<2000xf32>
    %reduce_sum3A_227 = vector.multi_reduction <add>, %select_n3A_225, %reduce_sum3A_226 [1] : vector<2000x2xf32> to vector<2000xf32>
    %broadcast_in_dim3A_228 = vector.shape_cast %reduce_sum3A_227 : vector<2000xf32> to vector<2000x1xf32>
    %eq3A_229 = arith.constant 1 : i32
    %eq3A_230 = vector.broadcast %eq3A_229 : i32 to vector<2000x2xi32>
    %eq3A_231 = arith.cmpi eq, %iota3A, %eq3A_230 : vector<2000x2xi32>
    %jit3A_232 = arith.constant 0.000000e+00 : f32
    %broadcast_in_dim3A_233 = vector.broadcast %jit3A_232 : f32 to vector<2000x2xf32>
    %select_n3A_234 = arith.select %eq3A_231, %add3A_201, %broadcast_in_dim3A_233 : vector<2000x2xi1>, vector<2000x2xf32>
    %reduce_sum3A_235 = arith.constant dense<0.000000e+00> : vector<2000xf32>
    %reduce_sum3A_236 = vector.multi_reduction <add>, %select_n3A_234, %reduce_sum3A_235 [1] : vector<2000x2xf32> to vector<2000xf32>
    %broadcast_in_dim3A_237 = vector.shape_cast %reduce_sum3A_236 : vector<2000xf32> to vector<2000x1xf32>
    %gt3A = arith.cmpf ogt, %broadcast_in_dim3A_237, %broadcast_in_dim3A_228 : vector<2000x1xf32>
    %jit3A_238 = arith.constant 1 : i32
    %jit3A_239 = arith.constant 0 : i32
    %broadcast_in_dim3A_240 = vector.broadcast %jit3A_238 : i32 to vector<2000x1xi32>
    %broadcast_in_dim3A_241 = vector.broadcast %jit3A_239 : i32 to vector<2000x1xi32>
    %select_n3A_242 = arith.select %gt3A, %broadcast_in_dim3A_240, %broadcast_in_dim3A_241 : vector<2000x1xi1>, vector<2000x1xi32>
    %swap3A_243 = arith.constant 0 : index
    %swap3A_244 = arith.constant 0 : index
    %swap3A_245 = vector.load %arg22[%swap3A_243, %swap3A_244] : memref<2000x1xi32, #tpu.memory_space<vmem>>, vector<2000x1xi32>
    tpu.vector_store %arg22[%swap3A_243, %swap3A_244], %select_n3A_242 {strides = array<i32>} : memref<2000x1xi32, #tpu.memory_space<vmem>>, vector<2000x1xi32>,
    %eq3A_246 = arith.constant 0 : i32
    %eq3A_247 = vector.broadcast %eq3A_246 : i32 to vector<2000x1xi32>
    %eq3A_248 = arith.cmpi eq, %select_n3A_242, %eq3A_247 : vector<2000x1xi32>
    %eq3A_249 = arith.constant 0 : i32
    %eq3A_250 = vector.broadcast %eq3A_249 : i32 to vector<2000x1xi32>
    %eq3A_251 = arith.cmpi eq, %get3A_214, %eq3A_250 : vector<2000x1xi32>
    %sub3A_252 = arith.subf %add3A_211, %broadcast_in_dim3A_219 : vector<2000x1xf32>
    %reduce_sum3A_253 = vector.shape_cast %sub3A_252 : vector<2000x1xf32> to vector<1x2000x1xf32>
    %reduce_sum3A_254 = arith.constant dense<0.000000e+00> : vector<1xf32>
    %reduce_sum3A_255 = vector.multi_reduction <add>, %reduce_sum3A_253, %reduce_sum3A_254 [1, 2] : vector<1x2000x1xf32> to vector<1xf32>
    %reduce_sum3A_256 = vector.shape_cast %reduce_sum3A_255 : vector<1xf32> to vector<1x1x1xf32>
    %reduce_sum3A_257 = vector.extract %reduce_sum3A_256[0, 0, 0] : f32 from vector<1x1x1xf32>
    %broadcast_in_dim3A_258 = vector.broadcast %reduce_sum3A_257 : f32 to vector<1x1xf32>
    %and3A = arith.andi %eq3A_248, %eq3A_251 : vector<2000x1xi1>
    %convert_element_type3A = arith.extui %and3A : vector<2000x1xi1> to vector<2000x1xi32>
    %reduce_sum3A_259 = vector.shape_cast %convert_element_type3A : vector<2000x1xi32> to vector<1x2000x1xi32>
    %reduce_sum3A_260 = arith.constant dense<0> : vector<1xi32>
    %reduce_sum3A_261 = vector.multi_reduction <add>, %reduce_sum3A_259, %reduce_sum3A_260 [1, 2] : vector<1x2000x1xi32> to vector<1xi32>
    %reduce_sum3A_262 = vector.shape_cast %reduce_sum3A_261 : vector<1xi32> to vector<1x1x1xi32>
    %reduce_sum3A_263 = vector.extract %reduce_sum3A_262[0, 0, 0] : i32 from vector<1x1x1xi32>
    %broadcast_in_dim3A_264 = vector.broadcast %reduce_sum3A_263 : i32 to vector<1x1xi32>
    %not3A = arith.constant dense<true> : vector<2000x1xi1>
    %not3A_265 = arith.xori %eq3A_251, %not3A : vector<2000x1xi1>
    %and3A_266 = arith.andi %eq3A_248, %not3A_265 : vector<2000x1xi1>
    %convert_element_type3A_267 = arith.extui %and3A_266 : vector<2000x1xi1> to vector<2000x1xi32>
    %reduce_sum3A_268 = vector.shape_cast %convert_element_type3A_267 : vector<2000x1xi32> to vector<1x2000x1xi32>
    %reduce_sum3A_269 = arith.constant dense<0> : vector<1xi32>
    %reduce_sum3A_270 = vector.multi_reduction <add>, %reduce_sum3A_268, %reduce_sum3A_269 [1, 2] : vector<1x2000x1xi32> to vector<1xi32>
    %reduce_sum3A_271 = vector.shape_cast %reduce_sum3A_270 : vector<1xi32> to vector<1x1x1xi32>
    %reduce_sum3A_272 = vector.extract %reduce_sum3A_271[0, 0, 0] : i32 from vector<1x1x1xi32>
    %broadcast_in_dim3A_273 = vector.broadcast %reduce_sum3A_272 : i32 to vector<1x1xi32>
    %not3A_274 = arith.constant dense<true> : vector<2000x1xi1>
    %not3A_275 = arith.xori %eq3A_248, %not3A_274 : vector<2000x1xi1>
    %not3A_276 = arith.constant dense<true> : vector<2000x1xi1>
    %not3A_277 = arith.xori %eq3A_251, %not3A_276 : vector<2000x1xi1>
    %and3A_278 = arith.andi %not3A_275, %not3A_277 : vector<2000x1xi1>
    %convert_element_type3A_279 = arith.extui %and3A_278 : vector<2000x1xi1> to vector<2000x1xi32>
    %reduce_sum3A_280 = vector.shape_cast %convert_element_type3A_279 : vector<2000x1xi32> to vector<1x2000x1xi32>
    %reduce_sum3A_281 = arith.constant dense<0> : vector<1xi32>
    %reduce_sum3A_282 = vector.multi_reduction <add>, %reduce_sum3A_280, %reduce_sum3A_281 [1, 2] : vector<1x2000x1xi32> to vector<1xi32>
    %reduce_sum3A_283 = vector.shape_cast %reduce_sum3A_282 : vector<1xi32> to vector<1x1x1xi32>
    %reduce_sum3A_284 = vector.extract %reduce_sum3A_283[0, 0, 0] : i32 from vector<1x1x1xi32>
    %broadcast_in_dim3A_285 = vector.broadcast %reduce_sum3A_284 : i32 to vector<1x1xi32>
    %not3A_286 = arith.constant dense<true> : vector<2000x1xi1>
    %not3A_287 = arith.xori %eq3A_248, %not3A_286 : vector<2000x1xi1>
    %and3A_288 = arith.andi %not3A_287, %eq3A_251 : vector<2000x1xi1>
    %convert_element_type3A_289 = arith.extui %and3A_288 : vector<2000x1xi1> to vector<2000x1xi32>
    %reduce_sum3A_290 = vector.shape_cast %convert_element_type3A_289 : vector<2000x1xi32> to vector<1x2000x1xi32>
    %reduce_sum3A_291 = arith.constant dense<0> : vector<1xi32>
    %reduce_sum3A_292 = vector.multi_reduction <add>, %reduce_sum3A_290, %reduce_sum3A_291 [1, 2] : vector<1x2000x1xi32> to vector<1xi32>
    %reduce_sum3A_293 = vector.shape_cast %reduce_sum3A_292 : vector<1xi32> to vector<1x1x1xi32>
    %reduce_sum3A_294 = vector.extract %reduce_sum3A_293[0, 0, 0] : i32 from vector<1x1x1xi32>
    %broadcast_in_dim3A_295 = vector.broadcast %reduce_sum3A_294 : i32 to vector<1x1xi32>
    %eq3A_296 = arith.constant 0 : i32
    %eq3A_297 = arith.cmpi eq, %arg0, %eq3A_296 : i32
    %convert_element_type3A_298 = arith.extui %eq3A_297 : i1 to i32
    %cond3A = arith.constant 0 : i32
    %cond3A_299 = arith.cmpi ne, %convert_element_type3A_298, %cond3A : i32
    scf.if %cond3A_299 {
      %broadcast_in_dim3A_335 = arith.constant 0.000000e+00 : f32
      %broadcast_in_dim3A_336 = vector.broadcast %broadcast_in_dim3A_335 : f32 to vector<1x1xf32>
      %swap3A_337 = arith.constant 0 : index
      %swap3A_338 = arith.constant 0 : index
      %swap3A_339 = vector.load %arg23[%swap3A_337, %swap3A_338] : memref<1x1xf32, #tpu.memory_space<vmem>>, vector<1x1xf32>
      tpu.vector_store %arg23[%swap3A_337, %swap3A_338], %broadcast_in_dim3A_336 {strides = array<i32>} : memref<1x1xf32, #tpu.memory_space<vmem>>, vector<1x1xf32>,
      %broadcast_in_dim3A_340 = arith.constant 0 : i32
      %broadcast_in_dim3A_341 = vector.broadcast %broadcast_in_dim3A_340 : i32 to vector<1x1xi32>
      %swap3A_342 = arith.constant 0 : index
      %swap3A_343 = arith.constant 0 : index
      %swap3A_344 = vector.load %arg24[%swap3A_342, %swap3A_343] : memref<1x1xi32, #tpu.memory_space<vmem>>, vector<1x1xi32>
      tpu.vector_store %arg24[%swap3A_342, %swap3A_343], %broadcast_in_dim3A_341 {strides = array<i32>} : memref<1x1xi32, #tpu.memory_space<vmem>>, vector<1x1xi32>,
      %broadcast_in_dim3A_345 = arith.constant 0 : i32
      %broadcast_in_dim3A_346 = vector.broadcast %broadcast_in_dim3A_345 : i32 to vector<1x1xi32>
      %swap3A_347 = arith.constant 0 : index
      %swap3A_348 = arith.constant 0 : index
      %swap3A_349 = vector.load %arg25[%swap3A_347, %swap3A_348] : memref<1x1xi32, #tpu.memory_space<vmem>>, vector<1x1xi32>
      tpu.vector_store %arg25[%swap3A_347, %swap3A_348], %broadcast_in_dim3A_346 {strides = array<i32>} : memref<1x1xi32, #tpu.memory_space<vmem>>, vector<1x1xi32>,
      %broadcast_in_dim3A_350 = arith.constant 0 : i32
      %broadcast_in_dim3A_351 = vector.broadcast %broadcast_in_dim3A_350 : i32 to vector<1x1xi32>
      %swap3A_352 = arith.constant 0 : index
      %swap3A_353 = arith.constant 0 : index
      %swap3A_354 = vector.load %arg26[%swap3A_352, %swap3A_353] : memref<1x1xi32, #tpu.memory_space<vmem>>, vector<1x1xi32>
      tpu.vector_store %arg26[%swap3A_352, %swap3A_353], %broadcast_in_dim3A_351 {strides = array<i32>} : memref<1x1xi32, #tpu.memory_space<vmem>>, vector<1x1xi32>,
      %broadcast_in_dim3A_355 = arith.constant 0 : i32
      %broadcast_in_dim3A_356 = vector.broadcast %broadcast_in_dim3A_355 : i32 to vector<1x1xi32>
      %swap3A_357 = arith.constant 0 : index
      %swap3A_358 = arith.constant 0 : index
      %swap3A_359 = vector.load %arg27[%swap3A_357, %swap3A_358] : memref<1x1xi32, #tpu.memory_space<vmem>>, vector<1x1xi32>
      tpu.vector_store %arg27[%swap3A_357, %swap3A_358], %broadcast_in_dim3A_356 {strides = array<i32>} : memref<1x1xi32, #tpu.memory_space<vmem>>, vector<1x1xi32>,
    } else {
    }
    %get3A_300 = arith.constant 0 : index
    %get3A_301 = arith.constant 0 : index
    %get3A_302 = vector.load %arg23[%get3A_300, %get3A_301] : memref<1x1xf32, #tpu.memory_space<vmem>>, vector<1x1xf32>
    %add3A_303 = arith.addf %get3A_302, %broadcast_in_dim3A_258 : vector<1x1xf32>
    %swap3A_304 = arith.constant 0 : index
    %swap3A_305 = arith.constant 0 : index
    %swap3A_306 = vector.load %arg23[%swap3A_304, %swap3A_305] : memref<1x1xf32, #tpu.memory_space<vmem>>, vector<1x1xf32>
    tpu.vector_store %arg23[%swap3A_304, %swap3A_305], %add3A_303 {strides = array<i32>} : memref<1x1xf32, #tpu.memory_space<vmem>>, vector<1x1xf32>,
    %get3A_307 = arith.constant 0 : index
    %get3A_308 = arith.constant 0 : index
    %get3A_309 = vector.load %arg24[%get3A_307, %get3A_308] : memref<1x1xi32, #tpu.memory_space<vmem>>, vector<1x1xi32>
    %add3A_310 = arith.addi %get3A_309, %broadcast_in_dim3A_264 : vector<1x1xi32>
    %swap3A_311 = arith.constant 0 : index
    %swap3A_312 = arith.constant 0 : index
    %swap3A_313 = vector.load %arg24[%swap3A_311, %swap3A_312] : memref<1x1xi32, #tpu.memory_space<vmem>>, vector<1x1xi32>
    tpu.vector_store %arg24[%swap3A_311, %swap3A_312], %add3A_310 {strides = array<i32>} : memref<1x1xi32, #tpu.memory_space<vmem>>, vector<1x1xi32>,
    %get3A_314 = arith.constant 0 : index
    %get3A_315 = arith.constant 0 : index
    %get3A_316 = vector.load %arg25[%get3A_314, %get3A_315] : memref<1x1xi32, #tpu.memory_space<vmem>>, vector<1x1xi32>
    %add3A_317 = arith.addi %get3A_316, %broadcast_in_dim3A_273 : vector<1x1xi32>
    %swap3A_318 = arith.constant 0 : index
    %swap3A_319 = arith.constant 0 : index
    %swap3A_320 = vector.load %arg25[%swap3A_318, %swap3A_319] : memref<1x1xi32, #tpu.memory_space<vmem>>, vector<1x1xi32>
    tpu.vector_store %arg25[%swap3A_318, %swap3A_319], %add3A_317 {strides = array<i32>} : memref<1x1xi32, #tpu.memory_space<vmem>>, vector<1x1xi32>,
    %get3A_321 = arith.constant 0 : index
    %get3A_322 = arith.constant 0 : index
    %get3A_323 = vector.load %arg26[%get3A_321, %get3A_322] : memref<1x1xi32, #tpu.memory_space<vmem>>, vector<1x1xi32>
    %add3A_324 = arith.addi %get3A_323, %broadcast_in_dim3A_285 : vector<1x1xi32>
    %swap3A_325 = arith.constant 0 : index
    %swap3A_326 = arith.constant 0 : index
    %swap3A_327 = vector.load %arg26[%swap3A_325, %swap3A_326] : memref<1x1xi32, #tpu.memory_space<vmem>>, vector<1x1xi32>
    tpu.vector_store %arg26[%swap3A_325, %swap3A_326], %add3A_324 {strides = array<i32>} : memref<1x1xi32, #tpu.memory_space<vmem>>, vector<1x1xi32>,
    %get3A_328 = arith.constant 0 : index
    %get3A_329 = arith.constant 0 : index
    %get3A_330 = vector.load %arg27[%get3A_328, %get3A_329] : memref<1x1xi32, #tpu.memory_space<vmem>>, vector<1x1xi32>
    %add3A_331 = arith.addi %get3A_330, %broadcast_in_dim3A_295 : vector<1x1xi32>
    %swap3A_332 = arith.constant 0 : index
    %swap3A_333 = arith.constant 0 : index
    %swap3A_334 = vector.load %arg27[%swap3A_332, %swap3A_333] : memref<1x1xi32, #tpu.memory_space<vmem>>, vector<1x1xi32>
    tpu.vector_store %arg27[%swap3A_332, %swap3A_333], %add3A_331 {strides = array<i32>} : memref<1x1xi32, #tpu.memory_space<vmem>>, vector<1x1xi32>,
    return
  }
  func.func @transform_0(%arg0: i32) -> (i32, i32) {
    %c0_i32 = arith.constant 0 : i32
    %c0_i32_0 = arith.constant 0 : i32
    return %arg0, %c0_i32 : i32, i32
  }
  func.func @transform_1(%arg0: i32) -> (i32, i32) {
    %c0_i32 = arith.constant 0 : i32
    %c0_i32_0 = arith.constant 0 : i32
    return %arg0, %c0_i32 : i32, i32
  }
  func.func @transform_2(%arg0: i32) -> (i32, i32) {
    %c0_i32 = arith.constant 0 : i32
    %c0_i32_0 = arith.constant 0 : i32
    return %arg0, %c0_i32 : i32, i32
  }
  func.func @transform_3(%arg0: i32) -> (i32, i32) {
    %c0_i32 = arith.constant 0 : i32
    %c0_i32_0 = arith.constant 0 : i32
    %c0_i32_1 = arith.constant 0 : i32
    return %c0_i32, %c0_i32_0 : i32, i32
  }
  func.func @transform_4(%arg0: i32) -> (i32, i32) {
    %c0_i32 = arith.constant 0 : i32
    %c0_i32_0 = arith.constant 0 : i32
    %c0_i32_1 = arith.constant 0 : i32
    return %c0_i32, %c0_i32_0 : i32, i32
  }
  func.func @transform_5(%arg0: i32) -> (i32, i32) {
    %c0_i32 = arith.constant 0 : i32
    %c0_i32_0 = arith.constant 0 : i32
    %c0_i32_1 = arith.constant 0 : i32
    return %c0_i32, %c0_i32_0 : i32, i32
  }
  func.func @transform_6(%arg0: i32) -> (i32, i32) {
    %c0_i32 = arith.constant 0 : i32
    %c0_i32_0 = arith.constant 0 : i32
    return %arg0, %c0_i32 : i32, i32
  }
  func.func @transform_7(%arg0: i32) -> (i32, i32) {
    %c0_i32 = arith.constant 0 : i32
    %c0_i32_0 = arith.constant 0 : i32
    %c0_i32_1 = arith.constant 0 : i32
    return %c0_i32, %c0_i32_0 : i32, i32
  }
  func.func @transform_8(%arg0: i32) -> (i32, i32) {
    %c0_i32 = arith.constant 0 : i32
    %c0_i32_0 = arith.constant 0 : i32
    %c0_i32_1 = arith.constant 0 : i32
    return %c0_i32, %c0_i32_0 : i32, i32
  }
  func.func @transform_9(%arg0: i32) -> (i32, i32) {
    %c0_i32 = arith.constant 0 : i32
    %c0_i32_0 = arith.constant 0 : i32
    %c0_i32_1 = arith.constant 0 : i32
    return %c0_i32, %c0_i32_0 : i32, i32
  }
  func.func @transform_10(%arg0: i32) -> (i32, i32) {
    %c0_i32 = arith.constant 0 : i32
    %c0_i32_0 = arith.constant 0 : i32
    %c0_i32_1 = arith.constant 0 : i32
    return %c0_i32, %c0_i32_0 : i32, i32
  }
  func.func @transform_11(%arg0: i32) -> (i32, i32) {
    %c0_i32 = arith.constant 0 : i32
    %c0_i32_0 = arith.constant 0 : i32
    %c0_i32_1 = arith.constant 0 : i32
    return %c0_i32, %c0_i32_0 : i32, i32
  }
  func.func @transform_12(%arg0: i32) -> (i32, i32) {
    %c0_i32 = arith.constant 0 : i32
    %c0_i32_0 = arith.constant 0 : i32
    %c0_i32_1 = arith.constant 0 : i32
    return %c0_i32, %c0_i32_0 : i32, i32
  }
  func.func @transform_13(%arg0: i32) -> (i32, i32) {
    %c0_i32 = arith.constant 0 : i32
    %c0_i32_0 = arith.constant 0 : i32
    %c0_i32_1 = arith.constant 0 : i32
    return %c0_i32, %c0_i32_0 : i32, i32
  }
  func.func @transform_14(%arg0: i32) -> (i32, i32) {
    %c0_i32 = arith.constant 0 : i32
    %c0_i32_0 = arith.constant 0 : i32
    %c0_i32_1 = arith.constant 0 : i32
    return %c0_i32, %c0_i32_0 : i32, i32
  }
  func.func @transform_15(%arg0: i32) -> (i32, i32) {
    %c0_i32 = arith.constant 0 : i32
    %c0_i32_0 = arith.constant 0 : i32
    %c0_i32_1 = arith.constant 0 : i32
    return %c0_i32, %c0_i32_0 : i32, i32
  }
  func.func @transform_16(%arg0: i32) -> (i32, i32) {
    %c0_i32 = arith.constant 0 : i32
    %c0_i32_0 = arith.constant 0 : i32
    %c0_i32_1 = arith.constant 0 : i32
    return %c0_i32, %c0_i32_0 : i32, i32
  }
  func.func @transform_17(%arg0: i32) -> (i32, i32) {
    %c0_i32 = arith.constant 0 : i32
    %c0_i32_0 = arith.constant 0 : i32
    %c0_i32_1 = arith.constant 0 : i32
    return %c0_i32, %c0_i32_0 : i32, i32
  }
  func.func @transform_18(%arg0: i32) -> (i32, i32) {
    %c0_i32 = arith.constant 0 : i32
    %c0_i32_0 = arith.constant 0 : i32
    %c0_i32_1 = arith.constant 0 : i32
    return %c0_i32, %c0_i32_0 : i32, i32
  }
  func.func @transform_19(%arg0: i32) -> (i32, i32) {
    %c0_i32 = arith.constant 0 : i32
    %c0_i32_0 = arith.constant 0 : i32
    return %arg0, %c0_i32 : i32, i32
  }
  func.func @transform_20(%arg0: i32) -> (i32, i32) {
    %c0_i32 = arith.constant 0 : i32
    %c0_i32_0 = arith.constant 0 : i32
    return %arg0, %c0_i32 : i32, i32
  }
  func.func @transform_21(%arg0: i32) -> (i32, i32) {
    %c0_i32 = arith.constant 0 : i32
    %c0_i32_0 = arith.constant 0 : i32
    return %arg0, %c0_i32 : i32, i32
  }
  func.func @transform_22(%arg0: i32) -> (i32, i32) {
    %c0_i32 = arith.constant 0 : i32
    %c0_i32_0 = arith.constant 0 : i32
    %c0_i32_1 = arith.constant 0 : i32
    return %c0_i32, %c0_i32_0 : i32, i32
  }
  func.func @transform_23(%arg0: i32) -> (i32, i32) {
    %c0_i32 = arith.constant 0 : i32
    %c0_i32_0 = arith.constant 0 : i32
    %c0_i32_1 = arith.constant 0 : i32
    return %c0_i32, %c0_i32_0 : i32, i32
  }
  func.func @transform_24(%arg0: i32) -> (i32, i32) {
    %c0_i32 = arith.constant 0 : i32
    %c0_i32_0 = arith.constant 0 : i32
    %c0_i32_1 = arith.constant 0 : i32
    return %c0_i32, %c0_i32_0 : i32, i32
  }
  func.func @transform_25(%arg0: i32) -> (i32, i32) {
    %c0_i32 = arith.constant 0 : i32
    %c0_i32_0 = arith.constant 0 : i32
    %c0_i32_1 = arith.constant 0 : i32
    return %c0_i32, %c0_i32_0 : i32, i32
  }
  func.func @transform_26(%arg0: i32) -> (i32, i32) {
    %c0_i32 = arith.constant 0 : i32
    %c0_i32_0 = arith.constant 0 : i32
    %c0_i32_1 = arith.constant 0 : i32
    return %c0_i32, %c0_i32_0 : i32, i32
  }
}

</mosaic_0001>

<sc_bundles>
// kernel: kernel.11.cloned.1.call-start
scs
__scs_entry_jumppad:
0x0: {  	(pc) =	sbr.rel $0x88, $3  }
0x1: {  	(tag) =	ssettag $0x0;
	lr =	simm.s32 $0x1  }
0x2: {  	[smem:$0x3F8A] =	sst lr;
	_ =	strace $0xD0000000  }
0x3: {  	_ = 	snop  }
0x4: {  	_ = 	snop  }
0x5: {  	_ = 	snop  }
0x6: {  	_ = 	snop  }
0x7: {  	_ = 	snop  }
__scs_overlays_trampoline_lowered:
0x8: {  	[smem:$0x3F99] =	sst s0  }
0x9: {  	[smem:$0x3F9A] =	sst s1  }
0xa: {  	[smem:$0x3F9B] =	sst s2  }
0xb: {  	[smem:$0x3F9C] =	sst s3  }
0xc: {  	[smem:$0x3F9D] =	sst s4  }
0xd: {  	[smem:$0x3F9E] =	sst s5  }
0xe: {  	[smem:$0x3F9F] =	sst s6  }
0xf: {  	[smem:$0x3FA0] =	sst s7  }
0x10: {  	[smem:$0x3FA1] =	sst s8  }
0x11: {  	[smem:$0x3FA2] =	sst s9;
	s0 =	simm.s32 @!p0 $0x0  }
0x12: {  	s1 =	sld [smem:$0x3F88];
	s0 =	simm.s32 @p0 $0x1  }
0x13: {  	[smem:$0x3FA3] =	sst s0;
	s0 =	simm.s32 @!p1 $0x0  }
0x14: {  	s2 =	sld [smem:$0x3F87];
	s0 =	simm.s32 @p1 $0x1  }
0x15: {  	[smem:$0x3FA4] =	sst s0;
	s0 =	simm.s32 @!p2 $0x0  }
0x16: {  	s3 =	sld [smem:$0x3FDB];
	s0 =	simm.s32 @p2 $0x1  }
0x17: {  	s4 =	simm.s32 $0x1BF5;
	[smem:$0x3FA6] =	sst s0  }
0x18: {  	s0 =	sld [smem:$0x3F89];
	_ =	swait.ge [sflag:s4], $0x0  }
0x19: {  	s7 =	sld [smem:$0x3F8A]  }
0x1a: {  	s8 =	sadd.s32 $0xFFFFE003, lr  }
0x1b: {  	s9 =	sadd.s32 $0xFFFFFEF7, lr;
	s5 =	simm.s32 $0xFFFFFFFF;
	p2 =	slt.u32 s8, $0xFFFFF086  }
0x1c: {  	p1 =	slt.u32 s9, $0xF7A;
	s5 =	simm.s32 @!p2 $0x0  }
0x1d: {  	s5 =	simm.s32 @p1 $0x1;
	p0 =	seq.s32 s7, s2  }
0x1e: {  	s7 =	smul.u32 @!p0 $0xF7A, s2;
	p2 =	seq.s32 @!p0 s5, $0x0  }
0x1f: {  	s9 =	smul.u32 $0xF7A, s1;
	s8 =	simm.s32 @!p0 $0x1BF5;
	p2 =	por !p2, p0  }
0x20: {  	[sflag:s8] =	ssyncset.s32 @!p0 $0xFFFFF086;
	s6 =	sadd.s32 @!p0 s3, s7;
	s7 =	simm.s32 @!p0 $0x108  }
0x21: {  	s3 =	sadd.s32 s3, s9;
	s6 =	sadd.s32 @!p0 $0x88, s6;
	s7 =	simm.s32 @p2 $0x1082  }
0x22: {  	[simem:s7], [sflag:s8] =	dma.local @!p0 [hbm:s6], $0xF7A  }
0x23: {  	s9 =	sor.u32 $0xD0000000, s2;
	s6 =	simm.s32 $0x108;
	_ =	swait.ge @!p0 [sflag:s8], $0x0  }
0x24: {  	s3 =	sadd.s32 $0x88, s3;
	s6 =	simm.s32 @!p1 $0x1082;
	[sflag:s4] =	ssyncset.s32 $0xFFFFF086  }
0x25: {  	[simem:s6], [sflag:s4] =	dma.local [hbm:s3], $0xF7A  }
0x26: {  	[smem:$0x3F8A] =	sst s1;
	(tag) =	ssettag s2;
	_ =	strace s9  }
0x27: {  	s1 =	sld [smem:$0x3F9A]  }
0x28: {  	s2 =	sld [smem:$0x3F9B]  }
0x29: {  	s4 =	sld [smem:$0x3F9D]  }
0x2a: {  	p0 =	seq.s32 s5, $0x0;
	s5 =	sld [smem:$0x3F9E]  }
0x2b: {  	s6 =	sld [smem:$0x3F9F]  }
0x2c: {  	s7 =	sld [smem:$0x3FA0]  }
0x2d: {  	s3 =	simm.s32 $0x108;
	s8 =	sld [smem:$0x3FA1]  }
0x2e: {  	s3 =	simm.s32 @!p0 $0x1082;
	s9 =	sld [smem:$0x3FA2]  }
0x2f: {  	lr =	sadd.s32 s0, s3;
	s0 =	sld [smem:$0x3F99]  }
0x30: {  	s3 =	sld [smem:$0x3F9C]  }
0x31: {  	[smem:$0x3FA5] =	sst s10  }
0x32: {  	s10 =	sld [smem:$0x3FA3];
	_ =	sdelay $0x3  }
0x33: {  	p0 =	seq.s32 s10, $0x1;
	s10 =	sld [smem:$0x3FA5];
	_ =	sdelay $0x3  }
0x34: {  	[smem:$0x3FA5] =	sst s10  }
0x35: {  	s10 =	sld [smem:$0x3FA4];
	_ =	sdelay $0x3  }
0x36: {  	p1 =	seq.s32 s10, $0x1;
	s10 =	sld [smem:$0x3FA5];
	_ =	sdelay $0x3  }
0x37: {  	[smem:$0x3FA5] =	sst s10  }
0x38: {  	s10 =	sld [smem:$0x3FA6]  }
0x39: {  	_ = 	snop;
	(pc) =	sbr.ind lr, $3  }
0x3a: {  	_ = 	snop  }
0x3b: {  	_ = 	snop  }
0x3c: {  	p2 =	seq.s32 s10, $0x1;
	s10 =	sld [smem:$0x3FA5]  }
0x3d: {  	_ =	shalt  }
0x3e: {  	_ =	shalt  }
0x3f: {  	_ =	shalt  }
0x40: {  	_ =	shalt  }
0x41: {  	_ =	shalt  }
0x42: {  	_ =	shalt  }
0x43: {  	_ =	shalt  }
0x44: {  	_ =	shalt  }
0x45: {  	_ =	shalt  }
0x46: {  	_ =	shalt  }
0x47: {  	_ =	shalt  }
0x48: {  	_ =	shalt  }
0x49: {  	_ =	shalt  }
0x4a: {  	_ =	shalt  }
0x4b: {  	_ =	shalt  }
0x4c: {  	_ =	shalt  }
0x4d: {  	_ =	shalt  }
0x4e: {  	_ =	shalt  }
0x4f: {  	_ =	shalt  }
0x50: {  	_ =	shalt  }
0x51: {  	_ =	shalt  }
0x52: {  	_ =	shalt  }
0x53: {  	_ =	shalt  }
0x54: {  	_ =	shalt  }
0x55: {  	_ =	shalt  }
0x56: {  	_ =	shalt  }
0x57: {  	_ =	shalt  }
0x58: {  	_ =	shalt  }
0x59: {  	_ =	shalt  }
0x5a: {  	_ =	shalt  }
0x5b: {  	_ =	shalt  }
0x5c: {  	_ =	shalt  }
0x5d: {  	_ =	shalt  }
0x5e: {  	_ =	shalt  }
0x5f: {  	_ =	shalt  }
0x60: {  	_ =	shalt  }
0x61: {  	_ =	shalt  }
0x62: {  	_ =	shalt  }
0x63: {  	_ =	shalt  }
0x64: {  	_ =	shalt  }
0x65: {  	_ =	shalt  }
0x66: {  	_ =	shalt  }
0x67: {  	_ =	shalt  }
0x68: {  	_ =	shalt  }
0x69: {  	_ =	shalt  }
0x6a: {  	_ =	shalt  }
0x6b: {  	_ =	shalt  }
0x6c: {  	_ =	shalt  }
0x6d: {  	_ =	shalt  }
0x6e: {  	_ =	shalt  }
0x6f: {  	_ =	shalt  }
0x70: {  	_ =	shalt  }
0x71: {  	_ =	shalt  }
0x72: {  	_ =	shalt  }
0x73: {  	_ =	shalt  }
0x74: {  	_ =	shalt  }
0x75: {  	_ =	shalt  }
0x76: {  	_ =	shalt  }
0x77: {  	_ =	shalt  }
0x78: {  	_ =	shalt  }
0x79: {  	_ =	shalt  }
0x7a: {  	_ =	shalt  }
0x7b: {  	_ =	shalt  }
0x7c: {  	_ =	shalt  }
0x7d: {  	_ =	shalt  }
0x7e: {  	_ =	shalt  }
0x7f: {  	_ =	shalt  }
0x80: {  	_ =	shalt  }
0x81: {  	_ =	shalt  }
0x82: {  	_ =	shalt  }
0x83: {  	_ =	shalt  }
0x84: {  	_ =	shalt  }
0x85: {  	_ =	shalt  }
0x86: {  	_ =	shalt  }
0x87: {  	_ =	shalt  }
.Lfunc_end0:
.L_simem_size_0:
called_computation.1_lowered:
.L_overlay_start_0:
0x88: {  	s2 =	sld [smem:$0x3FD9]  }
0x89: {  	s3 =	sld [smem:$0x3FFE];
	_ =	sdelay $0x1  }
0x8a: {  	s1 =	srdreg.scid  }
0x8b: {  	s0 =	sand.u32 $0x1, s1  }
0x8c: {  	s16 =	sshll.u32 s0, $0xA;
	s2 =	sadd.s32 s3, s2  }
0x8d: {  	s2 =	sadd.s32 s2, s16  }
0x8e: {  	[smem:$0x3FB1] =	sst s2  }
0x8f: {  	_ = 	snop  }
0x90: {  	(tm) =	ssettm $0x1  }
0x91: {  	s17 =	sld [smem:$0x3FFB];
	_ =	sdelay $0x3  }
0x92: {  	_ =	strace s17  }
0x93: {  	s2 =	sld [smem:$0x3FFC];
	_ =	sdelay $0x3  }
0x94: {  	_ =	strace s2  }
0x95: {  	s2 =	sld [smem:$0x3FFD];
	_ =	sdelay $0x3  }
0x96: {  	_ =	strace s2  }
0x97: {  	_ =	strace $0x8FFFFFFF  }
0x98: {  	s18 =	sld [smem:$0x3FDB];
	_ =	sdelay $0x1  }
0x99: {  	s19 =	simm.s32 $_scs_section_size  }
0x9a: {  	s4 =	simm.s32 $_size__tile_overlayer_lowered;
	s5 =	simm.s32 $_tile_overlayer_lowered  }
0x9b: {  	s22 =	simm.s32 $0x1BFF;
	s21 =	sshll.u32 s5, $0x1;
	s2 =	sadd.s32 s19, s18  }
0x9c: {  	s6 =	simm.s32 $0x0;
	s20 =	sshll.u32 s4, $0x1;
	s4 =	sadd.s32 s21, s2  }
0x9d: {  	[timem:s6], [sflag:s22] =	dma.local [hbm:s4], s20  }
0x9e: {  	_ =	swait.ge [sflag:s22], s20  }
0x9f: {  	s3 =	ssub.s32 $0x0, s20;
	[sflag:s22] =	ssyncset.done $0x0  }
0xa0: {  	[sflag:s22] =	ssyncadd.s32 s3;
	_ =	sdelay $0x1  }
0xa1: {  	s23 =	simm.s32 $0x1B8B  }
0xa2: {  	_ =	swait.ge [sflag:s23], $0x1  }
0xa3: {  	[sflag:s23] =	ssyncset.done $0x0  }
0xa4: {  	s25 =	simm.s32 $0x1B8E;
	s24 =	sld [smem:$0x3FFE];
	[sflag:s23] =	ssyncadd.s32 $0xFFFFFFFF  }
0xa5: {  	s26 =	simm.s32 $execute0_lowered;
	[smem:$0x3FD2] =	sst s25  }
0xa6: {  	s4 =	sshll.u32 s26, $0x1;
	_ =	strace $0x80000049;
	[dreg:$0x1] =	wrdreg $0xFFFFFFFF  }
0xa7: {  	s28 =	simm.s32 $_size_execute0_lowered;
	s2 =	sadd.s32 s2, s4;
	[dreg:$0x0] =	wrdreg $0x0  }
0xa8: {  	s4 =	sshll.u32 s28, $0x1;
	[dreg:$0x2] =	wrdreg s2  }
0xa9: {  	[dreg:$0x3] =	wrdreg s4  }
0xaa: {  	[dreg:$0x4] =	wrdreg $0xC0  }
0xab: {  	_ =	task [dreg:s6], $0x5FFFF  }
0xac: {  	[dreg:$0x1] =	wrdreg $0xFFFFFFFF  }
0xad: {  	[dreg:$0x0] =	wrdreg $0x60  }
0xae: {  	[dreg:$0x2] =	wrdreg s24  }
0xaf: {  	[dreg:$0x3] =	wrdreg $0x11F800  }
0xb0: {  	[dreg:$0x4] =	wrdreg $0x9  }
0xb1: {  	_ =	task.clear_ibuf [dreg:s6], $0x5FFFF;
	_ =	strace $0x90000049  }
0xb2: {  	s29 =	simm.s32 $0x9;
	_ =	strace $0x8000004B  }
0xb3: {  	_ =	swait.ge [sflag:s29], $0x1  }
0xb4: {  	[sflag:s29] =	ssyncadd.s32 $0xFFFFFFFF  }
0xb5: {  	_ =	strace $0x9000004B  }
0xb6: {  	_ =	sfence  }
0xb7: {  	s30 =	sld [smem:$0x0];
	_ =	sdelay $0x2  }
0xb8: {  	s31 =	sshll.u32 s1, $0xD;
	s1 =	sshrl.u32 s1, $0x2  }
0xb9: {  	s3 =	sand.u32 $0x4000, s31;
	s1 =	sadd.s32 s1, s30  }
0xba: {  	s0 =	sor.u32 s3, s0;
	s1 =	sshll.u32 s1, $0x11  }
0xbb: {  	s0 =	sor.u32 s1, s0  }
0xbc: {  	s0 =	sadd.s32 $0x8F2B, s0  }
0xbd: {  	[sflag:s0] =	ssyncadd.remote.s32 $0x1  }
0xbe: {  	_ =	sfence.sel $0xFFFF  }
0xbf: {  	[dreg:$0x0] =	wrdreg $0xFFFFFFFF;
	(pc) =	sbr.abs _section_cstart, $3  }
0xc0: {  	[dreg:$0x1] =	wrdreg $0xFFFFFFFF  }
0xc1: {  	_ =	task.clear_ibuf [dreg:s6], $0x2FFFF;
	_ =	strace $0x9FFFFFFF  }
0xc2: {  	(tm) =	ssettm $0x7FFFFFFF  }
0xc3: {  	_ =	shalt  }
tec
execute0_lowered:
.L_overlay_start_1:
0x0: {  	(tag) =	ssettag $0x1  }
0x1: {  	s0 =	rddreg [dreg:$0x0]  }
0x2: {  	s1 =	srdreg.scid;
	s2 =	rddreg [dreg:$0x1]  }
0x3: {  	s7 =	stileid.u32;
	s3 =	simm.s32 $0x0;
	s15 =	simm.s32 $0x9  }
0x4: {  	s16 =	simm.s32 $0x5000;
	s17 =	simm.s32 $0xA000;
	s18 =	simm.s32 $0xA280  }
0x5: {  	s19 =	simm.s32 $0x7D;
	s21 =	simm.s32 $0xC1C0;
	s22 =	simm.s32 $0x1  }
0x6: {  	s29 =	simm.s32 $0x10040;
	s30 =	simm.s32 $0x3;
	s20 =	simm.s32 $0x4  }
0x7: {  	s31 =	simm.s32 $0x7;
	s23 =	simm.s32 $0x0;
	s1 =	sand.u32 $0x1, s1  }
0x8: {  	s5 =	smul.u32 $0xA00, s7;
	[smem:$0x7FF] =	sst s3;
	s4 =	sshll.u32 s1, $0x4  }
0x9: {  	_ =	strace $0x8000004A;
	s24 =	ssub.s32 $0x2, s1;
	p0 =	seq.s32 s1, $0x1  }
0xa: {  	s1 =	simm.s32 $0x19600;
	s4 =	sor.u32 s7, s4;
	s7 =	smul.u32 $0x27100, s7  }
0xb: {  	s8 =	sadd.s32 s5, s0;
	s5 =	sadd.s32 $0x4A800, s0;
	s25 =	sshrl.u32 s24, $0x1  }
0xc: {  	s1 =	simm.s32 @!p0 $0xF600;
	s6 =	smul.u32 $0x50, s4;
	s4 =	sadd.s32 $0x23600, s0  }
0xd: {  	s26 =	sadd.s32 $0x4200, s8;
	s14 =	sadd.s32 s1, s8;
	s1 =	simm.s32 $0x8  }
0xe: {  	s7 =	sshrl.u32 s7, $0x2;
	[dreg:$0x3] =	wrdreg s26;
	s26 =	simm.s32 $0x6  }
.Ltmp0:
0xf: {  	s9 =	sadd.s32 s6, s0;
	s0 =	ssub.s32 s24, s25;
	(pc) =	sbr.rel .LBB2_1-.Ltmp0, $4  }
0x10: {  	s6 =	sadd.s32 s7, s2;
	s24 =	simm.s32 $0xE100;
	s25 =	simm.s32 $0x2  }
0x11: {  	s28 =	sadd.s32 $0xEC00, s9;
	s9 =	sadd.s32 $0x1F40, s6;
	s10 =	sadd.s32 $0x3E80, s6  }
0x12: {  	s11 =	sadd.s32 $0x5DC0, s6;
	s0 =	smax.u32 s0, $0x1;
	[dreg:$0x4] =	wrdreg s28  }
0x13: {  	v0 =	vimm.f32 $0.0e+00;
	s12 =	sadd.s32 $0x7D00, s6;
	[dreg:$0x5] =	wrdreg s0;
	s0 =	simm.s32 $0x5  }
.LBB2_6:
0x14: {  	_ =	swait.ge [sflag:s20], $0x1F40  }
0x15: {  	[sflag:s20] =	ssyncset.done $0x0  }
0x16: {  	[sflag:s20] =	ssyncadd.s32 $0xFFFFE0C0  }
0x17: {  	[spmem:s2] =	stream.indirect.scatter.add.f32 [tilespmem:s29], [sflag:$0x8], $0x40, s8, s19, $0xb8;
	[tilespmem:$0x1BBC0] =	vst v63  }
0x18: {  	_ =	swait.ge [sflag:s0], $0x1F40  }
0x19: {  	[sflag:s0] =	ssyncset.done $0x0  }
0x1a: {  	[sflag:s0] =	ssyncadd.s32 $0xFFFFE0C0  }
0x1b: {  	_ =	swait.ge [sflag:s26], $0x1F40  }
0x1c: {  	[sflag:s26] =	ssyncset.done $0x0  }
0x1d: {  	[sflag:s26] =	ssyncadd.s32 $0xFFFFE0C0  }
0x1e: {  	_ =	swait.ge [sflag:s31], $0x1F40  }
0x1f: {  	[sflag:s31] =	ssyncset.done $0x0  }
0x20: {  	[sflag:s31] =	ssyncadd.s32 $0xFFFFE0C0  }
0x21: {  	_ =	swait.ge [sflag:s1], $0x1F40  }
0x22: {  	[sflag:s1] =	ssyncset.done $0x0  }
0x23: {  	[sflag:s1] =	ssyncadd.s32 $0xFFFFE0C0  }
0x24: {  	[bflag:$0x0] =	sbarrier.arrive $0xFFFF  }
0x25: {  	[tilespmem:s18], [sflag:$0x9] =	stream.linear.gather [spmem:s6], $0x1F40, $0x38;
	[tilespmem:$0x1BBC0] =	vst v63  }
0x26: {  	_ =	swait.ge [sflag:s15], $0x1F40  }
0x27: {  	[sflag:s15] =	ssyncset.done $0x0  }
0x28: {  	[sflag:s15] =	ssyncadd.s32 $0xFFFFE0C0  }
0x29: {  	[hbm4b:s5+s19] =	stream.indirect.scatter [tilespmem:s18], [sflag:$0x9], $0x40, s17, s19, $0xb8;
	[tilespmem:$0x1BBC0] =	vst v63  }
0x2a: {  	_ =	swait.ge [sflag:s15], $0x1F40  }
0x2b: {  	[sflag:s15] =	ssyncset.done $0x0  }
0x2c: {  	[sflag:s15] =	ssyncadd.s32 $0xFFFFE0C0  }
0x2d: {  	[tilespmem:s21], [sflag:$0x9] =	stream.linear.gather [spmem:s9], $0x1F40, $0x38;
	[tilespmem:$0x1BBC0] =	vst v63  }
0x2e: {  	_ =	swait.ge [sflag:s15], $0x1F40  }
0x2f: {  	[sflag:s15] =	ssyncset.done $0x0  }
0x30: {  	s7 =	simm.s32 $0xA080;
	[sflag:s15] =	ssyncadd.s32 $0xFFFFE0C0  }
0x31: {  	[hbm4b:s5+s19] =	stream.indirect.scatter [tilespmem:s21], [sflag:$0x9], $0x40, s7, s19, $0xb8;
	[tilespmem:$0x1BBC0] =	vst v63  }
0x32: {  	_ =	swait.ge [sflag:s15], $0x1F40  }
0x33: {  	[sflag:s15] =	ssyncset.done $0x0  }
0x34: {  	[sflag:s15] =	ssyncadd.s32 $0xFFFFE0C0  }
0x35: {  	[tilespmem:s18], [sflag:$0x9] =	stream.linear.gather [spmem:s10], $0x1F40, $0x38;
	[tilespmem:$0x1BBC0] =	vst v63  }
0x36: {  	_ =	swait.ge [sflag:s15], $0x1F40  }
0x37: {  	[sflag:s15] =	ssyncset.done $0x0  }
0x38: {  	s28 =	simm.s32 $0xA100;
	[sflag:s15] =	ssyncadd.s32 $0xFFFFE0C0  }
0x39: {  	[hbm4b:s5+s19] =	stream.indirect.scatter [tilespmem:s18], [sflag:$0x9], $0x40, s28, s19, $0xb8;
	[tilespmem:$0x1BBC0] =	vst v63  }
0x3a: {  	_ =	swait.ge [sflag:s15], $0x1F40  }
0x3b: {  	[sflag:s15] =	ssyncset.done $0x0  }
0x3c: {  	[sflag:s15] =	ssyncadd.s32 $0xFFFFE0C0  }
0x3d: {  	[tilespmem:s21], [sflag:$0x9] =	stream.linear.gather [spmem:s11], $0x1F40, $0x38;
	[tilespmem:$0x1BBC0] =	vst v63  }
0x3e: {  	_ =	swait.ge [sflag:s15], $0x1F40  }
0x3f: {  	[sflag:s15] =	ssyncset.done $0x0  }
0x40: {  	s8 =	simm.s32 $0xA180;
	[sflag:s15] =	ssyncadd.s32 $0xFFFFE0C0  }
0x41: {  	[hbm4b:s5+s19] =	stream.indirect.scatter [tilespmem:s21], [sflag:$0x9], $0x40, s8, s19, $0xb8;
	[tilespmem:$0x1BBC0] =	vst v63  }
0x42: {  	_ =	swait.ge [sflag:s15], $0x1F40  }
0x43: {  	[sflag:s15] =	ssyncset.done $0x0  }
0x44: {  	[sflag:s15] =	ssyncadd.s32 $0xFFFFE0C0  }
0x45: {  	[tilespmem:s18], [sflag:$0x9] =	stream.linear.gather [spmem:s12], $0x1F40, $0x38;
	[tilespmem:$0x1BBC0] =	vst v63  }
0x46: {  	_ =	swait.ge [sflag:s15], $0x1F40  }
0x47: {  	[sflag:s15] =	ssyncset.done $0x0  }
0x48: {  	s13 =	simm.s32 $0xA200;
	[sflag:s15] =	ssyncadd.s32 $0xFFFFE0C0  }
0x49: {  	[hbm4b:s5+s19] =	stream.indirect.scatter [tilespmem:s18], [sflag:$0x9], $0x40, s13, s19, $0xb8;
	[tilespmem:$0x1BBC0] =	vst v63  }
0x4a: {  	_ =	swait.ge [sflag:s15], $0x1F40  }
0x4b: {  	s23 =	sadd.s32 $0x1, s23;
	s28 =	rddreg [dreg:$0x5]  }
0x4c: {  	p0 =	sne.s32 s23, s28  }
.Ltmp1:
0x4d: {  	_ = 	snop;
	(pc) =	sbr.rel @!p0 .LBB2_7-.Ltmp1, $3  }
0x4e: {  	_ =	sdelay $0x1  }
0x4f: {  	[sflag:s15] =	ssyncset.done $0x0  }
0x50: {  	[sflag:s15] =	ssyncadd.s32 $0xFFFFE0C0  }
.LBB2_1:
0x51: {  	[tilespmem:s3], [sflag:$0x9] =	stream.linear.gather [hbm4b:s14+s3], $0x5000, $0x38;
	[tilespmem:$0x1BBC0] =	vst v63  }
0x52: {  	_ =	swait.ge [sflag:s15], $0x5000  }
0x53: {  	[sflag:s15] =	ssyncset.done $0x0  }
0x54: {  	s7 =	rddreg [dreg:$0x3];
	[sflag:s15] =	ssyncadd.s32 $0xFFFFB000  }
0x55: {  	[tilespmem:s16], [sflag:$0x9] =	stream.linear.gather [hbm4b:s7+s3], $0x5000, $0x38;
	[tilespmem:$0x1BBC0] =	vst v63  }
0x56: {  	_ =	swait.ge [sflag:s15], $0x5000  }
0x57: {  	[sflag:s15] =	ssyncset.done $0x0  }
0x58: {  	s13 =	rddreg [dreg:$0x4];
	[sflag:s15] =	ssyncadd.s32 $0xFFFFB000  }
0x59: {  	[tilespmem:s17], [sflag:$0x9] =	stream.linear.gather [hbm4b:s13+s3], $0x280, $0x38;
	[tilespmem:$0x1BBC0] =	vst v63  }
0x5a: {  	_ =	swait.ge [sflag:s15], $0x280  }
0x5b: {  	[sflag:s15] =	ssyncset.done $0x0  }
0x5c: {  	s28 =	simm.s32 $0x100;
	s7 =	simm.s32 $0x0;
	[sflag:s15] =	ssyncadd.s32 $0xFFFFFD80  }
.LBB2_2:
0x5d: {  	p0 =	sne.s32 s28, $0x7C00;
	[tilespmem:s7+$0xA2B0] =	vst v0;
	s8 =	smov.u32 s28;
	s28 =	sadd.s32 $0x100, s28  }
.Ltmp2:
0x5e: {  	[tilespmem:s7+$0xA2A0] =	vst v0;
	(pc) =	sbr.rel @p0 .LBB2_2-.Ltmp2, $3  }
0x5f: {  	[tilespmem:s7+$0xA280] =	vst v0  }
0x60: {  	[tilespmem:s7+$0xA290] =	vst v0;
	_ =	sdelay $0x1  }
0x61: {  	s7 =	sshra.s32 s8, $0x2  }
0x62: {  	[tilespmem:s7+$0xA2B0] =	vst v0  }
0x63: {  	[tilespmem:s7+$0xA2A0] =	vst v0  }
0x64: {  	[tilespmem:s7+$0xA280] =	vst v0  }
0x65: {  	[tilespmem:s7+$0xA290] =	vst v0  }
0x66: {  	[spmem:s6] =	stream.linear.scatter [tilespmem:s18], [sflag:$0x9], $0x1F40, $0x38;
	[tilespmem:$0x1BBC0] =	vst v63  }
0x67: {  	_ =	swait.ge [sflag:s15], $0x1F40  }
0x68: {  	[sflag:s15] =	ssyncset.done $0x0  }
0x69: {  	[sflag:s15] =	ssyncadd.s32 $0xFFFFE0C0  }
0x6a: {  	[spmem:s9] =	stream.linear.scatter [tilespmem:s18], [sflag:$0x9], $0x1F40, $0x38;
	[tilespmem:$0x1BBC0] =	vst v63  }
0x6b: {  	_ =	swait.ge [sflag:s15], $0x1F40  }
0x6c: {  	[sflag:s15] =	ssyncset.done $0x0  }
0x6d: {  	[sflag:s15] =	ssyncadd.s32 $0xFFFFE0C0  }
0x6e: {  	[spmem:s10] =	stream.linear.scatter [tilespmem:s18], [sflag:$0x9], $0x1F40, $0x38;
	[tilespmem:$0x1BBC0] =	vst v63  }
0x6f: {  	_ =	swait.ge [sflag:s15], $0x1F40  }
0x70: {  	[sflag:s15] =	ssyncset.done $0x0  }
0x71: {  	[sflag:s15] =	ssyncadd.s32 $0xFFFFE0C0  }
0x72: {  	[spmem:s11] =	stream.linear.scatter [tilespmem:s18], [sflag:$0x9], $0x1F40, $0x38;
	[tilespmem:$0x1BBC0] =	vst v63  }
0x73: {  	_ =	swait.ge [sflag:s15], $0x1F40  }
0x74: {  	[sflag:s15] =	ssyncset.done $0x0  }
0x75: {  	[sflag:s15] =	ssyncadd.s32 $0xFFFFE0C0  }
0x76: {  	[spmem:s12] =	stream.linear.scatter [tilespmem:s18], [sflag:$0x9], $0x1F40, $0x38;
	[tilespmem:$0x1BBC0] =	vst v63  }
0x77: {  	_ =	swait.ge [sflag:s15], $0x1F40  }
0x78: {  	[sflag:s15] =	ssyncset.done $0x0  }
0x79: {  	[sflag:s15] =	ssyncadd.s32 $0xFFFFE0C0  }
0x7a: {  	s28 =	simm.s32 $0x0;
	[bflag:$0x0] =	sbarrier.arrive $0xFFFF  }
0x7b: {  	[tilespmem:s18], [sflag:$0x1] =	stream.indirect.gather [hbm4b:s4+s19], $0x40, s28, s19, $0xb8;
	[tilespmem:$0x1BBC0] =	vst v63  }
0x7c: {  	s8 =	simm.s32 $0x80  }
0x7d: {  	[tilespmem:s21], [sflag:$0x2] =	stream.indirect.gather [hbm4b:s4+s19], $0x40, s8, s19, $0xb8;
	[tilespmem:$0x1BBC0] =	vst v63  }
0x7e: {  	_ =	swait.ge [sflag:s22], $0x1F40  }
0x7f: {  	[sflag:s22] =	ssyncset.done $0x0  }
0x80: {  	[sflag:s22] =	ssyncadd.s32 $0xFFFFE0C0  }
0x81: {  	[spmem:s2] =	stream.indirect.scatter.add.f32 [tilespmem:s18], [sflag:$0x5], $0x40, s16, s19, $0xb8;
	[tilespmem:$0x1BBC0] =	vst v63  }
0x82: {  	s13 =	simm.s32 $0x100  }
0x83: {  	[tilespmem:s24], [sflag:$0x3] =	stream.indirect.gather [hbm4b:s4+s19], $0x40, s13, s19, $0xb8;
	[tilespmem:$0x1BBC0] =	vst v63  }
0x84: {  	_ =	swait.ge [sflag:s25], $0x1F40  }
0x85: {  	[sflag:s25] =	ssyncset.done $0x0  }
0x86: {  	s8 =	simm.s32 $0x5080;
	[sflag:s25] =	ssyncadd.s32 $0xFFFFE0C0  }
0x87: {  	[spmem:s2] =	stream.indirect.scatter.add.f32 [tilespmem:s21], [sflag:$0x6], $0x40, s8, s19, $0xb8;
	[tilespmem:$0x1BBC0] =	vst v63  }
0x88: {  	s13 =	simm.s32 $0x180  }
0x89: {  	[tilespmem:s29], [sflag:$0x4] =	stream.indirect.gather [hbm4b:s4+s19], $0x40, s13, s19, $0xb8;
	[tilespmem:$0x1BBC0] =	vst v63  }
0x8a: {  	_ =	swait.ge [sflag:s30], $0x1F40  }
0x8b: {  	[sflag:s30] =	ssyncset.done $0x0  }
0x8c: {  	s8 =	simm.s32 $0x5100;
	[sflag:s30] =	ssyncadd.s32 $0xFFFFE0C0  }
0x8d: {  	[spmem:s2] =	stream.indirect.scatter.add.f32 [tilespmem:s24], [sflag:$0x7], $0x40, s8, s19, $0xb8;
	[tilespmem:$0x1BBC0] =	vst v63  }
0x8e: {  	_ =	swait.ge [sflag:s0], $0x1F40  }
0x8f: {  	[sflag:s0] =	ssyncset.done $0x0  }
0x90: {  	s13 =	simm.s32 $0x200;
	[sflag:s0] =	ssyncadd.s32 $0xFFFFE0C0  }
0x91: {  	[tilespmem:s18], [sflag:$0x1] =	stream.indirect.gather [hbm4b:s4+s19], $0x40, s13, s19, $0xb8;
	[tilespmem:$0x1BBC0] =	vst v63  }
0x92: {  	_ =	swait.ge [sflag:s20], $0x1F40  }
0x93: {  	[sflag:s20] =	ssyncset.done $0x0  }
0x94: {  	s8 =	simm.s32 $0x5180;
	[sflag:s20] =	ssyncadd.s32 $0xFFFFE0C0  }
0x95: {  	[spmem:s2] =	stream.indirect.scatter.add.f32 [tilespmem:s29], [sflag:$0x8], $0x40, s8, s19, $0xb8;
	[tilespmem:$0x1BBC0] =	vst v63  }
0x96: {  	_ =	swait.ge [sflag:s26], $0x1F40  }
0x97: {  	[sflag:s26] =	ssyncset.done $0x0  }
0x98: {  	s13 =	simm.s32 $0x280;
	[sflag:s26] =	ssyncadd.s32 $0xFFFFE0C0  }
0x99: {  	[tilespmem:s21], [sflag:$0x2] =	stream.indirect.gather [hbm4b:s4+s19], $0x40, s13, s19, $0xb8;
	[tilespmem:$0x1BBC0] =	vst v63  }
.LBB2_4:
0x9a: {  	_ =	swait.ge [sflag:s22], $0x1F40  }
0x9b: {  	s7 =	sshra.s32 s28, $0x2;
	[sflag:s22] =	ssyncset.done $0x0  }
0x9c: {  	s8 =	sadd.s32 $0x5200, s7;
	[sflag:s22] =	ssyncadd.s32 $0xFFFFE0C0  }
0x9d: {  	[spmem:s2] =	stream.indirect.scatter.add.f32 [tilespmem:s18], [sflag:$0x5], $0x40, s8, s19, $0xb8;
	[tilespmem:$0x1BBC0] =	vst v63  }
0x9e: {  	_ =	swait.ge [sflag:s31], $0x1F40  }
0x9f: {  	[sflag:s31] =	ssyncset.done $0x0  }
0xa0: {  	s13 =	sadd.s32 $0x300, s7;
	[sflag:s31] =	ssyncadd.s32 $0xFFFFE0C0  }
0xa1: {  	[tilespmem:s24], [sflag:$0x3] =	stream.indirect.gather [hbm4b:s4+s19], $0x40, s13, s19, $0xb8;
	[tilespmem:$0x1BBC0] =	vst v63  }
0xa2: {  	_ =	swait.ge [sflag:s25], $0x1F40  }
0xa3: {  	[sflag:s25] =	ssyncset.done $0x0  }
0xa4: {  	s13 =	sadd.s32 $0x5280, s7;
	[sflag:s25] =	ssyncadd.s32 $0xFFFFE0C0  }
0xa5: {  	[spmem:s2] =	stream.indirect.scatter.add.f32 [tilespmem:s21], [sflag:$0x6], $0x40, s13, s19, $0xb8;
	[tilespmem:$0x1BBC0] =	vst v63  }
0xa6: {  	_ =	swait.ge [sflag:s1], $0x1F40  }
0xa7: {  	[sflag:s1] =	ssyncset.done $0x0  }
0xa8: {  	p0 =	seq.s32 s28, $0x13000;
	s13 =	sadd.s32 $0x380, s7;
	[sflag:s1] =	ssyncadd.s32 $0xFFFFE0C0  }
0xa9: {  	[tilespmem:s29], [sflag:$0x4] =	stream.indirect.gather [hbm4b:s4+s19], $0x40, s13, s19, $0xb8;
	[tilespmem:$0x1BBC0] =	vst v63  }
.Ltmp3:
0xaa: {  	_ = 	snop;
	(pc) =	sbr.rel @p0 .LBB2_6-.Ltmp3, $4  }
0xab: {  	_ =	swait.ge [sflag:s30], $0x1F40  }
0xac: {  	[sflag:s30] =	ssyncset.done $0x0  }
0xad: {  	s8 =	sadd.s32 $0x5380, s7;
	s13 =	sadd.s32 $0x5300, s7;
	[sflag:s30] =	ssyncadd.s32 $0xFFFFE0C0  }
0xae: {  	[spmem:s2] =	stream.indirect.scatter.add.f32 [tilespmem:s24], [sflag:$0x7], $0x40, s13, s19, $0xb8;
	[tilespmem:$0x1BBC0] =	vst v63  }
0xaf: {  	_ =	swait.ge [sflag:s0], $0x1F40  }
0xb0: {  	[sflag:s0] =	ssyncset.done $0x0  }
0xb1: {  	s13 =	sadd.s32 $0x400, s7;
	[sflag:s0] =	ssyncadd.s32 $0xFFFFE0C0  }
0xb2: {  	[tilespmem:s18], [sflag:$0x1] =	stream.indirect.gather [hbm4b:s4+s19], $0x40, s13, s19, $0xb8;
	[tilespmem:$0x1BBC0] =	vst v63  }
0xb3: {  	_ =	swait.ge [sflag:s20], $0x1F40  }
0xb4: {  	[sflag:s20] =	ssyncset.done $0x0  }
0xb5: {  	[sflag:s20] =	ssyncadd.s32 $0xFFFFE0C0  }
0xb6: {  	[spmem:s2] =	stream.indirect.scatter.add.f32 [tilespmem:s29], [sflag:$0x8], $0x40, s8, s19, $0xb8;
	[tilespmem:$0x1BBC0] =	vst v63  }
.Ltmp4:
0xb7: {  	_ = 	snop;
	(pc) =	sbr.rel .LBB2_4-.Ltmp4, $4  }
0xb8: {  	_ =	swait.ge [sflag:s26], $0x1F40  }
0xb9: {  	[sflag:s26] =	ssyncset.done $0x0  }
0xba: {  	s28 =	sadd.s32 $0x800, s28;
	s13 =	sadd.s32 $0x480, s7;
	[sflag:s26] =	ssyncadd.s32 $0xFFFFE0C0  }
0xbb: {  	[tilespmem:s21], [sflag:$0x2] =	stream.indirect.gather [hbm4b:s4+s19], $0x40, s13, s19, $0xb8;
	[tilespmem:$0x1BBC0] =	vst v63  }
.LBB2_7:
0xbc: {  	_ =	sfence.sel $0x180000  }
0xbd: {  	[bflag:$0x0] =	sbarrier.arrive $0xFFFF  }
0xbe: {  	_ =	strace $0x9000004A  }
0xbf: {  	s0 =	stileid.u32;
	[bflag:$0x2] =	sbarrier.arrive $0xFFFF  }
0xc0: {  	p0 =	sne.s32 s0, $0x0;
	s0 =	rddreg [dreg:$0x2]  }
0xc1: {  	s0 =	sadd.s32 @!p0 $0x100000, s0  }
0xc2: {  	[sflag:s0] =	ssyncadd.tile.s32 @!p0 $0x1;
	_ =	shalt  }
.Lfunc_end2:
_tile_overlayer_lowered:
.L_overlay_start_2:
0xc3: {  	(tag) =	ssettag $0x2  }
0xc4: {  	s0 =	rddreg [dreg:$0x0];
	s2 =	stileid.u32  }
0xc5: {  	s1 =	rddreg [dreg:$0x1];
	p0 =	sne.s32 s2, $0x0  }
0xc6: {  	s3 =	rddreg [dreg:$0x2];
	[bflag:$0x3] =	sbarrier.arrive $0xFFFF;
	s2 =	simm.s32 @!p0 $0x1C09  }
0xc7: {  	[timem:s3], [sflag:s2] =	dma.local @!p0 [hbm:s0], s1  }
0xc8: {  	s0 =	simm.s32 @!p0 $0x9  }
0xc9: {  	_ =	swait.ge @!p0 [sflag:s0], s1  }
0xca: {  	s1 =	ssub.s32 @!p0 $0x0, s1;
	[sflag:s0] =	ssyncset.done @!p0 $0x0  }
0xcb: {  	[sflag:s0] =	ssyncadd.s32 @!p0 s1  }
0xcc: {  	[bflag:$0x3] =	sbarrier.arrive $0xFFFF  }
0xcd: {  	_ =	shalt  }

// kernel: kernel.14.cloned.1.call-start
scs
__scs_entry_jumppad:
0x0: {  	(pc) =	sbr.rel $0x88, $3  }
0x1: {  	(tag) =	ssettag $0x0;
	lr =	simm.s32 $0x1  }
0x2: {  	[smem:$0x3F8A] =	sst lr;
	_ =	strace $0xD0000000  }
0x3: {  	_ = 	snop  }
0x4: {  	_ = 	snop  }
0x5: {  	_ = 	snop  }
0x6: {  	_ = 	snop  }
0x7: {  	_ = 	snop  }
__scs_overlays_trampoline_lowered:
0x8: {  	[smem:$0x3F99] =	sst s0  }
0x9: {  	[smem:$0x3F9A] =	sst s1  }
0xa: {  	[smem:$0x3F9B] =	sst s2  }
0xb: {  	[smem:$0x3F9C] =	sst s3  }
0xc: {  	[smem:$0x3F9D] =	sst s4  }
0xd: {  	[smem:$0x3F9E] =	sst s5  }
0xe: {  	[smem:$0x3F9F] =	sst s6  }
0xf: {  	[smem:$0x3FA0] =	sst s7  }
0x10: {  	[smem:$0x3FA1] =	sst s8  }
0x11: {  	[smem:$0x3FA2] =	sst s9;
	s0 =	simm.s32 @!p0 $0x0  }
0x12: {  	s1 =	sld [smem:$0x3F88];
	s0 =	simm.s32 @p0 $0x1  }
0x13: {  	[smem:$0x3FA3] =	sst s0;
	s0 =	simm.s32 @!p1 $0x0  }
0x14: {  	s2 =	sld [smem:$0x3F87];
	s0 =	simm.s32 @p1 $0x1  }
0x15: {  	[smem:$0x3FA4] =	sst s0;
	s0 =	simm.s32 @!p2 $0x0  }
0x16: {  	s3 =	sld [smem:$0x3FDB];
	s0 =	simm.s32 @p2 $0x1  }
0x17: {  	s4 =	simm.s32 $0x1BF5;
	[smem:$0x3FA6] =	sst s0  }
0x18: {  	s0 =	sld [smem:$0x3F89];
	_ =	swait.ge [sflag:s4], $0x0  }
0x19: {  	s7 =	sld [smem:$0x3F8A]  }
0x1a: {  	s8 =	sadd.s32 $0xFFFFE003, lr  }
0x1b: {  	s9 =	sadd.s32 $0xFFFFFEF7, lr;
	s5 =	simm.s32 $0xFFFFFFFF;
	p2 =	slt.u32 s8, $0xFFFFF086  }
0x1c: {  	p1 =	slt.u32 s9, $0xF7A;
	s5 =	simm.s32 @!p2 $0x0  }
0x1d: {  	s5 =	simm.s32 @p1 $0x1;
	p0 =	seq.s32 s7, s2  }
0x1e: {  	s7 =	smul.u32 @!p0 $0xF7A, s2;
	p2 =	seq.s32 @!p0 s5, $0x0  }
0x1f: {  	s9 =	smul.u32 $0xF7A, s1;
	s8 =	simm.s32 @!p0 $0x1BF5;
	p2 =	por !p2, p0  }
0x20: {  	[sflag:s8] =	ssyncset.s32 @!p0 $0xFFFFF086;
	s6 =	sadd.s32 @!p0 s3, s7;
	s7 =	simm.s32 @!p0 $0x108  }
0x21: {  	s3 =	sadd.s32 s3, s9;
	s6 =	sadd.s32 @!p0 $0x88, s6;
	s7 =	simm.s32 @p2 $0x1082  }
0x22: {  	[simem:s7], [sflag:s8] =	dma.local @!p0 [hbm:s6], $0xF7A  }
0x23: {  	s9 =	sor.u32 $0xD0000000, s2;
	s6 =	simm.s32 $0x108;
	_ =	swait.ge @!p0 [sflag:s8], $0x0  }
0x24: {  	s3 =	sadd.s32 $0x88, s3;
	s6 =	simm.s32 @!p1 $0x1082;
	[sflag:s4] =	ssyncset.s32 $0xFFFFF086  }
0x25: {  	[simem:s6], [sflag:s4] =	dma.local [hbm:s3], $0xF7A  }
0x26: {  	[smem:$0x3F8A] =	sst s1;
	(tag) =	ssettag s2;
	_ =	strace s9  }
0x27: {  	s1 =	sld [smem:$0x3F9A]  }
0x28: {  	s2 =	sld [smem:$0x3F9B]  }
0x29: {  	s4 =	sld [smem:$0x3F9D]  }
0x2a: {  	p0 =	seq.s32 s5, $0x0;
	s5 =	sld [smem:$0x3F9E]  }
0x2b: {  	s6 =	sld [smem:$0x3F9F]  }
0x2c: {  	s7 =	sld [smem:$0x3FA0]  }
0x2d: {  	s3 =	simm.s32 $0x108;
	s8 =	sld [smem:$0x3FA1]  }
0x2e: {  	s3 =	simm.s32 @!p0 $0x1082;
	s9 =	sld [smem:$0x3FA2]  }
0x2f: {  	lr =	sadd.s32 s0, s3;
	s0 =	sld [smem:$0x3F99]  }
0x30: {  	s3 =	sld [smem:$0x3F9C]  }
0x31: {  	[smem:$0x3FA5] =	sst s10  }
0x32: {  	s10 =	sld [smem:$0x3FA3];
	_ =	sdelay $0x3  }
0x33: {  	p0 =	seq.s32 s10, $0x1;
	s10 =	sld [smem:$0x3FA5];
	_ =	sdelay $0x3  }
0x34: {  	[smem:$0x3FA5] =	sst s10  }
0x35: {  	s10 =	sld [smem:$0x3FA4];
	_ =	sdelay $0x3  }
0x36: {  	p1 =	seq.s32 s10, $0x1;
	s10 =	sld [smem:$0x3FA5];
	_ =	sdelay $0x3  }
0x37: {  	[smem:$0x3FA5] =	sst s10  }
0x38: {  	s10 =	sld [smem:$0x3FA6]  }
0x39: {  	_ = 	snop;
	(pc) =	sbr.ind lr, $3  }
0x3a: {  	_ = 	snop  }
0x3b: {  	_ = 	snop  }
0x3c: {  	p2 =	seq.s32 s10, $0x1;
	s10 =	sld [smem:$0x3FA5]  }
0x3d: {  	_ =	shalt  }
0x3e: {  	_ =	shalt  }
0x3f: {  	_ =	shalt  }
0x40: {  	_ =	shalt  }
0x41: {  	_ =	shalt  }
0x42: {  	_ =	shalt  }
0x43: {  	_ =	shalt  }
0x44: {  	_ =	shalt  }
0x45: {  	_ =	shalt  }
0x46: {  	_ =	shalt  }
0x47: {  	_ =	shalt  }
0x48: {  	_ =	shalt  }
0x49: {  	_ =	shalt  }
0x4a: {  	_ =	shalt  }
0x4b: {  	_ =	shalt  }
0x4c: {  	_ =	shalt  }
0x4d: {  	_ =	shalt  }
0x4e: {  	_ =	shalt  }
0x4f: {  	_ =	shalt  }
0x50: {  	_ =	shalt  }
0x51: {  	_ =	shalt  }
0x52: {  	_ =	shalt  }
0x53: {  	_ =	shalt  }
0x54: {  	_ =	shalt  }
0x55: {  	_ =	shalt  }
0x56: {  	_ =	shalt  }
0x57: {  	_ =	shalt  }
0x58: {  	_ =	shalt  }
0x59: {  	_ =	shalt  }
0x5a: {  	_ =	shalt  }
0x5b: {  	_ =	shalt  }
0x5c: {  	_ =	shalt  }
0x5d: {  	_ =	shalt  }
0x5e: {  	_ =	shalt  }
0x5f: {  	_ =	shalt  }
0x60: {  	_ =	shalt  }
0x61: {  	_ =	shalt  }
0x62: {  	_ =	shalt  }
0x63: {  	_ =	shalt  }
0x64: {  	_ =	shalt  }
0x65: {  	_ =	shalt  }
0x66: {  	_ =	shalt  }
0x67: {  	_ =	shalt  }
0x68: {  	_ =	shalt  }
0x69: {  	_ =	shalt  }
0x6a: {  	_ =	shalt  }
0x6b: {  	_ =	shalt  }
0x6c: {  	_ =	shalt  }
0x6d: {  	_ =	shalt  }
0x6e: {  	_ =	shalt  }
0x6f: {  	_ =	shalt  }
0x70: {  	_ =	shalt  }
0x71: {  	_ =	shalt  }
0x72: {  	_ =	shalt  }
0x73: {  	_ =	shalt  }
0x74: {  	_ =	shalt  }
0x75: {  	_ =	shalt  }
0x76: {  	_ =	shalt  }
0x77: {  	_ =	shalt  }
0x78: {  	_ =	shalt  }
0x79: {  	_ =	shalt  }
0x7a: {  	_ =	shalt  }
0x7b: {  	_ =	shalt  }
0x7c: {  	_ =	shalt  }
0x7d: {  	_ =	shalt  }
0x7e: {  	_ =	shalt  }
0x7f: {  	_ =	shalt  }
0x80: {  	_ =	shalt  }
0x81: {  	_ =	shalt  }
0x82: {  	_ =	shalt  }
0x83: {  	_ =	shalt  }
0x84: {  	_ =	shalt  }
0x85: {  	_ =	shalt  }
0x86: {  	_ =	shalt  }
0x87: {  	_ =	shalt  }
.Lfunc_end0:
.L_simem_size_0:
called_computation.2_lowered:
.L_overlay_start_0:
0x88: {  	s2 =	sld [smem:$0x3FD9]  }
0x89: {  	s3 =	sld [smem:$0x3FFE];
	_ =	sdelay $0x1  }
0x8a: {  	s1 =	srdreg.scid  }
0x8b: {  	s0 =	sand.u32 $0x1, s1  }
0x8c: {  	s16 =	sshll.u32 s0, $0xA;
	s2 =	sadd.s32 s3, s2  }
0x8d: {  	s2 =	sadd.s32 s2, s16  }
0x8e: {  	[smem:$0x3FB1] =	sst s2  }
0x8f: {  	_ = 	snop  }
0x90: {  	(tm) =	ssettm $0x1  }
0x91: {  	s17 =	sld [smem:$0x3FFB];
	_ =	sdelay $0x3  }
0x92: {  	_ =	strace s17  }
0x93: {  	s2 =	sld [smem:$0x3FFC];
	_ =	sdelay $0x3  }
0x94: {  	_ =	strace s2  }
0x95: {  	s2 =	sld [smem:$0x3FFD];
	_ =	sdelay $0x3  }
0x96: {  	_ =	strace s2  }
0x97: {  	_ =	strace $0x8FFFFFFF  }
0x98: {  	s18 =	sld [smem:$0x3FDB];
	_ =	sdelay $0x1  }
0x99: {  	s19 =	simm.s32 $_scs_section_size  }
0x9a: {  	s4 =	simm.s32 $_size__tile_overlayer_lowered;
	s5 =	simm.s32 $_tile_overlayer_lowered  }
0x9b: {  	s22 =	simm.s32 $0x1BFF;
	s21 =	sshll.u32 s5, $0x1;
	s2 =	sadd.s32 s19, s18  }
0x9c: {  	s6 =	simm.s32 $0x0;
	s20 =	sshll.u32 s4, $0x1;
	s4 =	sadd.s32 s21, s2  }
0x9d: {  	[timem:s6], [sflag:s22] =	dma.local [hbm:s4], s20  }
0x9e: {  	_ =	swait.ge [sflag:s22], s20  }
0x9f: {  	s3 =	ssub.s32 $0x0, s20;
	[sflag:s22] =	ssyncset.done $0x0  }
0xa0: {  	[sflag:s22] =	ssyncadd.s32 s3;
	_ =	sdelay $0x1  }
0xa1: {  	s23 =	simm.s32 $0x1B8B  }
0xa2: {  	_ =	swait.ge [sflag:s23], $0x1  }
0xa3: {  	[sflag:s23] =	ssyncset.done $0x0  }
0xa4: {  	s25 =	simm.s32 $0x1B8E;
	s24 =	sld [smem:$0x3FFE];
	[sflag:s23] =	ssyncadd.s32 $0xFFFFFFFF  }
0xa5: {  	s26 =	simm.s32 $execute0_lowered;
	[smem:$0x3FD2] =	sst s25  }
0xa6: {  	s4 =	sshll.u32 s26, $0x1;
	_ =	strace $0x8000004C;
	[dreg:$0x1] =	wrdreg $0xFFFFFFFF  }
0xa7: {  	s28 =	simm.s32 $_size_execute0_lowered;
	s2 =	sadd.s32 s2, s4;
	[dreg:$0x0] =	wrdreg $0x0  }
0xa8: {  	s4 =	sshll.u32 s28, $0x1;
	[dreg:$0x2] =	wrdreg s2  }
0xa9: {  	[dreg:$0x3] =	wrdreg s4  }
0xaa: {  	[dreg:$0x4] =	wrdreg $0xC0  }
0xab: {  	_ =	task [dreg:s6], $0x5FFFF  }
0xac: {  	[dreg:$0x1] =	wrdreg $0xFFFFFFFF  }
0xad: {  	[dreg:$0x0] =	wrdreg $0x60  }
0xae: {  	[dreg:$0x2] =	wrdreg s24  }
0xaf: {  	[dreg:$0x3] =	wrdreg $0x11F800  }
0xb0: {  	[dreg:$0x4] =	wrdreg $0x9  }
0xb1: {  	_ =	task.clear_ibuf [dreg:s6], $0x5FFFF;
	_ =	strace $0x9000004C  }
0xb2: {  	s29 =	simm.s32 $0x9;
	_ =	strace $0x8000004E  }
0xb3: {  	_ =	swait.ge [sflag:s29], $0x1  }
0xb4: {  	[sflag:s29] =	ssyncadd.s32 $0xFFFFFFFF  }
0xb5: {  	_ =	strace $0x9000004E  }
0xb6: {  	_ =	sfence  }
0xb7: {  	s30 =	sld [smem:$0x0];
	_ =	sdelay $0x2  }
0xb8: {  	s31 =	sshll.u32 s1, $0xD;
	s1 =	sshrl.u32 s1, $0x2  }
0xb9: {  	s3 =	sand.u32 $0x4000, s31;
	s1 =	sadd.s32 s1, s30  }
0xba: {  	s0 =	sor.u32 s3, s0;
	s1 =	sshll.u32 s1, $0x11  }
0xbb: {  	s0 =	sor.u32 s1, s0  }
0xbc: {  	s0 =	sadd.s32 $0x8F2B, s0  }
0xbd: {  	[sflag:s0] =	ssyncadd.remote.s32 $0x1  }
0xbe: {  	_ =	sfence.sel $0xFFFF  }
0xbf: {  	[dreg:$0x0] =	wrdreg $0xFFFFFFFF;
	(pc) =	sbr.abs _section_cstart, $3  }
0xc0: {  	[dreg:$0x1] =	wrdreg $0xFFFFFFFF  }
0xc1: {  	_ =	task.clear_ibuf [dreg:s6], $0x2FFFF;
	_ =	strace $0x9FFFFFFF  }
0xc2: {  	(tm) =	ssettm $0x7FFFFFFF  }
0xc3: {  	_ =	shalt  }
tec
execute0_lowered:
.L_overlay_start_1:
0x0: {  	(tag) =	ssettag $0x1  }
0x1: {  	s0 =	rddreg [dreg:$0x0]  }
0x2: {  	s1 =	srdreg.scid;
	s2 =	rddreg [dreg:$0x1]  }
0x3: {  	s7 =	stileid.u32;
	s3 =	simm.s32 $0x0;
	s15 =	simm.s32 $0x9  }
0x4: {  	s16 =	simm.s32 $0x5000;
	s17 =	simm.s32 $0xA000;
	s18 =	simm.s32 $0xA280  }
0x5: {  	s19 =	simm.s32 $0x7D;
	s21 =	simm.s32 $0xC1C0;
	s22 =	simm.s32 $0x1  }
0x6: {  	s29 =	simm.s32 $0x10040;
	s30 =	simm.s32 $0x3;
	s20 =	simm.s32 $0x4  }
0x7: {  	s31 =	simm.s32 $0x7;
	s23 =	simm.s32 $0x0;
	s1 =	sand.u32 $0x1, s1  }
0x8: {  	s5 =	smul.u32 $0xA00, s7;
	[smem:$0x7FF] =	sst s3;
	s4 =	sshll.u32 s1, $0x4  }
0x9: {  	_ =	strace $0x8000004D;
	s24 =	ssub.s32 $0x2, s1;
	p0 =	seq.s32 s1, $0x1  }
0xa: {  	s1 =	simm.s32 $0x19600;
	s4 =	sor.u32 s7, s4;
	s7 =	smul.u32 $0x27100, s7  }
0xb: {  	s8 =	sadd.s32 s5, s0;
	s5 =	sadd.s32 $0x98C00, s0;
	s25 =	sshrl.u32 s24, $0x1  }
0xc: {  	s1 =	simm.s32 @!p0 $0xF600;
	s6 =	smul.u32 $0x50, s4;
	s4 =	sadd.s32 $0x23600, s0  }
0xd: {  	s26 =	sadd.s32 $0x4200, s8;
	s14 =	sadd.s32 s1, s8;
	s1 =	simm.s32 $0x8  }
0xe: {  	s7 =	sshrl.u32 s7, $0x2;
	[dreg:$0x3] =	wrdreg s26;
	s26 =	simm.s32 $0x6  }
.Ltmp0:
0xf: {  	s9 =	sadd.s32 s6, s0;
	s0 =	ssub.s32 s24, s25;
	(pc) =	sbr.rel .LBB2_1-.Ltmp0, $4  }
0x10: {  	s6 =	sadd.s32 s7, s2;
	s24 =	simm.s32 $0xE100;
	s25 =	simm.s32 $0x2  }
0x11: {  	s28 =	sadd.s32 $0xEC00, s9;
	s9 =	sadd.s32 $0x1F40, s6;
	s10 =	sadd.s32 $0x3E80, s6  }
0x12: {  	s11 =	sadd.s32 $0x5DC0, s6;
	s0 =	smax.u32 s0, $0x1;
	[dreg:$0x4] =	wrdreg s28  }
0x13: {  	v0 =	vimm.f32 $0.0e+00;
	s12 =	sadd.s32 $0x7D00, s6;
	[dreg:$0x5] =	wrdreg s0;
	s0 =	simm.s32 $0x5  }
.LBB2_6:
0x14: {  	_ =	swait.ge [sflag:s20], $0x1F40  }
0x15: {  	[sflag:s20] =	ssyncset.done $0x0  }
0x16: {  	[sflag:s20] =	ssyncadd.s32 $0xFFFFE0C0  }
0x17: {  	[spmem:s2] =	stream.indirect.scatter.add.f32 [tilespmem:s29], [sflag:$0x8], $0x40, s8, s19, $0xb8;
	[tilespmem:$0x1BBC0] =	vst v63  }
0x18: {  	_ =	swait.ge [sflag:s0], $0x1F40  }
0x19: {  	[sflag:s0] =	ssyncset.done $0x0  }
0x1a: {  	[sflag:s0] =	ssyncadd.s32 $0xFFFFE0C0  }
0x1b: {  	_ =	swait.ge [sflag:s26], $0x1F40  }
0x1c: {  	[sflag:s26] =	ssyncset.done $0x0  }
0x1d: {  	[sflag:s26] =	ssyncadd.s32 $0xFFFFE0C0  }
0x1e: {  	_ =	swait.ge [sflag:s31], $0x1F40  }
0x1f: {  	[sflag:s31] =	ssyncset.done $0x0  }
0x20: {  	[sflag:s31] =	ssyncadd.s32 $0xFFFFE0C0  }
0x21: {  	_ =	swait.ge [sflag:s1], $0x1F40  }
0x22: {  	[sflag:s1] =	ssyncset.done $0x0  }
0x23: {  	[sflag:s1] =	ssyncadd.s32 $0xFFFFE0C0  }
0x24: {  	[bflag:$0x0] =	sbarrier.arrive $0xFFFF  }
0x25: {  	[tilespmem:s18], [sflag:$0x9] =	stream.linear.gather [spmem:s6], $0x1F40, $0x38;
	[tilespmem:$0x1BBC0] =	vst v63  }
0x26: {  	_ =	swait.ge [sflag:s15], $0x1F40  }
0x27: {  	[sflag:s15] =	ssyncset.done $0x0  }
0x28: {  	[sflag:s15] =	ssyncadd.s32 $0xFFFFE0C0  }
0x29: {  	[hbm4b:s5+s19] =	stream.indirect.scatter [tilespmem:s18], [sflag:$0x9], $0x40, s17, s19, $0xb8;
	[tilespmem:$0x1BBC0] =	vst v63  }
0x2a: {  	_ =	swait.ge [sflag:s15], $0x1F40  }
0x2b: {  	[sflag:s15] =	ssyncset.done $0x0  }
0x2c: {  	[sflag:s15] =	ssyncadd.s32 $0xFFFFE0C0  }
0x2d: {  	[tilespmem:s21], [sflag:$0x9] =	stream.linear.gather [spmem:s9], $0x1F40, $0x38;
	[tilespmem:$0x1BBC0] =	vst v63  }
0x2e: {  	_ =	swait.ge [sflag:s15], $0x1F40  }
0x2f: {  	[sflag:s15] =	ssyncset.done $0x0  }
0x30: {  	s7 =	simm.s32 $0xA080;
	[sflag:s15] =	ssyncadd.s32 $0xFFFFE0C0  }
0x31: {  	[hbm4b:s5+s19] =	stream.indirect.scatter [tilespmem:s21], [sflag:$0x9], $0x40, s7, s19, $0xb8;
	[tilespmem:$0x1BBC0] =	vst v63  }
0x32: {  	_ =	swait.ge [sflag:s15], $0x1F40  }
0x33: {  	[sflag:s15] =	ssyncset.done $0x0  }
0x34: {  	[sflag:s15] =	ssyncadd.s32 $0xFFFFE0C0  }
0x35: {  	[tilespmem:s18], [sflag:$0x9] =	stream.linear.gather [spmem:s10], $0x1F40, $0x38;
	[tilespmem:$0x1BBC0] =	vst v63  }
0x36: {  	_ =	swait.ge [sflag:s15], $0x1F40  }
0x37: {  	[sflag:s15] =	ssyncset.done $0x0  }
0x38: {  	s28 =	simm.s32 $0xA100;
	[sflag:s15] =	ssyncadd.s32 $0xFFFFE0C0  }
0x39: {  	[hbm4b:s5+s19] =	stream.indirect.scatter [tilespmem:s18], [sflag:$0x9], $0x40, s28, s19, $0xb8;
	[tilespmem:$0x1BBC0] =	vst v63  }
0x3a: {  	_ =	swait.ge [sflag:s15], $0x1F40  }
0x3b: {  	[sflag:s15] =	ssyncset.done $0x0  }
0x3c: {  	[sflag:s15] =	ssyncadd.s32 $0xFFFFE0C0  }
0x3d: {  	[tilespmem:s21], [sflag:$0x9] =	stream.linear.gather [spmem:s11], $0x1F40, $0x38;
	[tilespmem:$0x1BBC0] =	vst v63  }
0x3e: {  	_ =	swait.ge [sflag:s15], $0x1F40  }
0x3f: {  	[sflag:s15] =	ssyncset.done $0x0  }
0x40: {  	s8 =	simm.s32 $0xA180;
	[sflag:s15] =	ssyncadd.s32 $0xFFFFE0C0  }
0x41: {  	[hbm4b:s5+s19] =	stream.indirect.scatter [tilespmem:s21], [sflag:$0x9], $0x40, s8, s19, $0xb8;
	[tilespmem:$0x1BBC0] =	vst v63  }
0x42: {  	_ =	swait.ge [sflag:s15], $0x1F40  }
0x43: {  	[sflag:s15] =	ssyncset.done $0x0  }
0x44: {  	[sflag:s15] =	ssyncadd.s32 $0xFFFFE0C0  }
0x45: {  	[tilespmem:s18], [sflag:$0x9] =	stream.linear.gather [spmem:s12], $0x1F40, $0x38;
	[tilespmem:$0x1BBC0] =	vst v63  }
0x46: {  	_ =	swait.ge [sflag:s15], $0x1F40  }
0x47: {  	[sflag:s15] =	ssyncset.done $0x0  }
0x48: {  	s13 =	simm.s32 $0xA200;
	[sflag:s15] =	ssyncadd.s32 $0xFFFFE0C0  }
0x49: {  	[hbm4b:s5+s19] =	stream.indirect.scatter [tilespmem:s18], [sflag:$0x9], $0x40, s13, s19, $0xb8;
	[tilespmem:$0x1BBC0] =	vst v63  }
0x4a: {  	_ =	swait.ge [sflag:s15], $0x1F40  }
0x4b: {  	s23 =	sadd.s32 $0x1, s23;
	s28 =	rddreg [dreg:$0x5]  }
0x4c: {  	p0 =	sne.s32 s23, s28  }
.Ltmp1:
0x4d: {  	_ = 	snop;
	(pc) =	sbr.rel @!p0 .LBB2_7-.Ltmp1, $3  }
0x4e: {  	_ =	sdelay $0x1  }
0x4f: {  	[sflag:s15] =	ssyncset.done $0x0  }
0x50: {  	[sflag:s15] =	ssyncadd.s32 $0xFFFFE0C0  }
.LBB2_1:
0x51: {  	[tilespmem:s3], [sflag:$0x9] =	stream.linear.gather [hbm4b:s14+s3], $0x5000, $0x38;
	[tilespmem:$0x1BBC0] =	vst v63  }
0x52: {  	_ =	swait.ge [sflag:s15], $0x5000  }
0x53: {  	[sflag:s15] =	ssyncset.done $0x0  }
0x54: {  	s7 =	rddreg [dreg:$0x3];
	[sflag:s15] =	ssyncadd.s32 $0xFFFFB000  }
0x55: {  	[tilespmem:s16], [sflag:$0x9] =	stream.linear.gather [hbm4b:s7+s3], $0x5000, $0x38;
	[tilespmem:$0x1BBC0] =	vst v63  }
0x56: {  	_ =	swait.ge [sflag:s15], $0x5000  }
0x57: {  	[sflag:s15] =	ssyncset.done $0x0  }
0x58: {  	s13 =	rddreg [dreg:$0x4];
	[sflag:s15] =	ssyncadd.s32 $0xFFFFB000  }
0x59: {  	[tilespmem:s17], [sflag:$0x9] =	stream.linear.gather [hbm4b:s13+s3], $0x280, $0x38;
	[tilespmem:$0x1BBC0] =	vst v63  }
0x5a: {  	_ =	swait.ge [sflag:s15], $0x280  }
0x5b: {  	[sflag:s15] =	ssyncset.done $0x0  }
0x5c: {  	s28 =	simm.s32 $0x100;
	s7 =	simm.s32 $0x0;
	[sflag:s15] =	ssyncadd.s32 $0xFFFFFD80  }
.LBB2_2:
0x5d: {  	p0 =	sne.s32 s28, $0x7C00;
	[tilespmem:s7+$0xA2B0] =	vst v0;
	s8 =	smov.u32 s28;
	s28 =	sadd.s32 $0x100, s28  }
.Ltmp2:
0x5e: {  	[tilespmem:s7+$0xA2A0] =	vst v0;
	(pc) =	sbr.rel @p0 .LBB2_2-.Ltmp2, $3  }
0x5f: {  	[tilespmem:s7+$0xA280] =	vst v0  }
0x60: {  	[tilespmem:s7+$0xA290] =	vst v0;
	_ =	sdelay $0x1  }
0x61: {  	s7 =	sshra.s32 s8, $0x2  }
0x62: {  	[tilespmem:s7+$0xA2B0] =	vst v0  }
0x63: {  	[tilespmem:s7+$0xA2A0] =	vst v0  }
0x64: {  	[tilespmem:s7+$0xA280] =	vst v0  }
0x65: {  	[tilespmem:s7+$0xA290] =	vst v0  }
0x66: {  	[spmem:s6] =	stream.linear.scatter [tilespmem:s18], [sflag:$0x9], $0x1F40, $0x38;
	[tilespmem:$0x1BBC0] =	vst v63  }
0x67: {  	_ =	swait.ge [sflag:s15], $0x1F40  }
0x68: {  	[sflag:s15] =	ssyncset.done $0x0  }
0x69: {  	[sflag:s15] =	ssyncadd.s32 $0xFFFFE0C0  }
0x6a: {  	[spmem:s9] =	stream.linear.scatter [tilespmem:s18], [sflag:$0x9], $0x1F40, $0x38;
	[tilespmem:$0x1BBC0] =	vst v63  }
0x6b: {  	_ =	swait.ge [sflag:s15], $0x1F40  }
0x6c: {  	[sflag:s15] =	ssyncset.done $0x0  }
0x6d: {  	[sflag:s15] =	ssyncadd.s32 $0xFFFFE0C0  }
0x6e: {  	[spmem:s10] =	stream.linear.scatter [tilespmem:s18], [sflag:$0x9], $0x1F40, $0x38;
	[tilespmem:$0x1BBC0] =	vst v63  }
0x6f: {  	_ =	swait.ge [sflag:s15], $0x1F40  }
0x70: {  	[sflag:s15] =	ssyncset.done $0x0  }
0x71: {  	[sflag:s15] =	ssyncadd.s32 $0xFFFFE0C0  }
0x72: {  	[spmem:s11] =	stream.linear.scatter [tilespmem:s18], [sflag:$0x9], $0x1F40, $0x38;
	[tilespmem:$0x1BBC0] =	vst v63  }
0x73: {  	_ =	swait.ge [sflag:s15], $0x1F40  }
0x74: {  	[sflag:s15] =	ssyncset.done $0x0  }
0x75: {  	[sflag:s15] =	ssyncadd.s32 $0xFFFFE0C0  }
0x76: {  	[spmem:s12] =	stream.linear.scatter [tilespmem:s18], [sflag:$0x9], $0x1F40, $0x38;
	[tilespmem:$0x1BBC0] =	vst v63  }
0x77: {  	_ =	swait.ge [sflag:s15], $0x1F40  }
0x78: {  	[sflag:s15] =	ssyncset.done $0x0  }
0x79: {  	[sflag:s15] =	ssyncadd.s32 $0xFFFFE0C0  }
0x7a: {  	s28 =	simm.s32 $0x0;
	[bflag:$0x0] =	sbarrier.arrive $0xFFFF  }
0x7b: {  	[tilespmem:s18], [sflag:$0x1] =	stream.indirect.gather [hbm4b:s4+s19], $0x40, s28, s19, $0xb8;
	[tilespmem:$0x1BBC0] =	vst v63  }
0x7c: {  	s8 =	simm.s32 $0x80  }
0x7d: {  	[tilespmem:s21], [sflag:$0x2] =	stream.indirect.gather [hbm4b:s4+s19], $0x40, s8, s19, $0xb8;
	[tilespmem:$0x1BBC0] =	vst v63  }
0x7e: {  	_ =	swait.ge [sflag:s22], $0x1F40  }
0x7f: {  	[sflag:s22] =	ssyncset.done $0x0  }
0x80: {  	[sflag:s22] =	ssyncadd.s32 $0xFFFFE0C0  }
0x81: {  	[spmem:s2] =	stream.indirect.scatter.add.f32 [tilespmem:s18], [sflag:$0x5], $0x40, s16, s19, $0xb8;
	[tilespmem:$0x1BBC0] =	vst v63  }
0x82: {  	s13 =	simm.s32 $0x100  }
0x83: {  	[tilespmem:s24], [sflag:$0x3] =	stream.indirect.gather [hbm4b:s4+s19], $0x40, s13, s19, $0xb8;
	[tilespmem:$0x1BBC0] =	vst v63  }
0x84: {  	_ =	swait.ge [sflag:s25], $0x1F40  }
0x85: {  	[sflag:s25] =	ssyncset.done $0x0  }
0x86: {  	s8 =	simm.s32 $0x5080;
	[sflag:s25] =	ssyncadd.s32 $0xFFFFE0C0  }
0x87: {  	[spmem:s2] =	stream.indirect.scatter.add.f32 [tilespmem:s21], [sflag:$0x6], $0x40, s8, s19, $0xb8;
	[tilespmem:$0x1BBC0] =	vst v63  }
0x88: {  	s13 =	simm.s32 $0x180  }
0x89: {  	[tilespmem:s29], [sflag:$0x4] =	stream.indirect.gather [hbm4b:s4+s19], $0x40, s13, s19, $0xb8;
	[tilespmem:$0x1BBC0] =	vst v63  }
0x8a: {  	_ =	swait.ge [sflag:s30], $0x1F40  }
0x8b: {  	[sflag:s30] =	ssyncset.done $0x0  }
0x8c: {  	s8 =	simm.s32 $0x5100;
	[sflag:s30] =	ssyncadd.s32 $0xFFFFE0C0  }
0x8d: {  	[spmem:s2] =	stream.indirect.scatter.add.f32 [tilespmem:s24], [sflag:$0x7], $0x40, s8, s19, $0xb8;
	[tilespmem:$0x1BBC0] =	vst v63  }
0x8e: {  	_ =	swait.ge [sflag:s0], $0x1F40  }
0x8f: {  	[sflag:s0] =	ssyncset.done $0x0  }
0x90: {  	s13 =	simm.s32 $0x200;
	[sflag:s0] =	ssyncadd.s32 $0xFFFFE0C0  }
0x91: {  	[tilespmem:s18], [sflag:$0x1] =	stream.indirect.gather [hbm4b:s4+s19], $0x40, s13, s19, $0xb8;
	[tilespmem:$0x1BBC0] =	vst v63  }
0x92: {  	_ =	swait.ge [sflag:s20], $0x1F40  }
0x93: {  	[sflag:s20] =	ssyncset.done $0x0  }
0x94: {  	s8 =	simm.s32 $0x5180;
	[sflag:s20] =	ssyncadd.s32 $0xFFFFE0C0  }
0x95: {  	[spmem:s2] =	stream.indirect.scatter.add.f32 [tilespmem:s29], [sflag:$0x8], $0x40, s8, s19, $0xb8;
	[tilespmem:$0x1BBC0] =	vst v63  }
0x96: {  	_ =	swait.ge [sflag:s26], $0x1F40  }
0x97: {  	[sflag:s26] =	ssyncset.done $0x0  }
0x98: {  	s13 =	simm.s32 $0x280;
	[sflag:s26] =	ssyncadd.s32 $0xFFFFE0C0  }
0x99: {  	[tilespmem:s21], [sflag:$0x2] =	stream.indirect.gather [hbm4b:s4+s19], $0x40, s13, s19, $0xb8;
	[tilespmem:$0x1BBC0] =	vst v63  }
.LBB2_4:
0x9a: {  	_ =	swait.ge [sflag:s22], $0x1F40  }
0x9b: {  	s7 =	sshra.s32 s28, $0x2;
	[sflag:s22] =	ssyncset.done $0x0  }
0x9c: {  	s8 =	sadd.s32 $0x5200, s7;
	[sflag:s22] =	ssyncadd.s32 $0xFFFFE0C0  }
0x9d: {  	[spmem:s2] =	stream.indirect.scatter.add.f32 [tilespmem:s18], [sflag:$0x5], $0x40, s8, s19, $0xb8;
	[tilespmem:$0x1BBC0] =	vst v63  }
0x9e: {  	_ =	swait.ge [sflag:s31], $0x1F40  }
0x9f: {  	[sflag:s31] =	ssyncset.done $0x0  }
0xa0: {  	s13 =	sadd.s32 $0x300, s7;
	[sflag:s31] =	ssyncadd.s32 $0xFFFFE0C0  }
0xa1: {  	[tilespmem:s24], [sflag:$0x3] =	stream.indirect.gather [hbm4b:s4+s19], $0x40, s13, s19, $0xb8;
	[tilespmem:$0x1BBC0] =	vst v63  }
0xa2: {  	_ =	swait.ge [sflag:s25], $0x1F40  }
0xa3: {  	[sflag:s25] =	ssyncset.done $0x0  }
0xa4: {  	s13 =	sadd.s32 $0x5280, s7;
	[sflag:s25] =	ssyncadd.s32 $0xFFFFE0C0  }
0xa5: {  	[spmem:s2] =	stream.indirect.scatter.add.f32 [tilespmem:s21], [sflag:$0x6], $0x40, s13, s19, $0xb8;
	[tilespmem:$0x1BBC0] =	vst v63  }
0xa6: {  	_ =	swait.ge [sflag:s1], $0x1F40  }
0xa7: {  	[sflag:s1] =	ssyncset.done $0x0  }
0xa8: {  	p0 =	seq.s32 s28, $0x13000;
	s13 =	sadd.s32 $0x380, s7;
	[sflag:s1] =	ssyncadd.s32 $0xFFFFE0C0  }
0xa9: {  	[tilespmem:s29], [sflag:$0x4] =	stream.indirect.gather [hbm4b:s4+s19], $0x40, s13, s19, $0xb8;
	[tilespmem:$0x1BBC0] =	vst v63  }
.Ltmp3:
0xaa: {  	_ = 	snop;
	(pc) =	sbr.rel @p0 .LBB2_6-.Ltmp3, $4  }
0xab: {  	_ =	swait.ge [sflag:s30], $0x1F40  }
0xac: {  	[sflag:s30] =	ssyncset.done $0x0  }
0xad: {  	s8 =	sadd.s32 $0x5380, s7;
	s13 =	sadd.s32 $0x5300, s7;
	[sflag:s30] =	ssyncadd.s32 $0xFFFFE0C0  }
0xae: {  	[spmem:s2] =	stream.indirect.scatter.add.f32 [tilespmem:s24], [sflag:$0x7], $0x40, s13, s19, $0xb8;
	[tilespmem:$0x1BBC0] =	vst v63  }
0xaf: {  	_ =	swait.ge [sflag:s0], $0x1F40  }
0xb0: {  	[sflag:s0] =	ssyncset.done $0x0  }
0xb1: {  	s13 =	sadd.s32 $0x400, s7;
	[sflag:s0] =	ssyncadd.s32 $0xFFFFE0C0  }
0xb2: {  	[tilespmem:s18], [sflag:$0x1] =	stream.indirect.gather [hbm4b:s4+s19], $0x40, s13, s19, $0xb8;
	[tilespmem:$0x1BBC0] =	vst v63  }
0xb3: {  	_ =	swait.ge [sflag:s20], $0x1F40  }
0xb4: {  	[sflag:s20] =	ssyncset.done $0x0  }
0xb5: {  	[sflag:s20] =	ssyncadd.s32 $0xFFFFE0C0  }
0xb6: {  	[spmem:s2] =	stream.indirect.scatter.add.f32 [tilespmem:s29], [sflag:$0x8], $0x40, s8, s19, $0xb8;
	[tilespmem:$0x1BBC0] =	vst v63  }
.Ltmp4:
0xb7: {  	_ = 	snop;
	(pc) =	sbr.rel .LBB2_4-.Ltmp4, $4  }
0xb8: {  	_ =	swait.ge [sflag:s26], $0x1F40  }
0xb9: {  	[sflag:s26] =	ssyncset.done $0x0  }
0xba: {  	s28 =	sadd.s32 $0x800, s28;
	s13 =	sadd.s32 $0x480, s7;
	[sflag:s26] =	ssyncadd.s32 $0xFFFFE0C0  }
0xbb: {  	[tilespmem:s21], [sflag:$0x2] =	stream.indirect.gather [hbm4b:s4+s19], $0x40, s13, s19, $0xb8;
	[tilespmem:$0x1BBC0] =	vst v63  }
.LBB2_7:
0xbc: {  	_ =	sfence.sel $0x180000  }
0xbd: {  	[bflag:$0x0] =	sbarrier.arrive $0xFFFF  }
0xbe: {  	_ =	strace $0x9000004D  }
0xbf: {  	s0 =	stileid.u32;
	[bflag:$0x2] =	sbarrier.arrive $0xFFFF  }
0xc0: {  	p0 =	sne.s32 s0, $0x0;
	s0 =	rddreg [dreg:$0x2]  }
0xc1: {  	s0 =	sadd.s32 @!p0 $0x100000, s0  }
0xc2: {  	[sflag:s0] =	ssyncadd.tile.s32 @!p0 $0x1;
	_ =	shalt  }
.Lfunc_end2:
_tile_overlayer_lowered:
.L_overlay_start_2:
0xc3: {  	(tag) =	ssettag $0x2  }
0xc4: {  	s0 =	rddreg [dreg:$0x0];
	s2 =	stileid.u32  }
0xc5: {  	s1 =	rddreg [dreg:$0x1];
	p0 =	sne.s32 s2, $0x0  }
0xc6: {  	s3 =	rddreg [dreg:$0x2];
	[bflag:$0x3] =	sbarrier.arrive $0xFFFF;
	s2 =	simm.s32 @!p0 $0x1C09  }
0xc7: {  	[timem:s3], [sflag:s2] =	dma.local @!p0 [hbm:s0], s1  }
0xc8: {  	s0 =	simm.s32 @!p0 $0x9  }
0xc9: {  	_ =	swait.ge @!p0 [sflag:s0], s1  }
0xca: {  	s1 =	ssub.s32 @!p0 $0x0, s1;
	[sflag:s0] =	ssyncset.done @!p0 $0x0  }
0xcb: {  	[sflag:s0] =	ssyncadd.s32 @!p0 s1  }
0xcc: {  	[bflag:$0x3] =	sbarrier.arrive $0xFFFF  }
0xcd: {  	_ =	shalt  }

// kernel: kernel.8.cloned.1.call-start
scs
__scs_entry_jumppad:
0x0: {  	(pc) =	sbr.rel $0x88, $3  }
0x1: {  	(tag) =	ssettag $0x0;
	lr =	simm.s32 $0x1  }
0x2: {  	[smem:$0x3F8A] =	sst lr;
	_ =	strace $0xD0000000  }
0x3: {  	_ = 	snop  }
0x4: {  	_ = 	snop  }
0x5: {  	_ = 	snop  }
0x6: {  	_ = 	snop  }
0x7: {  	_ = 	snop  }
__scs_overlays_trampoline_lowered:
0x8: {  	[smem:$0x3F99] =	sst s0  }
0x9: {  	[smem:$0x3F9A] =	sst s1  }
0xa: {  	[smem:$0x3F9B] =	sst s2  }
0xb: {  	[smem:$0x3F9C] =	sst s3  }
0xc: {  	[smem:$0x3F9D] =	sst s4  }
0xd: {  	[smem:$0x3F9E] =	sst s5  }
0xe: {  	[smem:$0x3F9F] =	sst s6  }
0xf: {  	[smem:$0x3FA0] =	sst s7  }
0x10: {  	[smem:$0x3FA1] =	sst s8  }
0x11: {  	[smem:$0x3FA2] =	sst s9;
	s0 =	simm.s32 @!p0 $0x0  }
0x12: {  	s1 =	sld [smem:$0x3F88];
	s0 =	simm.s32 @p0 $0x1  }
0x13: {  	[smem:$0x3FA3] =	sst s0;
	s0 =	simm.s32 @!p1 $0x0  }
0x14: {  	s2 =	sld [smem:$0x3F87];
	s0 =	simm.s32 @p1 $0x1  }
0x15: {  	[smem:$0x3FA4] =	sst s0;
	s0 =	simm.s32 @!p2 $0x0  }
0x16: {  	s3 =	sld [smem:$0x3FDB];
	s0 =	simm.s32 @p2 $0x1  }
0x17: {  	s4 =	simm.s32 $0x1BF5;
	[smem:$0x3FA6] =	sst s0  }
0x18: {  	s0 =	sld [smem:$0x3F89];
	_ =	swait.ge [sflag:s4], $0x0  }
0x19: {  	s7 =	sld [smem:$0x3F8A]  }
0x1a: {  	s8 =	sadd.s32 $0xFFFFE003, lr  }
0x1b: {  	s9 =	sadd.s32 $0xFFFFFEF7, lr;
	s5 =	simm.s32 $0xFFFFFFFF;
	p2 =	slt.u32 s8, $0xFFFFF086  }
0x1c: {  	p1 =	slt.u32 s9, $0xF7A;
	s5 =	simm.s32 @!p2 $0x0  }
0x1d: {  	s5 =	simm.s32 @p1 $0x1;
	p0 =	seq.s32 s7, s2  }
0x1e: {  	s7 =	smul.u32 @!p0 $0xF7A, s2;
	p2 =	seq.s32 @!p0 s5, $0x0  }
0x1f: {  	s9 =	smul.u32 $0xF7A, s1;
	s8 =	simm.s32 @!p0 $0x1BF5;
	p2 =	por !p2, p0  }
0x20: {  	[sflag:s8] =	ssyncset.s32 @!p0 $0xFFFFF086;
	s6 =	sadd.s32 @!p0 s3, s7;
	s7 =	simm.s32 @!p0 $0x108  }
0x21: {  	s3 =	sadd.s32 s3, s9;
	s6 =	sadd.s32 @!p0 $0x88, s6;
	s7 =	simm.s32 @p2 $0x1082  }
0x22: {  	[simem:s7], [sflag:s8] =	dma.local @!p0 [hbm:s6], $0xF7A  }
0x23: {  	s9 =	sor.u32 $0xD0000000, s2;
	s6 =	simm.s32 $0x108;
	_ =	swait.ge @!p0 [sflag:s8], $0x0  }
0x24: {  	s3 =	sadd.s32 $0x88, s3;
	s6 =	simm.s32 @!p1 $0x1082;
	[sflag:s4] =	ssyncset.s32 $0xFFFFF086  }
0x25: {  	[simem:s6], [sflag:s4] =	dma.local [hbm:s3], $0xF7A  }
0x26: {  	[smem:$0x3F8A] =	sst s1;
	(tag) =	ssettag s2;
	_ =	strace s9  }
0x27: {  	s1 =	sld [smem:$0x3F9A]  }
0x28: {  	s2 =	sld [smem:$0x3F9B]  }
0x29: {  	s4 =	sld [smem:$0x3F9D]  }
0x2a: {  	p0 =	seq.s32 s5, $0x0;
	s5 =	sld [smem:$0x3F9E]  }
0x2b: {  	s6 =	sld [smem:$0x3F9F]  }
0x2c: {  	s7 =	sld [smem:$0x3FA0]  }
0x2d: {  	s3 =	simm.s32 $0x108;
	s8 =	sld [smem:$0x3FA1]  }
0x2e: {  	s3 =	simm.s32 @!p0 $0x1082;
	s9 =	sld [smem:$0x3FA2]  }
0x2f: {  	lr =	sadd.s32 s0, s3;
	s0 =	sld [smem:$0x3F99]  }
0x30: {  	s3 =	sld [smem:$0x3F9C]  }
0x31: {  	[smem:$0x3FA5] =	sst s10  }
0x32: {  	s10 =	sld [smem:$0x3FA3];
	_ =	sdelay $0x3  }
0x33: {  	p0 =	seq.s32 s10, $0x1;
	s10 =	sld [smem:$0x3FA5];
	_ =	sdelay $0x3  }
0x34: {  	[smem:$0x3FA5] =	sst s10  }
0x35: {  	s10 =	sld [smem:$0x3FA4];
	_ =	sdelay $0x3  }
0x36: {  	p1 =	seq.s32 s10, $0x1;
	s10 =	sld [smem:$0x3FA5];
	_ =	sdelay $0x3  }
0x37: {  	[smem:$0x3FA5] =	sst s10  }
0x38: {  	s10 =	sld [smem:$0x3FA6]  }
0x39: {  	_ = 	snop;
	(pc) =	sbr.ind lr, $3  }
0x3a: {  	_ = 	snop  }
0x3b: {  	_ = 	snop  }
0x3c: {  	p2 =	seq.s32 s10, $0x1;
	s10 =	sld [smem:$0x3FA5]  }
0x3d: {  	_ =	shalt  }
0x3e: {  	_ =	shalt  }
0x3f: {  	_ =	shalt  }
0x40: {  	_ =	shalt  }
0x41: {  	_ =	shalt  }
0x42: {  	_ =	shalt  }
0x43: {  	_ =	shalt  }
0x44: {  	_ =	shalt  }
0x45: {  	_ =	shalt  }
0x46: {  	_ =	shalt  }
0x47: {  	_ =	shalt  }
0x48: {  	_ =	shalt  }
0x49: {  	_ =	shalt  }
0x4a: {  	_ =	shalt  }
0x4b: {  	_ =	shalt  }
0x4c: {  	_ =	shalt  }
0x4d: {  	_ =	shalt  }
0x4e: {  	_ =	shalt  }
0x4f: {  	_ =	shalt  }
0x50: {  	_ =	shalt  }
0x51: {  	_ =	shalt  }
0x52: {  	_ =	shalt  }
0x53: {  	_ =	shalt  }
0x54: {  	_ =	shalt  }
0x55: {  	_ =	shalt  }
0x56: {  	_ =	shalt  }
0x57: {  	_ =	shalt  }
0x58: {  	_ =	shalt  }
0x59: {  	_ =	shalt  }
0x5a: {  	_ =	shalt  }
0x5b: {  	_ =	shalt  }
0x5c: {  	_ =	shalt  }
0x5d: {  	_ =	shalt  }
0x5e: {  	_ =	shalt  }
0x5f: {  	_ =	shalt  }
0x60: {  	_ =	shalt  }
0x61: {  	_ =	shalt  }
0x62: {  	_ =	shalt  }
0x63: {  	_ =	shalt  }
0x64: {  	_ =	shalt  }
0x65: {  	_ =	shalt  }
0x66: {  	_ =	shalt  }
0x67: {  	_ =	shalt  }
0x68: {  	_ =	shalt  }
0x69: {  	_ =	shalt  }
0x6a: {  	_ =	shalt  }
0x6b: {  	_ =	shalt  }
0x6c: {  	_ =	shalt  }
0x6d: {  	_ =	shalt  }
0x6e: {  	_ =	shalt  }
0x6f: {  	_ =	shalt  }
0x70: {  	_ =	shalt  }
0x71: {  	_ =	shalt  }
0x72: {  	_ =	shalt  }
0x73: {  	_ =	shalt  }
0x74: {  	_ =	shalt  }
0x75: {  	_ =	shalt  }
0x76: {  	_ =	shalt  }
0x77: {  	_ =	shalt  }
0x78: {  	_ =	shalt  }
0x79: {  	_ =	shalt  }
0x7a: {  	_ =	shalt  }
0x7b: {  	_ =	shalt  }
0x7c: {  	_ =	shalt  }
0x7d: {  	_ =	shalt  }
0x7e: {  	_ =	shalt  }
0x7f: {  	_ =	shalt  }
0x80: {  	_ =	shalt  }
0x81: {  	_ =	shalt  }
0x82: {  	_ =	shalt  }
0x83: {  	_ =	shalt  }
0x84: {  	_ =	shalt  }
0x85: {  	_ =	shalt  }
0x86: {  	_ =	shalt  }
0x87: {  	_ =	shalt  }
.Lfunc_end0:
.L_simem_size_0:
called_computation_lowered:
.L_overlay_start_0:
0x88: {  	s2 =	sld [smem:$0x3FD9]  }
0x89: {  	s3 =	sld [smem:$0x3FFE];
	_ =	sdelay $0x1  }
0x8a: {  	s1 =	srdreg.scid  }
0x8b: {  	s0 =	sand.u32 $0x1, s1  }
0x8c: {  	s14 =	sshll.u32 s0, $0xA;
	s2 =	sadd.s32 s3, s2  }
0x8d: {  	s2 =	sadd.s32 s2, s14  }
0x8e: {  	[smem:$0x3FB1] =	sst s2  }
0x8f: {  	_ = 	snop  }
0x90: {  	s2 =	sld [smem:$0x3FD0];
	_ =	sdelay $0x2  }
0x91: {  	s15 =	simm.s32 $0xA;
	s4 =	simm.s32 $0x10  }
0x92: {  	[smem:s4], [sflag:s15] =	dma.local [hbm:s2], $0x1  }
0x93: {  	_ =	swait.eq [sflag:s15], $0x1  }
0x94: {  	[sflag:s15] =	ssyncset.done $0x0  }
0x95: {  	[sflag:s15] =	ssyncadd.s32 $0xFFFFFFFF  }
0x96: {  	s16 =	sld [smem:$0x13];
	(tm) =	ssettm $0x1  }
0x97: {  	s17 =	sld [smem:$0x3FFB];
	_ =	sdelay $0x3  }
0x98: {  	_ =	strace s17  }
0x99: {  	s3 =	sld [smem:$0x3FFC];
	_ =	sdelay $0x3  }
0x9a: {  	_ =	strace s3  }
0x9b: {  	s3 =	sld [smem:$0x3FFD];
	_ =	sdelay $0x3  }
0x9c: {  	_ =	strace s3  }
0x9d: {  	_ =	strace $0x8FFFFFFF  }
0x9e: {  	s18 =	sld [smem:$0x3FDB];
	_ =	sdelay $0x1  }
0x9f: {  	s19 =	simm.s32 $_scs_section_size  }
0xa0: {  	s5 =	simm.s32 $_size__tile_overlayer_lowered;
	s6 =	simm.s32 $_tile_overlayer_lowered  }
0xa1: {  	s22 =	simm.s32 $0x1BFF;
	s21 =	sshll.u32 s6, $0x1;
	s3 =	sadd.s32 s19, s18  }
0xa2: {  	s7 =	simm.s32 $0x0;
	s20 =	sshll.u32 s5, $0x1;
	s5 =	sadd.s32 s21, s3  }
0xa3: {  	[timem:s7], [sflag:s22] =	dma.local [hbm:s5], s20  }
0xa4: {  	_ =	swait.ge [sflag:s22], s20  }
0xa5: {  	s4 =	ssub.s32 $0x0, s20;
	[sflag:s22] =	ssyncset.done $0x0  }
0xa6: {  	[sflag:s22] =	ssyncadd.s32 s4;
	_ =	sdelay $0x1  }
0xa7: {  	s23 =	simm.s32 $0x1B8B  }
0xa8: {  	_ =	swait.ge [sflag:s23], $0x1  }
0xa9: {  	[sflag:s23] =	ssyncset.done $0x0  }
0xaa: {  	s25 =	simm.s32 $0x1B8E;
	s24 =	sld [smem:$0x3FFE];
	[sflag:s23] =	ssyncadd.s32 $0xFFFFFFFF  }
0xab: {  	s26 =	simm.s32 $execute0_lowered;
	[smem:$0x3FD2] =	sst s25  }
0xac: {  	s5 =	sshll.u32 s26, $0x1;
	_ =	strace $0x80000046;
	[dreg:$0x1] =	wrdreg $0xFFFFFFFF  }
0xad: {  	s28 =	simm.s32 $_size_execute0_lowered;
	s3 =	sadd.s32 s3, s5;
	[dreg:$0x0] =	wrdreg $0x0  }
0xae: {  	s5 =	sshll.u32 s28, $0x1;
	[dreg:$0x2] =	wrdreg s3  }
0xaf: {  	[dreg:$0x3] =	wrdreg s5  }
0xb0: {  	[dreg:$0x4] =	wrdreg $0xC0  }
0xb1: {  	_ =	task [dreg:s7], $0x5FFFF  }
0xb2: {  	[dreg:$0x1] =	wrdreg $0xFFFFFFFF  }
0xb3: {  	[dreg:$0x0] =	wrdreg $0x60  }
0xb4: {  	[dreg:$0x2] =	wrdreg s24  }
0xb5: {  	[dreg:$0x3] =	wrdreg s16  }
0xb6: {  	[dreg:$0x4] =	wrdreg $0x50800  }
0xb7: {  	[dreg:$0x5] =	wrdreg $0x9  }
0xb8: {  	_ =	task.clear_ibuf [dreg:s7], $0x6FFFF;
	_ =	strace $0x90000046  }
0xb9: {  	s29 =	simm.s32 $0x9;
	_ =	strace $0x80000048  }
0xba: {  	_ =	swait.ge [sflag:s29], $0x1  }
0xbb: {  	[sflag:s29] =	ssyncadd.s32 $0xFFFFFFFF  }
0xbc: {  	_ =	strace $0x90000048  }
0xbd: {  	_ =	sfence  }
0xbe: {  	s30 =	sld [smem:$0x0];
	_ =	sdelay $0x2  }
0xbf: {  	s31 =	sshll.u32 s1, $0xD;
	s1 =	sshrl.u32 s1, $0x2  }
0xc0: {  	s3 =	sand.u32 $0x4000, s31;
	s1 =	sadd.s32 s1, s30  }
0xc1: {  	s0 =	sor.u32 s3, s0;
	s1 =	sshll.u32 s1, $0x11  }
0xc2: {  	s0 =	sor.u32 s1, s0  }
0xc3: {  	s0 =	sadd.s32 $0x8F2B, s0  }
0xc4: {  	[sflag:s0] =	ssyncadd.remote.s32 $0x1  }
0xc5: {  	_ =	sfence.sel $0xFFFF  }
0xc6: {  	[dreg:$0x0] =	wrdreg $0xFFFFFFFF;
	(pc) =	sbr.abs _section_cstart, $3  }
0xc7: {  	[dreg:$0x1] =	wrdreg $0xFFFFFFFF  }
0xc8: {  	_ =	task.clear_ibuf [dreg:s7], $0x2FFFF;
	_ =	strace $0x9FFFFFFF  }
0xc9: {  	(tm) =	ssettm $0x7FFFFFFF  }
tec
execute0_lowered:
.L_overlay_start_1:
0x0: {  	(tag) =	ssettag $0x1  }
0x1: {  	s4 =	rddreg [dreg:$0x0]  }
0x2: {  	s1 =	rddreg [dreg:$0x1]  }
0x3: {  	s2 =	rddreg [dreg:$0x2]  }
0x4: {  	s0 =	rddreg [dreg:$0x3]  }
0x5: {  	s7 =	stileid.u32;
	s5 =	srdreg.scid;
	s3 =	simm.s32 $0x0  }
0x6: {  	s11 =	simm.s32 $0x5000;
	s12 =	simm.s32 $0x0;
	s6 =	smul.u32 $0xA00, s7  }
0x7: {  	s5 =	sand.u32 $0x1, s5;
	[smem:$0x7FF] =	sst s3;
	p0 =	sne.s32 s7, $0x0  }
0x8: {  	s8 =	smul.u32 $0x4E2, s5;
	_ =	strace $0x80000047;
	s9 =	ssub.s32 $0x2, s5  }
0x9: {  	s10 =	smul.u32 $0xA000, s5;
	s6 =	sadd.s32 s6, s4;
	s31 =	sshrl.u32 s9, $0x1  }
0xa: {  	s8 =	sadd.s32 s8, s4;
	s9 =	ssub.s32 s9, s31;
	s4 =	sadd.s32 $0x4200, s6  }
0xb: {  	s7 =	sshrl.u32 s10, $0x2;
	s10 =	simm.s32 $0x7D;
	s5 =	sadd.s32 $0xE200, s8  }
0xc: {  	v0 =	vimm.f32 $1.000000000e+00;
	s6 =	smax.u32 s9, $0x1;
	s8 =	sshrl.u32 @!p0 s2, $0x3;
	s9 =	simm.s32 $0x1  }
.LBB2_1:
0xd: {  	[tilespmem:$0x5000] =	vst v0  }
0xe: {  	[tilespmem:$0x5010] =	vst v0  }
0xf: {  	[tilespmem:$0x5020] =	vst v0  }
0x10: {  	[tilespmem:$0x5030] =	vst v0  }
0x11: {  	[tilespmem:$0x5040] =	vst v0  }
0x12: {  	[tilespmem:$0x5050] =	vst v0  }
0x13: {  	[tilespmem:$0x5060] =	vst v0  }
0x14: {  	[tilespmem:$0x5070] =	vst v0;
	s13 =	simm.s32 @!p0 $0x1C01  }
0x15: {  	[spmem:s8], [sflag:s13] =	dma.local @!p0 [hbm:s1], $0x4E2  }
0x16: {  	s13 =	simm.s32 @!p0 $0x1  }
0x17: {  	_ =	swait.ge @!p0 [sflag:s13], $0x4E2  }
0x18: {  	[sflag:s13] =	ssyncset.done @!p0 $0x0  }
0x19: {  	[sflag:s13] =	ssyncadd.s32 @!p0 $0xFFFFFB1E  }
0x1a: {  	[tilespmem:s3], [sflag:$0x1] =	stream.linear.gather [hbm4b:s4+s3], $0x5000, $0x38;
	[tilespmem:$0x52F8] =	vst v63  }
0x1b: {  	_ =	swait.ge [sflag:s9], $0x5000  }
0x1c: {  	[sflag:s9] =	ssyncset.done $0x0  }
0x1d: {  	[sflag:s9] =	ssyncadd.s32 $0xFFFFB000  }
0x1e: {  	s31 =	sadd.s32 $0x0, s7;
	[bflag:$0x0] =	sbarrier.arrive $0xFFFF  }
0x1f: {  	[spmem:s2] =	stream.indirect.scatter.add.f32 [tilespmem:s11], [sflag:$0x1], $0x1, s31, s10, $0xb8;
	[tilespmem:$0x52F8] =	vst v63  }
0x20: {  	s13 =	simm.s32 $0x200;
	_ =	swait.ge [sflag:s9], $0x7D  }
.LBB2_2:
0x21: {  	s14 =	sshra.s32 s13, $0x2;
	[sflag:s9] =	ssyncset.done $0x0;
	p1 =	sne.s32 s13, $0x9E00  }
.Ltmp0:
0x22: {  	s14 =	sadd.s32 s14, s7;
	[sflag:s9] =	ssyncadd.s32 $0xFFFFFF83;
	(pc) =	sbr.rel @p1 .LBB2_2-.Ltmp0, $3  }
0x23: {  	[spmem:s2] =	stream.indirect.scatter.add.f32 [tilespmem:s11], [sflag:$0x1], $0x1, s14, s10, $0xb8;
	[tilespmem:$0x52F8] =	vst v63  }
0x24: {  	s13 =	sadd.s32 $0x200, s13;
	_ =	sdelay $0x1  }
0x25: {  	_ =	swait.ge [sflag:s9], $0x7D  }
0x26: {  	[sflag:s9] =	ssyncset.done $0x0  }
0x27: {  	s12 =	sadd.s32 $0x1, s12;
	[sflag:s9] =	ssyncadd.s32 $0xFFFFFF83  }
0x28: {  	s13 =	simm.s32 @!p0 $0x1C01;
	p1 =	sne.s32 s12, s6;
	[bflag:$0x0] =	sbarrier.arrive $0xFFFF  }
0x29: {  	[hbm:s5], [sflag:s13] =	dma.local @!p0 [spmem:s8], $0x4E2  }
.Ltmp1:
0x2a: {  	_ = 	snop;
	(pc) =	sbr.rel @p1 .LBB2_1-.Ltmp1, $4  }
0x2b: {  	s13 =	simm.s32 @!p0 $0x1  }
0x2c: {  	_ =	swait.ge @!p0 [sflag:s13], $0x4E2  }
0x2d: {  	[sflag:s13] =	ssyncset.done @!p0 $0x0  }
0x2e: {  	[sflag:s13] =	ssyncadd.s32 @!p0 $0xFFFFFB1E  }
0x2f: {  	_ =	sfence.sel $0x180000  }
0x30: {  	[bflag:$0x0] =	sbarrier.arrive $0xFFFF  }
0x31: {  	_ =	strace $0x90000047  }
0x32: {  	s0 =	sadd.s32 @!p0 $0x100000, s0;
	[bflag:$0x2] =	sbarrier.arrive $0xFFFF  }
0x33: {  	[sflag:s0] =	ssyncadd.tile.s32 @!p0 $0x1;
	_ =	shalt  }
.Lfunc_end2:
_tile_overlayer_lowered:
.L_overlay_start_2:
0x34: {  	(tag) =	ssettag $0x2  }
0x35: {  	s0 =	rddreg [dreg:$0x0];
	s2 =	stileid.u32  }
0x36: {  	s1 =	rddreg [dreg:$0x1];
	p0 =	sne.s32 s2, $0x0  }
0x37: {  	s3 =	rddreg [dreg:$0x2];
	[bflag:$0x3] =	sbarrier.arrive $0xFFFF;
	s2 =	simm.s32 @!p0 $0x1C01  }
0x38: {  	[timem:s3], [sflag:s2] =	dma.local @!p0 [hbm:s0], s1  }
0x39: {  	s0 =	simm.s32 @!p0 $0x1  }
0x3a: {  	_ =	swait.ge @!p0 [sflag:s0], s1  }
0x3b: {  	s1 =	ssub.s32 @!p0 $0x0, s1;
	[sflag:s0] =	ssyncset.done @!p0 $0x0  }
0x3c: {  	[sflag:s0] =	ssyncadd.s32 @!p0 s1  }
0x3d: {  	[bflag:$0x3] =	sbarrier.arrive $0xFFFF  }
0x3e: {  	_ =	shalt  }

</sc_bundles>
